<compile_context>
chip_gen: v7x
topology: tpu7x:2x2x1
jax: 0.10.2.dev20260603
libtpu: 0.0.44.dev20260713+nightly
codegen_flags: <defaults>
</compile_context>

<pallas_src>
import functools

import jax
import jax.numpy as jnp
from jax import lax
from jax.experimental import pallas as pl
from jax.experimental.pallas import tpu as pltpu
from jax.experimental.pallas import tpu_sc as plsc

B = 16384
S = 200
E = 32
V = 1000000
NCLS = 10
NP = 16

NC = 2
NS = 16
NW = NC * NS
BPW = B // NW
CH = 128
NQ = BPW // CH
NBUF = 16

BLKV = 16384
VPAD = ((V + BLKV - 1) // BLKV) * BLKV


def _tc_repack_table(table_t, w2t):

  def body(x_ref, w_ref, o_ref):
    x = x_ref[...]
    pt = jnp.dot(w_ref[...], x, preferred_element_type=jnp.float32)
    x8 = jnp.concatenate(
        [pt[:, c * (BLKV // 8):(c + 1) * (BLKV // 8)] for c in range(8)],
        axis=0)
    o_ref[...] = jnp.transpose(x8)

  return pl.pallas_call(
      body,
      grid=(pl.cdiv(V, BLKV),),
      in_specs=[
          pl.BlockSpec((E, BLKV), lambda i: (0, i)),
          pl.BlockSpec((NP, E), lambda i: (0, 0)),
      ],
      out_specs=pl.BlockSpec((BLKV // 8, 128), lambda i: (i, 0)),
      out_shape=jax.ShapeDtypeStruct((VPAD * NP // 128, 128), jnp.float32),
  )(table_t, w2t)


def _permute_idx(v):
  vm = v & (BLKV - 1)
  return ((v >> 14) << 14) + ((vm & 2047) << 3) + (vm >> 11)


def _tc_permute_text(text_t):
  BLKS = 40

  def body(x_ref, o_ref):
    x = _permute_idx(x_ref[...])
    o_ref[...] = x.reshape(BLKS * B // 128, 128)

  return pl.pallas_call(
      body,
      grid=(S // BLKS,),
      in_specs=[pl.BlockSpec((BLKS, B), lambda i: (i, 0))],
      out_specs=pl.BlockSpec((BLKS * B // 128, 128), lambda i: (i, 0)),
      out_shape=jax.ShapeDtypeStruct((S * B // 128, 128), jnp.int32),
  )(text_t)


def _sc_embed_head(ptab, textp, b16):
  mesh = plsc.VectorSubcoreMesh(
      core_axis_name="c", subcore_axis_name="s", num_cores=NC,
      num_subcores=NS)

  @functools.partial(
      pl.kernel,
      out_type=jax.ShapeDtypeStruct((B, NP), jnp.float32),
      mesh=mesh,
      scratch_types=[
          pltpu.VMEM((2, S, 128), jnp.int32),
          pltpu.VMEM((BPW, NP), jnp.float32),
          pltpu.VMEM((16,), jnp.float32),
          pltpu.SemaphoreType.DMA,
          pltpu.SemaphoreType.DMA,
      ],
      compiler_params=pltpu.CompilerParams(
          use_tc_tiling_on_sc=False, needs_layout_passes=False),
  )
  def body(ptab_hbm, text_hbm, b_hbm, out_hbm, idx_v, acc_v, b_v,
           sem_idx, sem_g):
    wid = lax.axis_index("s") * NC + lax.axis_index("c")
    base = wid * BPW

    pltpu.async_copy(b_hbm, b_v, sem_idx).wait()

    zeros = jnp.zeros((16,), jnp.float32)

    def zbody(i, carry):
      acc_v[i, pl.ds(0, 16)] = zeros
      return carry

    lax.fori_loop(0, BPW, zbody, 0, unroll=8)

    def stage(q):
      return pltpu.async_copy(
          text_hbm.at[:, wid * NQ + q, :],
          idx_v.at[q % 2], sem_idx)

    stage(0).wait()
    for q in range(NQ):
      if q + 1 < NQ:
        stage(q + 1)

      buf = idx_v.at[q % 2]

      def fire(s, q=q, buf=buf):
        pltpu.async_copy(
            ptab_hbm.at[buf.at[s]],
            acc_v.at[pl.ds(q * CH, CH)],
            sem_g, add=True)

      def drain_one():
        pltpu.make_async_copy(
            ptab_hbm.at[idx_v.at[0, 0]],
            acc_v.at[pl.ds(0, CH)], sem_g).wait()

      for j in range(NBUF):
        fire(jnp.int32(j))

      def gbody(s, carry):
        drain_one()
        fire(s)
        return carry

      lax.fori_loop(NBUF, S, gbody, 0)
      for j in range(NBUF):
        drain_one()

      if q + 1 < NQ:
        pltpu.make_async_copy(
            text_hbm.at[:, 0, :], idx_v.at[0], sem_idx).wait()

    bvec = b_v[...]

    def ebody(i, carry):
      acc_v[i, pl.ds(0, 16)] = acc_v[i, pl.ds(0, 16)] + bvec
      return carry

    lax.fori_loop(0, BPW, ebody, 0, unroll=8)

    pltpu.async_copy(acc_v, out_hbm.at[pl.ds(base, BPW)], sem_idx).wait()

  return body(ptab, textp, b16)


@jax.jit
def kernel(text, table, W, b):
  w2t = jnp.pad(W.T * (1.0 / S), ((0, NP - NCLS), (0, 0)))
  b16 = jnp.pad(b, (0, NP - NCLS))
  ptab = _tc_repack_table(table.T, w2t)
  textp = _tc_permute_text(text.T)
  out16 = _sc_embed_head(
      ptab.reshape(VPAD, NP), textp.reshape(S, B // 128, 128), b16)
  return out16[:, :NCLS]

# --- scband reference (transcript-rebuilt; emitter-appended) ---
"""Pipeline reference for scband-fast-text-23948737642655 (READ-ONLY COPY).

The authoritative reference and input builder live on the scoring server;
editing this copy changes nothing except your own understanding.
"""

import jax, jax.numpy as jnp
import numpy as np

VOCAB = 1000000
EMBED = 32
NUM_CLASS = 10
BATCH = 16384
SEQ = 200

def setup_inputs(seed: int = 0) -> dict:
    key = jax.random.key(seed)
    k1, k2, k3, k4 = jax.random.split(key, 4)
    text = jax.random.randint(k1, (BATCH, SEQ), 0, VOCAB, dtype=jnp.int64 if jax.config.jax_enable_x64 else jnp.int32).astype(jnp.int32)
    table = jax.random.normal(k2, (VOCAB, EMBED), dtype=jnp.float32) * 0.02
    W = jax.random.normal(k3, (EMBED, NUM_CLASS), dtype=jnp.float32) * 0.1
    b = jax.random.normal(k4, (NUM_CLASS,), dtype=jnp.float32) * 0.01
    return {"text": text, "table": table, "W": W, "b": b}

def reference(text, table, W, b):
    # embedding lookup: [B, S, E]
    embed = jnp.take(table, text, axis=0)
    # mean over sequence dim
    text_embed = jnp.mean(embed, axis=1)
    # linear head
    logits = text_embed @ W + b
    return logits

if __name__ == "__main__":
    import jax
    _d = setup_inputs()
    print(jax.jit(kernel)(*tuple(_d.values())))

</pallas_src>

<mosaic_0001>
#map = affine_map<(d0, d1) -> (0, 0)>
#map1 = affine_map<(d0, d1) -> (0, 0, 0)>
#map2 = affine_map<(d0, d1) -> (0)>
module attributes {stable_mosaic.version = 14 : i64} {
  func.func @body(%arg0: i32, %arg1: i32, %arg2: memref<1015808x16xf32, #tpu.memory_space<hbm>>, %arg3: memref<200x128x128xi32, #tpu.memory_space<hbm>>, %arg4: memref<16xf32, #tpu.memory_space<hbm>>, %arg5: memref<16384x16xf32, #tpu.memory_space<hbm>>, %arg6: memref<2x200x128xi32, #tpu.memory_space<vmem>>, %arg7: memref<512x16xf32, #tpu.memory_space<vmem>>, %arg8: memref<16xf32, #tpu.memory_space<vmem>>, %arg9: memref<!tpu.dma_semaphore, #tpu.memory_space<semaphore_mem>>, %arg10: memref<!tpu.dma_semaphore, #tpu.memory_space<semaphore_mem>>) attributes {dimension_semantics = [#tpu.dimension_semantics<core_parallel>, #tpu.dimension_semantics<subcore_parallel>], iteration_bounds = array<i64: 2, 16>, scalar_prefetch = 0 : i64, scratch_operands = 5 : i64, tpu.core_type = #tpu.core_type<sc_vector_subcore>, window_params = [{transform_indices = #map}, {transform_indices = #map1}, {transform_indices = #map2}, {transform_indices = #map}]} {
    %mul3A = arith.constant 2 : i32
    %mul3A_0 = arith.muli %arg1, %mul3A : i32
    %add3A = arith.addi %mul3A_0, %arg0 : i32
    %mul3A_1 = arith.constant 512 : i32
    %mul3A_2 = arith.muli %add3A, %mul3A_1 : i32
    tpu.enqueue_dma source(%arg4 : memref<16xf32, #tpu.memory_space<hbm>>) target(%arg8 : memref<16xf32, #tpu.memory_space<vmem>>) target_semaphore(%arg9 : memref<!tpu.dma_semaphore, #tpu.memory_space<semaphore_mem>>)
    tpu.wait_dma2 semaphore(%arg9 : memref<!tpu.dma_semaphore, #tpu.memory_space<semaphore_mem>>) src(%arg4 : memref<16xf32, #tpu.memory_space<hbm>>) dst(%arg8 : memref<16xf32, #tpu.memory_space<vmem>>)
    %broadcast_in_dim3A = arith.constant 0.000000e+00 : f32
    %broadcast_in_dim3A_3 = vector.broadcast %broadcast_in_dim3A : f32 to vector<16xf32>
    %scan3A = arith.constant 0 : i32
    %scan3A_4 = arith.constant 0 : i32
    %scan3A_5 = arith.constant 512 : i32
    %scan3A_6 = arith.addi %scan3A_4, %scan3A_5 : i32
    %scan3A_7 = arith.constant 8 : i32
    scf.for %scan3A_1869 = %scan3A_4 to %scan3A_6 step %scan3A_7  : i32 {
      %swap3A = arith.index_cast %scan3A_1869 : i32 to index
      %swap3A_1870 = arith.constant 0 : index
      %swap3A_1871 = tpu.vector_load %arg7[%swap3A, %swap3A_1870] {strides = array<i32>} : memref<512x16xf32, #tpu.memory_space<vmem>>, vector<16xf32>,
      tpu.vector_store %arg7[%swap3A, %swap3A_1870], %broadcast_in_dim3A_3 {strides = array<i32>} : memref<512x16xf32, #tpu.memory_space<vmem>>, vector<16xf32>,
      %scan3A_1872 = arith.constant 1 : i32
      %scan3A_1873 = arith.addi %scan3A_1869, %scan3A_1872 : i32
      %swap3A_1874 = arith.index_cast %scan3A_1873 : i32 to index
      %swap3A_1875 = arith.constant 0 : index
      %swap3A_1876 = tpu.vector_load %arg7[%swap3A_1874, %swap3A_1875] {strides = array<i32>} : memref<512x16xf32, #tpu.memory_space<vmem>>, vector<16xf32>,
      tpu.vector_store %arg7[%swap3A_1874, %swap3A_1875], %broadcast_in_dim3A_3 {strides = array<i32>} : memref<512x16xf32, #tpu.memory_space<vmem>>, vector<16xf32>,
      %scan3A_1877 = arith.constant 2 : i32
      %scan3A_1878 = arith.addi %scan3A_1869, %scan3A_1877 : i32
      %swap3A_1879 = arith.index_cast %scan3A_1878 : i32 to index
      %swap3A_1880 = arith.constant 0 : index
      %swap3A_1881 = tpu.vector_load %arg7[%swap3A_1879, %swap3A_1880] {strides = array<i32>} : memref<512x16xf32, #tpu.memory_space<vmem>>, vector<16xf32>,
      tpu.vector_store %arg7[%swap3A_1879, %swap3A_1880], %broadcast_in_dim3A_3 {strides = array<i32>} : memref<512x16xf32, #tpu.memory_space<vmem>>, vector<16xf32>,
      %scan3A_1882 = arith.constant 3 : i32
      %scan3A_1883 = arith.addi %scan3A_1869, %scan3A_1882 : i32
      %swap3A_1884 = arith.index_cast %scan3A_1883 : i32 to index
      %swap3A_1885 = arith.constant 0 : index
      %swap3A_1886 = tpu.vector_load %arg7[%swap3A_1884, %swap3A_1885] {strides = array<i32>} : memref<512x16xf32, #tpu.memory_space<vmem>>, vector<16xf32>,
      tpu.vector_store %arg7[%swap3A_1884, %swap3A_1885], %broadcast_in_dim3A_3 {strides = array<i32>} : memref<512x16xf32, #tpu.memory_space<vmem>>, vector<16xf32>,
      %scan3A_1887 = arith.constant 4 : i32
      %scan3A_1888 = arith.addi %scan3A_1869, %scan3A_1887 : i32
      %swap3A_1889 = arith.index_cast %scan3A_1888 : i32 to index
      %swap3A_1890 = arith.constant 0 : index
      %swap3A_1891 = tpu.vector_load %arg7[%swap3A_1889, %swap3A_1890] {strides = array<i32>} : memref<512x16xf32, #tpu.memory_space<vmem>>, vector<16xf32>,
      tpu.vector_store %arg7[%swap3A_1889, %swap3A_1890], %broadcast_in_dim3A_3 {strides = array<i32>} : memref<512x16xf32, #tpu.memory_space<vmem>>, vector<16xf32>,
      %scan3A_1892 = arith.constant 5 : i32
      %scan3A_1893 = arith.addi %scan3A_1869, %scan3A_1892 : i32
      %swap3A_1894 = arith.index_cast %scan3A_1893 : i32 to index
      %swap3A_1895 = arith.constant 0 : index
      %swap3A_1896 = tpu.vector_load %arg7[%swap3A_1894, %swap3A_1895] {strides = array<i32>} : memref<512x16xf32, #tpu.memory_space<vmem>>, vector<16xf32>,
      tpu.vector_store %arg7[%swap3A_1894, %swap3A_1895], %broadcast_in_dim3A_3 {strides = array<i32>} : memref<512x16xf32, #tpu.memory_space<vmem>>, vector<16xf32>,
      %scan3A_1897 = arith.constant 6 : i32
      %scan3A_1898 = arith.addi %scan3A_1869, %scan3A_1897 : i32
      %swap3A_1899 = arith.index_cast %scan3A_1898 : i32 to index
      %swap3A_1900 = arith.constant 0 : index
      %swap3A_1901 = tpu.vector_load %arg7[%swap3A_1899, %swap3A_1900] {strides = array<i32>} : memref<512x16xf32, #tpu.memory_space<vmem>>, vector<16xf32>,
      tpu.vector_store %arg7[%swap3A_1899, %swap3A_1900], %broadcast_in_dim3A_3 {strides = array<i32>} : memref<512x16xf32, #tpu.memory_space<vmem>>, vector<16xf32>,
      %scan3A_1902 = arith.constant 7 : i32
      %scan3A_1903 = arith.addi %scan3A_1869, %scan3A_1902 : i32
      %swap3A_1904 = arith.index_cast %scan3A_1903 : i32 to index
      %swap3A_1905 = arith.constant 0 : index
      %swap3A_1906 = tpu.vector_load %arg7[%swap3A_1904, %swap3A_1905] {strides = array<i32>} : memref<512x16xf32, #tpu.memory_space<vmem>>, vector<16xf32>,
      tpu.vector_store %arg7[%swap3A_1904, %swap3A_1905], %broadcast_in_dim3A_3 {strides = array<i32>} : memref<512x16xf32, #tpu.memory_space<vmem>>, vector<16xf32>,
    }
    %scan3A_8 = arith.constant 512 : i32
    %mul3A_9 = arith.constant 4 : i32
    %mul3A_10 = arith.muli %add3A, %mul3A_9 : i32
    %add3A_11 = arith.constant 0 : i32
    %add3A_12 = arith.addi %mul3A_10, %add3A_11 : i32
    %dma_start3A = arith.constant 0 : i32
    %dma_start3A_13 = arith.constant 0 : i32
    %dma_start3A_14 = arith.constant 0 : i32
    %dma_start3A_15 = tpu.memref_slice %arg6[%dma_start3A, %dma_start3A_13, %dma_start3A_14] : memref<2x200x128xi32, #tpu.memory_space<vmem>> -> memref<1x200x128xi32, #tpu.memory_space<vmem>>
    %dma_start3A_16 = tpu.memref_squeeze %dma_start3A_15 : memref<1x200x128xi32, #tpu.memory_space<vmem>> -> memref<200x128xi32, #tpu.memory_space<vmem>>
    %dma_start3A_17 = arith.constant 0 : i32
    %dma_start3A_18 = arith.constant 0 : i32
    %dma_start3A_19 = tpu.memref_slice %arg3[%dma_start3A_17, %add3A_12, %dma_start3A_18] : memref<200x128x128xi32, #tpu.memory_space<hbm>> -> memref<200x1x128xi32, #tpu.memory_space<hbm>>
    %dma_start3A_20 = tpu.memref_squeeze %dma_start3A_19 : memref<200x1x128xi32, #tpu.memory_space<hbm>> -> memref<200x128xi32, #tpu.memory_space<hbm>>
    %dma_start3A_21 = arith.constant 0 : i32
    %dma_start3A_22 = arith.constant 0 : i32
    %dma_start3A_23 = tpu.memref_slice %arg6[%dma_start3A, %dma_start3A_21, %dma_start3A_22] : memref<2x200x128xi32, #tpu.memory_space<vmem>> -> memref<1x200x128xi32, #tpu.memory_space<vmem>>
    %dma_start3A_24 = tpu.memref_squeeze %dma_start3A_23 : memref<1x200x128xi32, #tpu.memory_space<vmem>> -> memref<200x128xi32, #tpu.memory_space<vmem>>
    %dma_start3A_25 = arith.constant 0 : i32
    %dma_start3A_26 = arith.constant 0 : i32
    %dma_start3A_27 = tpu.memref_slice %arg3[%dma_start3A_25, %add3A_12, %dma_start3A_26] : memref<200x128x128xi32, #tpu.memory_space<hbm>> -> memref<200x1x128xi32, #tpu.memory_space<hbm>>
    %dma_start3A_28 = tpu.memref_squeeze %dma_start3A_27 : memref<200x1x128xi32, #tpu.memory_space<hbm>> -> memref<200x128xi32, #tpu.memory_space<hbm>>
    tpu.enqueue_dma source(%dma_start3A_28 : memref<200x128xi32, #tpu.memory_space<hbm>>) target(%dma_start3A_24 : memref<200x128xi32, #tpu.memory_space<vmem>>) target_semaphore(%arg9 : memref<!tpu.dma_semaphore, #tpu.memory_space<semaphore_mem>>)
    %dma_wait3A = arith.constant 0 : i32
    %dma_wait3A_29 = arith.constant 0 : i32
    %dma_wait3A_30 = arith.constant 0 : i32
    %dma_wait3A_31 = tpu.memref_slice %arg6[%dma_wait3A, %dma_wait3A_29, %dma_wait3A_30] : memref<2x200x128xi32, #tpu.memory_space<vmem>> -> memref<1x200x128xi32, #tpu.memory_space<vmem>>
    %dma_wait3A_32 = tpu.memref_squeeze %dma_wait3A_31 : memref<1x200x128xi32, #tpu.memory_space<vmem>> -> memref<200x128xi32, #tpu.memory_space<vmem>>
    %dma_wait3A_33 = arith.constant 0 : i32
    %dma_wait3A_34 = arith.constant 0 : i32
    %dma_wait3A_35 = tpu.memref_slice %arg3[%dma_wait3A_33, %add3A_12, %dma_wait3A_34] : memref<200x128x128xi32, #tpu.memory_space<hbm>> -> memref<200x1x128xi32, #tpu.memory_space<hbm>>
    %dma_wait3A_36 = tpu.memref_squeeze %dma_wait3A_35 : memref<200x1x128xi32, #tpu.memory_space<hbm>> -> memref<200x128xi32, #tpu.memory_space<hbm>>
    %dma_wait3A_37 = arith.constant 0 : i32
    %dma_wait3A_38 = arith.constant 0 : i32
    %dma_wait3A_39 = tpu.memref_slice %arg6[%dma_wait3A, %dma_wait3A_37, %dma_wait3A_38] : memref<2x200x128xi32, #tpu.memory_space<vmem>> -> memref<1x200x128xi32, #tpu.memory_space<vmem>>
    %dma_wait3A_40 = tpu.memref_squeeze %dma_wait3A_39 : memref<1x200x128xi32, #tpu.memory_space<vmem>> -> memref<200x128xi32, #tpu.memory_space<vmem>>
    %dma_wait3A_41 = arith.constant 0 : i32
    %dma_wait3A_42 = arith.constant 0 : i32
    %dma_wait3A_43 = tpu.memref_slice %arg3[%dma_wait3A_41, %add3A_12, %dma_wait3A_42] : memref<200x128x128xi32, #tpu.memory_space<hbm>> -> memref<200x1x128xi32, #tpu.memory_space<hbm>>
    %dma_wait3A_44 = tpu.memref_squeeze %dma_wait3A_43 : memref<200x1x128xi32, #tpu.memory_space<hbm>> -> memref<200x128xi32, #tpu.memory_space<hbm>>
    tpu.wait_dma2 semaphore(%arg9 : memref<!tpu.dma_semaphore, #tpu.memory_space<semaphore_mem>>) src(%dma_wait3A_44 : memref<200x128xi32, #tpu.memory_space<hbm>>) dst(%dma_wait3A_40 : memref<200x128xi32, #tpu.memory_space<vmem>>)
    %mul3A_45 = arith.constant 4 : i32
    %mul3A_46 = arith.muli %add3A, %mul3A_45 : i32
    %add3A_47 = arith.constant 1 : i32
    %add3A_48 = arith.addi %mul3A_46, %add3A_47 : i32
    %dma_start3A_49 = arith.constant 1 : i32
    %dma_start3A_50 = arith.constant 0 : i32
    %dma_start3A_51 = arith.constant 0 : i32
    %dma_start3A_52 = tpu.memref_slice %arg6[%dma_start3A_49, %dma_start3A_50, %dma_start3A_51] : memref<2x200x128xi32, #tpu.memory_space<vmem>> -> memref<1x200x128xi32, #tpu.memory_space<vmem>>
    %dma_start3A_53 = tpu.memref_squeeze %dma_start3A_52 : memref<1x200x128xi32, #tpu.memory_space<vmem>> -> memref<200x128xi32, #tpu.memory_space<vmem>>
    %dma_start3A_54 = arith.constant 0 : i32
    %dma_start3A_55 = arith.constant 0 : i32
    %dma_start3A_56 = tpu.memref_slice %arg3[%dma_start3A_54, %add3A_48, %dma_start3A_55] : memref<200x128x128xi32, #tpu.memory_space<hbm>> -> memref<200x1x128xi32, #tpu.memory_space<hbm>>
    %dma_start3A_57 = tpu.memref_squeeze %dma_start3A_56 : memref<200x1x128xi32, #tpu.memory_space<hbm>> -> memref<200x128xi32, #tpu.memory_space<hbm>>
    %dma_start3A_58 = arith.constant 0 : i32
    %dma_start3A_59 = arith.constant 0 : i32
    %dma_start3A_60 = tpu.memref_slice %arg6[%dma_start3A_49, %dma_start3A_58, %dma_start3A_59] : memref<2x200x128xi32, #tpu.memory_space<vmem>> -> memref<1x200x128xi32, #tpu.memory_space<vmem>>
    %dma_start3A_61 = tpu.memref_squeeze %dma_start3A_60 : memref<1x200x128xi32, #tpu.memory_space<vmem>> -> memref<200x128xi32, #tpu.memory_space<vmem>>
    %dma_start3A_62 = arith.constant 0 : i32
    %dma_start3A_63 = arith.constant 0 : i32
    %dma_start3A_64 = tpu.memref_slice %arg3[%dma_start3A_62, %add3A_48, %dma_start3A_63] : memref<200x128x128xi32, #tpu.memory_space<hbm>> -> memref<200x1x128xi32, #tpu.memory_space<hbm>>
    %dma_start3A_65 = tpu.memref_squeeze %dma_start3A_64 : memref<200x1x128xi32, #tpu.memory_space<hbm>> -> memref<200x128xi32, #tpu.memory_space<hbm>>
    tpu.enqueue_dma source(%dma_start3A_65 : memref<200x128xi32, #tpu.memory_space<hbm>>) target(%dma_start3A_61 : memref<200x128xi32, #tpu.memory_space<vmem>>) target_semaphore(%arg9 : memref<!tpu.dma_semaphore, #tpu.memory_space<semaphore_mem>>)
    %dma_start3A_66 = arith.constant 0 : i32
    %dma_start3A_67 = arith.constant 0 : i32
    %dma_start3A_68 = arith.constant 0 : i32
    %dma_start3A_69 = arith.constant 0 : i32
    %dma_start3A_70 = tpu.memref_slice %arg7[%dma_start3A_68, %dma_start3A_69] : memref<512x16xf32, #tpu.memory_space<vmem>> -> memref<128x16xf32, #tpu.memory_space<vmem>>
    %dma_start3A_71 = arith.constant 0 : i32
    %dma_start3A_72 = arith.constant 0 : i32
    %dma_start3A_73 = tpu.memref_slice %arg6[%dma_start3A_66, %dma_start3A_71, %dma_start3A_72] : memref<2x200x128xi32, #tpu.memory_space<vmem>> -> memref<1x200x128xi32, #tpu.memory_space<vmem>>
    %dma_start3A_74 = tpu.memref_squeeze %dma_start3A_73 : memref<1x200x128xi32, #tpu.memory_space<vmem>> -> memref<200x128xi32, #tpu.memory_space<vmem>>
    %dma_start3A_75 = arith.constant 0 : i32
    %dma_start3A_76 = tpu.memref_slice %dma_start3A_74[%dma_start3A_67, %dma_start3A_75] : memref<200x128xi32, #tpu.memory_space<vmem>> -> memref<1x128xi32, #tpu.memory_space<vmem>>
    %dma_start3A_77 = tpu.memref_squeeze %dma_start3A_76 : memref<1x128xi32, #tpu.memory_space<vmem>> -> memref<128xi32, #tpu.memory_space<vmem>>
    %dma_start3A_78 = arith.constant 0 : i32
    %dma_start3A_79 = arith.constant 0 : i32
    %dma_start3A_80 = tpu.memref_slice %arg2[%dma_start3A_78, %dma_start3A_79] : memref<1015808x16xf32, #tpu.memory_space<hbm>> -> memref<1015808x16xf32, #tpu.memory_space<hbm>>
    tpu.enqueue_indirect_dma source(%dma_start3A_80 : memref<1015808x16xf32, #tpu.memory_space<hbm>>) target(%dma_start3A_70 : memref<128x16xf32, #tpu.memory_space<vmem>>) offsets(%dma_start3A_77 : memref<128xi32, #tpu.memory_space<vmem>>) semaphore(%arg10 : memref<!tpu.dma_semaphore, #tpu.memory_space<semaphore_mem>>) {add = true}
    %dma_start3A_81 = arith.constant 0 : i32
    %dma_start3A_82 = arith.constant 1 : i32
    %dma_start3A_83 = arith.constant 0 : i32
    %dma_start3A_84 = arith.constant 0 : i32
    %dma_start3A_85 = tpu.memref_slice %arg7[%dma_start3A_83, %dma_start3A_84] : memref<512x16xf32, #tpu.memory_space<vmem>> -> memref<128x16xf32, #tpu.memory_space<vmem>>
    %dma_start3A_86 = arith.constant 0 : i32
    %dma_start3A_87 = arith.constant 0 : i32
    %dma_start3A_88 = tpu.memref_slice %arg6[%dma_start3A_81, %dma_start3A_86, %dma_start3A_87] : memref<2x200x128xi32, #tpu.memory_space<vmem>> -> memref<1x200x128xi32, #tpu.memory_space<vmem>>
    %dma_start3A_89 = tpu.memref_squeeze %dma_start3A_88 : memref<1x200x128xi32, #tpu.memory_space<vmem>> -> memref<200x128xi32, #tpu.memory_space<vmem>>
    %dma_start3A_90 = arith.constant 0 : i32
    %dma_start3A_91 = tpu.memref_slice %dma_start3A_89[%dma_start3A_82, %dma_start3A_90] : memref<200x128xi32, #tpu.memory_space<vmem>> -> memref<1x128xi32, #tpu.memory_space<vmem>>
    %dma_start3A_92 = tpu.memref_squeeze %dma_start3A_91 : memref<1x128xi32, #tpu.memory_space<vmem>> -> memref<128xi32, #tpu.memory_space<vmem>>
    %dma_start3A_93 = arith.constant 0 : i32
    %dma_start3A_94 = arith.constant 0 : i32
    %dma_start3A_95 = tpu.memref_slice %arg2[%dma_start3A_93, %dma_start3A_94] : memref<1015808x16xf32, #tpu.memory_space<hbm>> -> memref<1015808x16xf32, #tpu.memory_space<hbm>>
    tpu.enqueue_indirect_dma source(%dma_start3A_95 : memref<1015808x16xf32, #tpu.memory_space<hbm>>) target(%dma_start3A_85 : memref<128x16xf32, #tpu.memory_space<vmem>>) offsets(%dma_start3A_92 : memref<128xi32, #tpu.memory_space<vmem>>) semaphore(%arg10 : memref<!tpu.dma_semaphore, #tpu.memory_space<semaphore_mem>>) {add = true}
    %dma_start3A_96 = arith.constant 0 : i32
    %dma_start3A_97 = arith.constant 2 : i32
    %dma_start3A_98 = arith.constant 0 : i32
    %dma_start3A_99 = arith.constant 0 : i32
    %dma_start3A_100 = tpu.memref_slice %arg7[%dma_start3A_98, %dma_start3A_99] : memref<512x16xf32, #tpu.memory_space<vmem>> -> memref<128x16xf32, #tpu.memory_space<vmem>>
    %dma_start3A_101 = arith.constant 0 : i32
    %dma_start3A_102 = arith.constant 0 : i32
    %dma_start3A_103 = tpu.memref_slice %arg6[%dma_start3A_96, %dma_start3A_101, %dma_start3A_102] : memref<2x200x128xi32, #tpu.memory_space<vmem>> -> memref<1x200x128xi32, #tpu.memory_space<vmem>>
    %dma_start3A_104 = tpu.memref_squeeze %dma_start3A_103 : memref<1x200x128xi32, #tpu.memory_space<vmem>> -> memref<200x128xi32, #tpu.memory_space<vmem>>
    %dma_start3A_105 = arith.constant 0 : i32
    %dma_start3A_106 = tpu.memref_slice %dma_start3A_104[%dma_start3A_97, %dma_start3A_105] : memref<200x128xi32, #tpu.memory_space<vmem>> -> memref<1x128xi32, #tpu.memory_space<vmem>>
    %dma_start3A_107 = tpu.memref_squeeze %dma_start3A_106 : memref<1x128xi32, #tpu.memory_space<vmem>> -> memref<128xi32, #tpu.memory_space<vmem>>
    %dma_start3A_108 = arith.constant 0 : i32
    %dma_start3A_109 = arith.constant 0 : i32
    %dma_start3A_110 = tpu.memref_slice %arg2[%dma_start3A_108, %dma_start3A_109] : memref<1015808x16xf32, #tpu.memory_space<hbm>> -> memref<1015808x16xf32, #tpu.memory_space<hbm>>
    tpu.enqueue_indirect_dma source(%dma_start3A_110 : memref<1015808x16xf32, #tpu.memory_space<hbm>>) target(%dma_start3A_100 : memref<128x16xf32, #tpu.memory_space<vmem>>) offsets(%dma_start3A_107 : memref<128xi32, #tpu.memory_space<vmem>>) semaphore(%arg10 : memref<!tpu.dma_semaphore, #tpu.memory_space<semaphore_mem>>) {add = true}
    %dma_start3A_111 = arith.constant 0 : i32
    %dma_start3A_112 = arith.constant 3 : i32
    %dma_start3A_113 = arith.constant 0 : i32
    %dma_start3A_114 = arith.constant 0 : i32
    %dma_start3A_115 = tpu.memref_slice %arg7[%dma_start3A_113, %dma_start3A_114] : memref<512x16xf32, #tpu.memory_space<vmem>> -> memref<128x16xf32, #tpu.memory_space<vmem>>
    %dma_start3A_116 = arith.constant 0 : i32
    %dma_start3A_117 = arith.constant 0 : i32
    %dma_start3A_118 = tpu.memref_slice %arg6[%dma_start3A_111, %dma_start3A_116, %dma_start3A_117] : memref<2x200x128xi32, #tpu.memory_space<vmem>> -> memref<1x200x128xi32, #tpu.memory_space<vmem>>
    %dma_start3A_119 = tpu.memref_squeeze %dma_start3A_118 : memref<1x200x128xi32, #tpu.memory_space<vmem>> -> memref<200x128xi32, #tpu.memory_space<vmem>>
    %dma_start3A_120 = arith.constant 0 : i32
    %dma_start3A_121 = tpu.memref_slice %dma_start3A_119[%dma_start3A_112, %dma_start3A_120] : memref<200x128xi32, #tpu.memory_space<vmem>> -> memref<1x128xi32, #tpu.memory_space<vmem>>
    %dma_start3A_122 = tpu.memref_squeeze %dma_start3A_121 : memref<1x128xi32, #tpu.memory_space<vmem>> -> memref<128xi32, #tpu.memory_space<vmem>>
    %dma_start3A_123 = arith.constant 0 : i32
    %dma_start3A_124 = arith.constant 0 : i32
    %dma_start3A_125 = tpu.memref_slice %arg2[%dma_start3A_123, %dma_start3A_124] : memref<1015808x16xf32, #tpu.memory_space<hbm>> -> memref<1015808x16xf32, #tpu.memory_space<hbm>>
    tpu.enqueue_indirect_dma source(%dma_start3A_125 : memref<1015808x16xf32, #tpu.memory_space<hbm>>) target(%dma_start3A_115 : memref<128x16xf32, #tpu.memory_space<vmem>>) offsets(%dma_start3A_122 : memref<128xi32, #tpu.memory_space<vmem>>) semaphore(%arg10 : memref<!tpu.dma_semaphore, #tpu.memory_space<semaphore_mem>>) {add = true}
    %dma_start3A_126 = arith.constant 0 : i32
    %dma_start3A_127 = arith.constant 4 : i32
    %dma_start3A_128 = arith.constant 0 : i32
    %dma_start3A_129 = arith.constant 0 : i32
    %dma_start3A_130 = tpu.memref_slice %arg7[%dma_start3A_128, %dma_start3A_129] : memref<512x16xf32, #tpu.memory_space<vmem>> -> memref<128x16xf32, #tpu.memory_space<vmem>>
    %dma_start3A_131 = arith.constant 0 : i32
    %dma_start3A_132 = arith.constant 0 : i32
    %dma_start3A_133 = tpu.memref_slice %arg6[%dma_start3A_126, %dma_start3A_131, %dma_start3A_132] : memref<2x200x128xi32, #tpu.memory_space<vmem>> -> memref<1x200x128xi32, #tpu.memory_space<vmem>>
    %dma_start3A_134 = tpu.memref_squeeze %dma_start3A_133 : memref<1x200x128xi32, #tpu.memory_space<vmem>> -> memref<200x128xi32, #tpu.memory_space<vmem>>
    %dma_start3A_135 = arith.constant 0 : i32
    %dma_start3A_136 = tpu.memref_slice %dma_start3A_134[%dma_start3A_127, %dma_start3A_135] : memref<200x128xi32, #tpu.memory_space<vmem>> -> memref<1x128xi32, #tpu.memory_space<vmem>>
    %dma_start3A_137 = tpu.memref_squeeze %dma_start3A_136 : memref<1x128xi32, #tpu.memory_space<vmem>> -> memref<128xi32, #tpu.memory_space<vmem>>
    %dma_start3A_138 = arith.constant 0 : i32
    %dma_start3A_139 = arith.constant 0 : i32
    %dma_start3A_140 = tpu.memref_slice %arg2[%dma_start3A_138, %dma_start3A_139] : memref<1015808x16xf32, #tpu.memory_space<hbm>> -> memref<1015808x16xf32, #tpu.memory_space<hbm>>
    tpu.enqueue_indirect_dma source(%dma_start3A_140 : memref<1015808x16xf32, #tpu.memory_space<hbm>>) target(%dma_start3A_130 : memref<128x16xf32, #tpu.memory_space<vmem>>) offsets(%dma_start3A_137 : memref<128xi32, #tpu.memory_space<vmem>>) semaphore(%arg10 : memref<!tpu.dma_semaphore, #tpu.memory_space<semaphore_mem>>) {add = true}
    %dma_start3A_141 = arith.constant 0 : i32
    %dma_start3A_142 = arith.constant 5 : i32
    %dma_start3A_143 = arith.constant 0 : i32
    %dma_start3A_144 = arith.constant 0 : i32
    %dma_start3A_145 = tpu.memref_slice %arg7[%dma_start3A_143, %dma_start3A_144] : memref<512x16xf32, #tpu.memory_space<vmem>> -> memref<128x16xf32, #tpu.memory_space<vmem>>
    %dma_start3A_146 = arith.constant 0 : i32
    %dma_start3A_147 = arith.constant 0 : i32
    %dma_start3A_148 = tpu.memref_slice %arg6[%dma_start3A_141, %dma_start3A_146, %dma_start3A_147] : memref<2x200x128xi32, #tpu.memory_space<vmem>> -> memref<1x200x128xi32, #tpu.memory_space<vmem>>
    %dma_start3A_149 = tpu.memref_squeeze %dma_start3A_148 : memref<1x200x128xi32, #tpu.memory_space<vmem>> -> memref<200x128xi32, #tpu.memory_space<vmem>>
    %dma_start3A_150 = arith.constant 0 : i32
    %dma_start3A_151 = tpu.memref_slice %dma_start3A_149[%dma_start3A_142, %dma_start3A_150] : memref<200x128xi32, #tpu.memory_space<vmem>> -> memref<1x128xi32, #tpu.memory_space<vmem>>
    %dma_start3A_152 = tpu.memref_squeeze %dma_start3A_151 : memref<1x128xi32, #tpu.memory_space<vmem>> -> memref<128xi32, #tpu.memory_space<vmem>>
    %dma_start3A_153 = arith.constant 0 : i32
    %dma_start3A_154 = arith.constant 0 : i32
    %dma_start3A_155 = tpu.memref_slice %arg2[%dma_start3A_153, %dma_start3A_154] : memref<1015808x16xf32, #tpu.memory_space<hbm>> -> memref<1015808x16xf32, #tpu.memory_space<hbm>>
    tpu.enqueue_indirect_dma source(%dma_start3A_155 : memref<1015808x16xf32, #tpu.memory_space<hbm>>) target(%dma_start3A_145 : memref<128x16xf32, #tpu.memory_space<vmem>>) offsets(%dma_start3A_152 : memref<128xi32, #tpu.memory_space<vmem>>) semaphore(%arg10 : memref<!tpu.dma_semaphore, #tpu.memory_space<semaphore_mem>>) {add = true}
    %dma_start3A_156 = arith.constant 0 : i32
    %dma_start3A_157 = arith.constant 6 : i32
    %dma_start3A_158 = arith.constant 0 : i32
    %dma_start3A_159 = arith.constant 0 : i32
    %dma_start3A_160 = tpu.memref_slice %arg7[%dma_start3A_158, %dma_start3A_159] : memref<512x16xf32, #tpu.memory_space<vmem>> -> memref<128x16xf32, #tpu.memory_space<vmem>>
    %dma_start3A_161 = arith.constant 0 : i32
    %dma_start3A_162 = arith.constant 0 : i32
    %dma_start3A_163 = tpu.memref_slice %arg6[%dma_start3A_156, %dma_start3A_161, %dma_start3A_162] : memref<2x200x128xi32, #tpu.memory_space<vmem>> -> memref<1x200x128xi32, #tpu.memory_space<vmem>>
    %dma_start3A_164 = tpu.memref_squeeze %dma_start3A_163 : memref<1x200x128xi32, #tpu.memory_space<vmem>> -> memref<200x128xi32, #tpu.memory_space<vmem>>
    %dma_start3A_165 = arith.constant 0 : i32
    %dma_start3A_166 = tpu.memref_slice %dma_start3A_164[%dma_start3A_157, %dma_start3A_165] : memref<200x128xi32, #tpu.memory_space<vmem>> -> memref<1x128xi32, #tpu.memory_space<vmem>>
    %dma_start3A_167 = tpu.memref_squeeze %dma_start3A_166 : memref<1x128xi32, #tpu.memory_space<vmem>> -> memref<128xi32, #tpu.memory_space<vmem>>
    %dma_start3A_168 = arith.constant 0 : i32
    %dma_start3A_169 = arith.constant 0 : i32
    %dma_start3A_170 = tpu.memref_slice %arg2[%dma_start3A_168, %dma_start3A_169] : memref<1015808x16xf32, #tpu.memory_space<hbm>> -> memref<1015808x16xf32, #tpu.memory_space<hbm>>
    tpu.enqueue_indirect_dma source(%dma_start3A_170 : memref<1015808x16xf32, #tpu.memory_space<hbm>>) target(%dma_start3A_160 : memref<128x16xf32, #tpu.memory_space<vmem>>) offsets(%dma_start3A_167 : memref<128xi32, #tpu.memory_space<vmem>>) semaphore(%arg10 : memref<!tpu.dma_semaphore, #tpu.memory_space<semaphore_mem>>) {add = true}
    %dma_start3A_171 = arith.constant 0 : i32
    %dma_start3A_172 = arith.constant 7 : i32
    %dma_start3A_173 = arith.constant 0 : i32
    %dma_start3A_174 = arith.constant 0 : i32
    %dma_start3A_175 = tpu.memref_slice %arg7[%dma_start3A_173, %dma_start3A_174] : memref<512x16xf32, #tpu.memory_space<vmem>> -> memref<128x16xf32, #tpu.memory_space<vmem>>
    %dma_start3A_176 = arith.constant 0 : i32
    %dma_start3A_177 = arith.constant 0 : i32
    %dma_start3A_178 = tpu.memref_slice %arg6[%dma_start3A_171, %dma_start3A_176, %dma_start3A_177] : memref<2x200x128xi32, #tpu.memory_space<vmem>> -> memref<1x200x128xi32, #tpu.memory_space<vmem>>
    %dma_start3A_179 = tpu.memref_squeeze %dma_start3A_178 : memref<1x200x128xi32, #tpu.memory_space<vmem>> -> memref<200x128xi32, #tpu.memory_space<vmem>>
    %dma_start3A_180 = arith.constant 0 : i32
    %dma_start3A_181 = tpu.memref_slice %dma_start3A_179[%dma_start3A_172, %dma_start3A_180] : memref<200x128xi32, #tpu.memory_space<vmem>> -> memref<1x128xi32, #tpu.memory_space<vmem>>
    %dma_start3A_182 = tpu.memref_squeeze %dma_start3A_181 : memref<1x128xi32, #tpu.memory_space<vmem>> -> memref<128xi32, #tpu.memory_space<vmem>>
    %dma_start3A_183 = arith.constant 0 : i32
    %dma_start3A_184 = arith.constant 0 : i32
    %dma_start3A_185 = tpu.memref_slice %arg2[%dma_start3A_183, %dma_start3A_184] : memref<1015808x16xf32, #tpu.memory_space<hbm>> -> memref<1015808x16xf32, #tpu.memory_space<hbm>>
    tpu.enqueue_indirect_dma source(%dma_start3A_185 : memref<1015808x16xf32, #tpu.memory_space<hbm>>) target(%dma_start3A_175 : memref<128x16xf32, #tpu.memory_space<vmem>>) offsets(%dma_start3A_182 : memref<128xi32, #tpu.memory_space<vmem>>) semaphore(%arg10 : memref<!tpu.dma_semaphore, #tpu.memory_space<semaphore_mem>>) {add = true}
    %dma_start3A_186 = arith.constant 0 : i32
    %dma_start3A_187 = arith.constant 8 : i32
    %dma_start3A_188 = arith.constant 0 : i32
    %dma_start3A_189 = arith.constant 0 : i32
    %dma_start3A_190 = tpu.memref_slice %arg7[%dma_start3A_188, %dma_start3A_189] : memref<512x16xf32, #tpu.memory_space<vmem>> -> memref<128x16xf32, #tpu.memory_space<vmem>>
    %dma_start3A_191 = arith.constant 0 : i32
    %dma_start3A_192 = arith.constant 0 : i32
    %dma_start3A_193 = tpu.memref_slice %arg6[%dma_start3A_186, %dma_start3A_191, %dma_start3A_192] : memref<2x200x128xi32, #tpu.memory_space<vmem>> -> memref<1x200x128xi32, #tpu.memory_space<vmem>>
    %dma_start3A_194 = tpu.memref_squeeze %dma_start3A_193 : memref<1x200x128xi32, #tpu.memory_space<vmem>> -> memref<200x128xi32, #tpu.memory_space<vmem>>
    %dma_start3A_195 = arith.constant 0 : i32
    %dma_start3A_196 = tpu.memref_slice %dma_start3A_194[%dma_start3A_187, %dma_start3A_195] : memref<200x128xi32, #tpu.memory_space<vmem>> -> memref<1x128xi32, #tpu.memory_space<vmem>>
    %dma_start3A_197 = tpu.memref_squeeze %dma_start3A_196 : memref<1x128xi32, #tpu.memory_space<vmem>> -> memref<128xi32, #tpu.memory_space<vmem>>
    %dma_start3A_198 = arith.constant 0 : i32
    %dma_start3A_199 = arith.constant 0 : i32
    %dma_start3A_200 = tpu.memref_slice %arg2[%dma_start3A_198, %dma_start3A_199] : memref<1015808x16xf32, #tpu.memory_space<hbm>> -> memref<1015808x16xf32, #tpu.memory_space<hbm>>
    tpu.enqueue_indirect_dma source(%dma_start3A_200 : memref<1015808x16xf32, #tpu.memory_space<hbm>>) target(%dma_start3A_190 : memref<128x16xf32, #tpu.memory_space<vmem>>) offsets(%dma_start3A_197 : memref<128xi32, #tpu.memory_space<vmem>>) semaphore(%arg10 : memref<!tpu.dma_semaphore, #tpu.memory_space<semaphore_mem>>) {add = true}
    %dma_start3A_201 = arith.constant 0 : i32
    %dma_start3A_202 = arith.constant 9 : i32
    %dma_start3A_203 = arith.constant 0 : i32
    %dma_start3A_204 = arith.constant 0 : i32
    %dma_start3A_205 = tpu.memref_slice %arg7[%dma_start3A_203, %dma_start3A_204] : memref<512x16xf32, #tpu.memory_space<vmem>> -> memref<128x16xf32, #tpu.memory_space<vmem>>
    %dma_start3A_206 = arith.constant 0 : i32
    %dma_start3A_207 = arith.constant 0 : i32
    %dma_start3A_208 = tpu.memref_slice %arg6[%dma_start3A_201, %dma_start3A_206, %dma_start3A_207] : memref<2x200x128xi32, #tpu.memory_space<vmem>> -> memref<1x200x128xi32, #tpu.memory_space<vmem>>
    %dma_start3A_209 = tpu.memref_squeeze %dma_start3A_208 : memref<1x200x128xi32, #tpu.memory_space<vmem>> -> memref<200x128xi32, #tpu.memory_space<vmem>>
    %dma_start3A_210 = arith.constant 0 : i32
    %dma_start3A_211 = tpu.memref_slice %dma_start3A_209[%dma_start3A_202, %dma_start3A_210] : memref<200x128xi32, #tpu.memory_space<vmem>> -> memref<1x128xi32, #tpu.memory_space<vmem>>
    %dma_start3A_212 = tpu.memref_squeeze %dma_start3A_211 : memref<1x128xi32, #tpu.memory_space<vmem>> -> memref<128xi32, #tpu.memory_space<vmem>>
    %dma_start3A_213 = arith.constant 0 : i32
    %dma_start3A_214 = arith.constant 0 : i32
    %dma_start3A_215 = tpu.memref_slice %arg2[%dma_start3A_213, %dma_start3A_214] : memref<1015808x16xf32, #tpu.memory_space<hbm>> -> memref<1015808x16xf32, #tpu.memory_space<hbm>>
    tpu.enqueue_indirect_dma source(%dma_start3A_215 : memref<1015808x16xf32, #tpu.memory_space<hbm>>) target(%dma_start3A_205 : memref<128x16xf32, #tpu.memory_space<vmem>>) offsets(%dma_start3A_212 : memref<128xi32, #tpu.memory_space<vmem>>) semaphore(%arg10 : memref<!tpu.dma_semaphore, #tpu.memory_space<semaphore_mem>>) {add = true}
    %dma_start3A_216 = arith.constant 0 : i32
    %dma_start3A_217 = arith.constant 10 : i32
    %dma_start3A_218 = arith.constant 0 : i32
    %dma_start3A_219 = arith.constant 0 : i32
    %dma_start3A_220 = tpu.memref_slice %arg7[%dma_start3A_218, %dma_start3A_219] : memref<512x16xf32, #tpu.memory_space<vmem>> -> memref<128x16xf32, #tpu.memory_space<vmem>>
    %dma_start3A_221 = arith.constant 0 : i32
    %dma_start3A_222 = arith.constant 0 : i32
    %dma_start3A_223 = tpu.memref_slice %arg6[%dma_start3A_216, %dma_start3A_221, %dma_start3A_222] : memref<2x200x128xi32, #tpu.memory_space<vmem>> -> memref<1x200x128xi32, #tpu.memory_space<vmem>>
    %dma_start3A_224 = tpu.memref_squeeze %dma_start3A_223 : memref<1x200x128xi32, #tpu.memory_space<vmem>> -> memref<200x128xi32, #tpu.memory_space<vmem>>
    %dma_start3A_225 = arith.constant 0 : i32
    %dma_start3A_226 = tpu.memref_slice %dma_start3A_224[%dma_start3A_217, %dma_start3A_225] : memref<200x128xi32, #tpu.memory_space<vmem>> -> memref<1x128xi32, #tpu.memory_space<vmem>>
    %dma_start3A_227 = tpu.memref_squeeze %dma_start3A_226 : memref<1x128xi32, #tpu.memory_space<vmem>> -> memref<128xi32, #tpu.memory_space<vmem>>
    %dma_start3A_228 = arith.constant 0 : i32
    %dma_start3A_229 = arith.constant 0 : i32
    %dma_start3A_230 = tpu.memref_slice %arg2[%dma_start3A_228, %dma_start3A_229] : memref<1015808x16xf32, #tpu.memory_space<hbm>> -> memref<1015808x16xf32, #tpu.memory_space<hbm>>
    tpu.enqueue_indirect_dma source(%dma_start3A_230 : memref<1015808x16xf32, #tpu.memory_space<hbm>>) target(%dma_start3A_220 : memref<128x16xf32, #tpu.memory_space<vmem>>) offsets(%dma_start3A_227 : memref<128xi32, #tpu.memory_space<vmem>>) semaphore(%arg10 : memref<!tpu.dma_semaphore, #tpu.memory_space<semaphore_mem>>) {add = true}
    %dma_start3A_231 = arith.constant 0 : i32
    %dma_start3A_232 = arith.constant 11 : i32
    %dma_start3A_233 = arith.constant 0 : i32
    %dma_start3A_234 = arith.constant 0 : i32
    %dma_start3A_235 = tpu.memref_slice %arg7[%dma_start3A_233, %dma_start3A_234] : memref<512x16xf32, #tpu.memory_space<vmem>> -> memref<128x16xf32, #tpu.memory_space<vmem>>
    %dma_start3A_236 = arith.constant 0 : i32
    %dma_start3A_237 = arith.constant 0 : i32
    %dma_start3A_238 = tpu.memref_slice %arg6[%dma_start3A_231, %dma_start3A_236, %dma_start3A_237] : memref<2x200x128xi32, #tpu.memory_space<vmem>> -> memref<1x200x128xi32, #tpu.memory_space<vmem>>
    %dma_start3A_239 = tpu.memref_squeeze %dma_start3A_238 : memref<1x200x128xi32, #tpu.memory_space<vmem>> -> memref<200x128xi32, #tpu.memory_space<vmem>>
    %dma_start3A_240 = arith.constant 0 : i32
    %dma_start3A_241 = tpu.memref_slice %dma_start3A_239[%dma_start3A_232, %dma_start3A_240] : memref<200x128xi32, #tpu.memory_space<vmem>> -> memref<1x128xi32, #tpu.memory_space<vmem>>
    %dma_start3A_242 = tpu.memref_squeeze %dma_start3A_241 : memref<1x128xi32, #tpu.memory_space<vmem>> -> memref<128xi32, #tpu.memory_space<vmem>>
    %dma_start3A_243 = arith.constant 0 : i32
    %dma_start3A_244 = arith.constant 0 : i32
    %dma_start3A_245 = tpu.memref_slice %arg2[%dma_start3A_243, %dma_start3A_244] : memref<1015808x16xf32, #tpu.memory_space<hbm>> -> memref<1015808x16xf32, #tpu.memory_space<hbm>>
    tpu.enqueue_indirect_dma source(%dma_start3A_245 : memref<1015808x16xf32, #tpu.memory_space<hbm>>) target(%dma_start3A_235 : memref<128x16xf32, #tpu.memory_space<vmem>>) offsets(%dma_start3A_242 : memref<128xi32, #tpu.memory_space<vmem>>) semaphore(%arg10 : memref<!tpu.dma_semaphore, #tpu.memory_space<semaphore_mem>>) {add = true}
    %dma_start3A_246 = arith.constant 0 : i32
    %dma_start3A_247 = arith.constant 12 : i32
    %dma_start3A_248 = arith.constant 0 : i32
    %dma_start3A_249 = arith.constant 0 : i32
    %dma_start3A_250 = tpu.memref_slice %arg7[%dma_start3A_248, %dma_start3A_249] : memref<512x16xf32, #tpu.memory_space<vmem>> -> memref<128x16xf32, #tpu.memory_space<vmem>>
    %dma_start3A_251 = arith.constant 0 : i32
    %dma_start3A_252 = arith.constant 0 : i32
    %dma_start3A_253 = tpu.memref_slice %arg6[%dma_start3A_246, %dma_start3A_251, %dma_start3A_252] : memref<2x200x128xi32, #tpu.memory_space<vmem>> -> memref<1x200x128xi32, #tpu.memory_space<vmem>>
    %dma_start3A_254 = tpu.memref_squeeze %dma_start3A_253 : memref<1x200x128xi32, #tpu.memory_space<vmem>> -> memref<200x128xi32, #tpu.memory_space<vmem>>
    %dma_start3A_255 = arith.constant 0 : i32
    %dma_start3A_256 = tpu.memref_slice %dma_start3A_254[%dma_start3A_247, %dma_start3A_255] : memref<200x128xi32, #tpu.memory_space<vmem>> -> memref<1x128xi32, #tpu.memory_space<vmem>>
    %dma_start3A_257 = tpu.memref_squeeze %dma_start3A_256 : memref<1x128xi32, #tpu.memory_space<vmem>> -> memref<128xi32, #tpu.memory_space<vmem>>
    %dma_start3A_258 = arith.constant 0 : i32
    %dma_start3A_259 = arith.constant 0 : i32
    %dma_start3A_260 = tpu.memref_slice %arg2[%dma_start3A_258, %dma_start3A_259] : memref<1015808x16xf32, #tpu.memory_space<hbm>> -> memref<1015808x16xf32, #tpu.memory_space<hbm>>
    tpu.enqueue_indirect_dma source(%dma_start3A_260 : memref<1015808x16xf32, #tpu.memory_space<hbm>>) target(%dma_start3A_250 : memref<128x16xf32, #tpu.memory_space<vmem>>) offsets(%dma_start3A_257 : memref<128xi32, #tpu.memory_space<vmem>>) semaphore(%arg10 : memref<!tpu.dma_semaphore, #tpu.memory_space<semaphore_mem>>) {add = true}
    %dma_start3A_261 = arith.constant 0 : i32
    %dma_start3A_262 = arith.constant 13 : i32
    %dma_start3A_263 = arith.constant 0 : i32
    %dma_start3A_264 = arith.constant 0 : i32
    %dma_start3A_265 = tpu.memref_slice %arg7[%dma_start3A_263, %dma_start3A_264] : memref<512x16xf32, #tpu.memory_space<vmem>> -> memref<128x16xf32, #tpu.memory_space<vmem>>
    %dma_start3A_266 = arith.constant 0 : i32
    %dma_start3A_267 = arith.constant 0 : i32
    %dma_start3A_268 = tpu.memref_slice %arg6[%dma_start3A_261, %dma_start3A_266, %dma_start3A_267] : memref<2x200x128xi32, #tpu.memory_space<vmem>> -> memref<1x200x128xi32, #tpu.memory_space<vmem>>
    %dma_start3A_269 = tpu.memref_squeeze %dma_start3A_268 : memref<1x200x128xi32, #tpu.memory_space<vmem>> -> memref<200x128xi32, #tpu.memory_space<vmem>>
    %dma_start3A_270 = arith.constant 0 : i32
    %dma_start3A_271 = tpu.memref_slice %dma_start3A_269[%dma_start3A_262, %dma_start3A_270] : memref<200x128xi32, #tpu.memory_space<vmem>> -> memref<1x128xi32, #tpu.memory_space<vmem>>
    %dma_start3A_272 = tpu.memref_squeeze %dma_start3A_271 : memref<1x128xi32, #tpu.memory_space<vmem>> -> memref<128xi32, #tpu.memory_space<vmem>>
    %dma_start3A_273 = arith.constant 0 : i32
    %dma_start3A_274 = arith.constant 0 : i32
    %dma_start3A_275 = tpu.memref_slice %arg2[%dma_start3A_273, %dma_start3A_274] : memref<1015808x16xf32, #tpu.memory_space<hbm>> -> memref<1015808x16xf32, #tpu.memory_space<hbm>>
    tpu.enqueue_indirect_dma source(%dma_start3A_275 : memref<1015808x16xf32, #tpu.memory_space<hbm>>) target(%dma_start3A_265 : memref<128x16xf32, #tpu.memory_space<vmem>>) offsets(%dma_start3A_272 : memref<128xi32, #tpu.memory_space<vmem>>) semaphore(%arg10 : memref<!tpu.dma_semaphore, #tpu.memory_space<semaphore_mem>>) {add = true}
    %dma_start3A_276 = arith.constant 0 : i32
    %dma_start3A_277 = arith.constant 14 : i32
    %dma_start3A_278 = arith.constant 0 : i32
    %dma_start3A_279 = arith.constant 0 : i32
    %dma_start3A_280 = tpu.memref_slice %arg7[%dma_start3A_278, %dma_start3A_279] : memref<512x16xf32, #tpu.memory_space<vmem>> -> memref<128x16xf32, #tpu.memory_space<vmem>>
    %dma_start3A_281 = arith.constant 0 : i32
    %dma_start3A_282 = arith.constant 0 : i32
    %dma_start3A_283 = tpu.memref_slice %arg6[%dma_start3A_276, %dma_start3A_281, %dma_start3A_282] : memref<2x200x128xi32, #tpu.memory_space<vmem>> -> memref<1x200x128xi32, #tpu.memory_space<vmem>>
    %dma_start3A_284 = tpu.memref_squeeze %dma_start3A_283 : memref<1x200x128xi32, #tpu.memory_space<vmem>> -> memref<200x128xi32, #tpu.memory_space<vmem>>
    %dma_start3A_285 = arith.constant 0 : i32
    %dma_start3A_286 = tpu.memref_slice %dma_start3A_284[%dma_start3A_277, %dma_start3A_285] : memref<200x128xi32, #tpu.memory_space<vmem>> -> memref<1x128xi32, #tpu.memory_space<vmem>>
    %dma_start3A_287 = tpu.memref_squeeze %dma_start3A_286 : memref<1x128xi32, #tpu.memory_space<vmem>> -> memref<128xi32, #tpu.memory_space<vmem>>
    %dma_start3A_288 = arith.constant 0 : i32
    %dma_start3A_289 = arith.constant 0 : i32
    %dma_start3A_290 = tpu.memref_slice %arg2[%dma_start3A_288, %dma_start3A_289] : memref<1015808x16xf32, #tpu.memory_space<hbm>> -> memref<1015808x16xf32, #tpu.memory_space<hbm>>
    tpu.enqueue_indirect_dma source(%dma_start3A_290 : memref<1015808x16xf32, #tpu.memory_space<hbm>>) target(%dma_start3A_280 : memref<128x16xf32, #tpu.memory_space<vmem>>) offsets(%dma_start3A_287 : memref<128xi32, #tpu.memory_space<vmem>>) semaphore(%arg10 : memref<!tpu.dma_semaphore, #tpu.memory_space<semaphore_mem>>) {add = true}
    %dma_start3A_291 = arith.constant 0 : i32
    %dma_start3A_292 = arith.constant 15 : i32
    %dma_start3A_293 = arith.constant 0 : i32
    %dma_start3A_294 = arith.constant 0 : i32
    %dma_start3A_295 = tpu.memref_slice %arg7[%dma_start3A_293, %dma_start3A_294] : memref<512x16xf32, #tpu.memory_space<vmem>> -> memref<128x16xf32, #tpu.memory_space<vmem>>
    %dma_start3A_296 = arith.constant 0 : i32
    %dma_start3A_297 = arith.constant 0 : i32
    %dma_start3A_298 = tpu.memref_slice %arg6[%dma_start3A_291, %dma_start3A_296, %dma_start3A_297] : memref<2x200x128xi32, #tpu.memory_space<vmem>> -> memref<1x200x128xi32, #tpu.memory_space<vmem>>
    %dma_start3A_299 = tpu.memref_squeeze %dma_start3A_298 : memref<1x200x128xi32, #tpu.memory_space<vmem>> -> memref<200x128xi32, #tpu.memory_space<vmem>>
    %dma_start3A_300 = arith.constant 0 : i32
    %dma_start3A_301 = tpu.memref_slice %dma_start3A_299[%dma_start3A_292, %dma_start3A_300] : memref<200x128xi32, #tpu.memory_space<vmem>> -> memref<1x128xi32, #tpu.memory_space<vmem>>
    %dma_start3A_302 = tpu.memref_squeeze %dma_start3A_301 : memref<1x128xi32, #tpu.memory_space<vmem>> -> memref<128xi32, #tpu.memory_space<vmem>>
    %dma_start3A_303 = arith.constant 0 : i32
    %dma_start3A_304 = arith.constant 0 : i32
    %dma_start3A_305 = tpu.memref_slice %arg2[%dma_start3A_303, %dma_start3A_304] : memref<1015808x16xf32, #tpu.memory_space<hbm>> -> memref<1015808x16xf32, #tpu.memory_space<hbm>>
    tpu.enqueue_indirect_dma source(%dma_start3A_305 : memref<1015808x16xf32, #tpu.memory_space<hbm>>) target(%dma_start3A_295 : memref<128x16xf32, #tpu.memory_space<vmem>>) offsets(%dma_start3A_302 : memref<128xi32, #tpu.memory_space<vmem>>) semaphore(%arg10 : memref<!tpu.dma_semaphore, #tpu.memory_space<semaphore_mem>>) {add = true}
    %scan3A_306 = arith.constant 0 : i32
    %scan3A_307 = arith.constant 0 : i32
    %scan3A_308 = arith.constant 16 : i32
    %scan3A_309 = arith.constant 184 : i32
    %scan3A_310 = arith.addi %scan3A_308, %scan3A_309 : i32
    %scan3A_311 = arith.constant 1 : i32
    scf.for %scan3A_1869 = %scan3A_308 to %scan3A_310 step %scan3A_311  : i32 {
      %dma_wait3A_1870 = arith.constant 0 : i32
      %dma_wait3A_1871 = arith.constant 0 : i32
      %dma_wait3A_1872 = arith.constant 0 : i32
      %dma_wait3A_1873 = arith.constant 0 : i32
      %dma_wait3A_1874 = tpu.memref_slice %arg7[%dma_wait3A_1872, %dma_wait3A_1873] : memref<512x16xf32, #tpu.memory_space<vmem>> -> memref<128x16xf32, #tpu.memory_space<vmem>>
      %dma_wait3A_1875 = arith.constant 0 : i32
      %dma_wait3A_1876 = tpu.memref_slice %arg6[%dma_wait3A_1870, %dma_wait3A_1871, %dma_wait3A_1875] : memref<2x200x128xi32, #tpu.memory_space<vmem>> -> memref<1x1x128xi32, #tpu.memory_space<vmem>>
      %dma_wait3A_1877 = tpu.memref_squeeze %dma_wait3A_1876 : memref<1x1x128xi32, #tpu.memory_space<vmem>> -> memref<128xi32, #tpu.memory_space<vmem>>
      %dma_wait3A_1878 = arith.constant 0 : i32
      %dma_wait3A_1879 = arith.constant 0 : i32
      %dma_wait3A_1880 = tpu.memref_slice %arg2[%dma_wait3A_1878, %dma_wait3A_1879] : memref<1015808x16xf32, #tpu.memory_space<hbm>> -> memref<1015808x16xf32, #tpu.memory_space<hbm>>
      tpu.wait_indirect_dma semaphore(%arg10 : memref<!tpu.dma_semaphore, #tpu.memory_space<semaphore_mem>>) src(%dma_wait3A_1880 : memref<1015808x16xf32, #tpu.memory_space<hbm>>) dst(%dma_wait3A_1874 : memref<128x16xf32, #tpu.memory_space<vmem>>)
      %dma_start3A_1881 = arith.constant 0 : i32
      %dma_start3A_1882 = arith.constant 0 : i32
      %dma_start3A_1883 = tpu.memref_slice %arg7[%dma_start3A_1881, %dma_start3A_1882] : memref<512x16xf32, #tpu.memory_space<vmem>> -> memref<128x16xf32, #tpu.memory_space<vmem>>
      %dma_start3A_1884 = arith.constant 0 : i32
      %dma_start3A_1885 = arith.constant 0 : i32
      %dma_start3A_1886 = tpu.memref_slice %arg6[%scan3A_307, %dma_start3A_1884, %dma_start3A_1885] : memref<2x200x128xi32, #tpu.memory_space<vmem>> -> memref<1x200x128xi32, #tpu.memory_space<vmem>>
      %dma_start3A_1887 = tpu.memref_squeeze %dma_start3A_1886 : memref<1x200x128xi32, #tpu.memory_space<vmem>> -> memref<200x128xi32, #tpu.memory_space<vmem>>
      %dma_start3A_1888 = arith.constant 0 : i32
      %dma_start3A_1889 = tpu.memref_slice %dma_start3A_1887[%scan3A_1869, %dma_start3A_1888] : memref<200x128xi32, #tpu.memory_space<vmem>> -> memref<1x128xi32, #tpu.memory_space<vmem>>
      %dma_start3A_1890 = tpu.memref_squeeze %dma_start3A_1889 : memref<1x128xi32, #tpu.memory_space<vmem>> -> memref<128xi32, #tpu.memory_space<vmem>>
      %dma_start3A_1891 = arith.constant 0 : i32
      %dma_start3A_1892 = arith.constant 0 : i32
      %dma_start3A_1893 = tpu.memref_slice %arg2[%dma_start3A_1891, %dma_start3A_1892] : memref<1015808x16xf32, #tpu.memory_space<hbm>> -> memref<1015808x16xf32, #tpu.memory_space<hbm>>
      tpu.enqueue_indirect_dma source(%dma_start3A_1893 : memref<1015808x16xf32, #tpu.memory_space<hbm>>) target(%dma_start3A_1883 : memref<128x16xf32, #tpu.memory_space<vmem>>) offsets(%dma_start3A_1890 : memref<128xi32, #tpu.memory_space<vmem>>) semaphore(%arg10 : memref<!tpu.dma_semaphore, #tpu.memory_space<semaphore_mem>>) {add = true}
    }
    %scan3A_312 = arith.constant 184 : i32
    %dma_wait3A_313 = arith.constant 0 : i32
    %dma_wait3A_314 = arith.constant 0 : i32
    %dma_wait3A_315 = arith.constant 0 : i32
    %dma_wait3A_316 = arith.constant 0 : i32
    %dma_wait3A_317 = tpu.memref_slice %arg7[%dma_wait3A_315, %dma_wait3A_316] : memref<512x16xf32, #tpu.memory_space<vmem>> -> memref<128x16xf32, #tpu.memory_space<vmem>>
    %dma_wait3A_318 = arith.constant 0 : i32
    %dma_wait3A_319 = tpu.memref_slice %arg6[%dma_wait3A_313, %dma_wait3A_314, %dma_wait3A_318] : memref<2x200x128xi32, #tpu.memory_space<vmem>> -> memref<1x1x128xi32, #tpu.memory_space<vmem>>
    %dma_wait3A_320 = tpu.memref_squeeze %dma_wait3A_319 : memref<1x1x128xi32, #tpu.memory_space<vmem>> -> memref<128xi32, #tpu.memory_space<vmem>>
    %dma_wait3A_321 = arith.constant 0 : i32
    %dma_wait3A_322 = arith.constant 0 : i32
    %dma_wait3A_323 = tpu.memref_slice %arg2[%dma_wait3A_321, %dma_wait3A_322] : memref<1015808x16xf32, #tpu.memory_space<hbm>> -> memref<1015808x16xf32, #tpu.memory_space<hbm>>
    tpu.wait_indirect_dma semaphore(%arg10 : memref<!tpu.dma_semaphore, #tpu.memory_space<semaphore_mem>>) src(%dma_wait3A_323 : memref<1015808x16xf32, #tpu.memory_space<hbm>>) dst(%dma_wait3A_317 : memref<128x16xf32, #tpu.memory_space<vmem>>)
    %dma_wait3A_324 = arith.constant 0 : i32
    %dma_wait3A_325 = arith.constant 0 : i32
    %dma_wait3A_326 = arith.constant 0 : i32
    %dma_wait3A_327 = arith.constant 0 : i32
    %dma_wait3A_328 = tpu.memref_slice %arg7[%dma_wait3A_326, %dma_wait3A_327] : memref<512x16xf32, #tpu.memory_space<vmem>> -> memref<128x16xf32, #tpu.memory_space<vmem>>
    %dma_wait3A_329 = arith.constant 0 : i32
    %dma_wait3A_330 = tpu.memref_slice %arg6[%dma_wait3A_324, %dma_wait3A_325, %dma_wait3A_329] : memref<2x200x128xi32, #tpu.memory_space<vmem>> -> memref<1x1x128xi32, #tpu.memory_space<vmem>>
    %dma_wait3A_331 = tpu.memref_squeeze %dma_wait3A_330 : memref<1x1x128xi32, #tpu.memory_space<vmem>> -> memref<128xi32, #tpu.memory_space<vmem>>
    %dma_wait3A_332 = arith.constant 0 : i32
    %dma_wait3A_333 = arith.constant 0 : i32
    %dma_wait3A_334 = tpu.memref_slice %arg2[%dma_wait3A_332, %dma_wait3A_333] : memref<1015808x16xf32, #tpu.memory_space<hbm>> -> memref<1015808x16xf32, #tpu.memory_space<hbm>>
    tpu.wait_indirect_dma semaphore(%arg10 : memref<!tpu.dma_semaphore, #tpu.memory_space<semaphore_mem>>) src(%dma_wait3A_334 : memref<1015808x16xf32, #tpu.memory_space<hbm>>) dst(%dma_wait3A_328 : memref<128x16xf32, #tpu.memory_space<vmem>>)
    %dma_wait3A_335 = arith.constant 0 : i32
    %dma_wait3A_336 = arith.constant 0 : i32
    %dma_wait3A_337 = arith.constant 0 : i32
    %dma_wait3A_338 = arith.constant 0 : i32
    %dma_wait3A_339 = tpu.memref_slice %arg7[%dma_wait3A_337, %dma_wait3A_338] : memref<512x16xf32, #tpu.memory_space<vmem>> -> memref<128x16xf32, #tpu.memory_space<vmem>>
    %dma_wait3A_340 = arith.constant 0 : i32
    %dma_wait3A_341 = tpu.memref_slice %arg6[%dma_wait3A_335, %dma_wait3A_336, %dma_wait3A_340] : memref<2x200x128xi32, #tpu.memory_space<vmem>> -> memref<1x1x128xi32, #tpu.memory_space<vmem>>
    %dma_wait3A_342 = tpu.memref_squeeze %dma_wait3A_341 : memref<1x1x128xi32, #tpu.memory_space<vmem>> -> memref<128xi32, #tpu.memory_space<vmem>>
    %dma_wait3A_343 = arith.constant 0 : i32
    %dma_wait3A_344 = arith.constant 0 : i32
    %dma_wait3A_345 = tpu.memref_slice %arg2[%dma_wait3A_343, %dma_wait3A_344] : memref<1015808x16xf32, #tpu.memory_space<hbm>> -> memref<1015808x16xf32, #tpu.memory_space<hbm>>
    tpu.wait_indirect_dma semaphore(%arg10 : memref<!tpu.dma_semaphore, #tpu.memory_space<semaphore_mem>>) src(%dma_wait3A_345 : memref<1015808x16xf32, #tpu.memory_space<hbm>>) dst(%dma_wait3A_339 : memref<128x16xf32, #tpu.memory_space<vmem>>)
    %dma_wait3A_346 = arith.constant 0 : i32
    %dma_wait3A_347 = arith.constant 0 : i32
    %dma_wait3A_348 = arith.constant 0 : i32
    %dma_wait3A_349 = arith.constant 0 : i32
    %dma_wait3A_350 = tpu.memref_slice %arg7[%dma_wait3A_348, %dma_wait3A_349] : memref<512x16xf32, #tpu.memory_space<vmem>> -> memref<128x16xf32, #tpu.memory_space<vmem>>
    %dma_wait3A_351 = arith.constant 0 : i32
    %dma_wait3A_352 = tpu.memref_slice %arg6[%dma_wait3A_346, %dma_wait3A_347, %dma_wait3A_351] : memref<2x200x128xi32, #tpu.memory_space<vmem>> -> memref<1x1x128xi32, #tpu.memory_space<vmem>>
    %dma_wait3A_353 = tpu.memref_squeeze %dma_wait3A_352 : memref<1x1x128xi32, #tpu.memory_space<vmem>> -> memref<128xi32, #tpu.memory_space<vmem>>
    %dma_wait3A_354 = arith.constant 0 : i32
    %dma_wait3A_355 = arith.constant 0 : i32
    %dma_wait3A_356 = tpu.memref_slice %arg2[%dma_wait3A_354, %dma_wait3A_355] : memref<1015808x16xf32, #tpu.memory_space<hbm>> -> memref<1015808x16xf32, #tpu.memory_space<hbm>>
    tpu.wait_indirect_dma semaphore(%arg10 : memref<!tpu.dma_semaphore, #tpu.memory_space<semaphore_mem>>) src(%dma_wait3A_356 : memref<1015808x16xf32, #tpu.memory_space<hbm>>) dst(%dma_wait3A_350 : memref<128x16xf32, #tpu.memory_space<vmem>>)
    %dma_wait3A_357 = arith.constant 0 : i32
    %dma_wait3A_358 = arith.constant 0 : i32
    %dma_wait3A_359 = arith.constant 0 : i32
    %dma_wait3A_360 = arith.constant 0 : i32
    %dma_wait3A_361 = tpu.memref_slice %arg7[%dma_wait3A_359, %dma_wait3A_360] : memref<512x16xf32, #tpu.memory_space<vmem>> -> memref<128x16xf32, #tpu.memory_space<vmem>>
    %dma_wait3A_362 = arith.constant 0 : i32
    %dma_wait3A_363 = tpu.memref_slice %arg6[%dma_wait3A_357, %dma_wait3A_358, %dma_wait3A_362] : memref<2x200x128xi32, #tpu.memory_space<vmem>> -> memref<1x1x128xi32, #tpu.memory_space<vmem>>
    %dma_wait3A_364 = tpu.memref_squeeze %dma_wait3A_363 : memref<1x1x128xi32, #tpu.memory_space<vmem>> -> memref<128xi32, #tpu.memory_space<vmem>>
    %dma_wait3A_365 = arith.constant 0 : i32
    %dma_wait3A_366 = arith.constant 0 : i32
    %dma_wait3A_367 = tpu.memref_slice %arg2[%dma_wait3A_365, %dma_wait3A_366] : memref<1015808x16xf32, #tpu.memory_space<hbm>> -> memref<1015808x16xf32, #tpu.memory_space<hbm>>
    tpu.wait_indirect_dma semaphore(%arg10 : memref<!tpu.dma_semaphore, #tpu.memory_space<semaphore_mem>>) src(%dma_wait3A_367 : memref<1015808x16xf32, #tpu.memory_space<hbm>>) dst(%dma_wait3A_361 : memref<128x16xf32, #tpu.memory_space<vmem>>)
    %dma_wait3A_368 = arith.constant 0 : i32
    %dma_wait3A_369 = arith.constant 0 : i32
    %dma_wait3A_370 = arith.constant 0 : i32
    %dma_wait3A_371 = arith.constant 0 : i32
    %dma_wait3A_372 = tpu.memref_slice %arg7[%dma_wait3A_370, %dma_wait3A_371] : memref<512x16xf32, #tpu.memory_space<vmem>> -> memref<128x16xf32, #tpu.memory_space<vmem>>
    %dma_wait3A_373 = arith.constant 0 : i32
    %dma_wait3A_374 = tpu.memref_slice %arg6[%dma_wait3A_368, %dma_wait3A_369, %dma_wait3A_373] : memref<2x200x128xi32, #tpu.memory_space<vmem>> -> memref<1x1x128xi32, #tpu.memory_space<vmem>>
    %dma_wait3A_375 = tpu.memref_squeeze %dma_wait3A_374 : memref<1x1x128xi32, #tpu.memory_space<vmem>> -> memref<128xi32, #tpu.memory_space<vmem>>
    %dma_wait3A_376 = arith.constant 0 : i32
    %dma_wait3A_377 = arith.constant 0 : i32
    %dma_wait3A_378 = tpu.memref_slice %arg2[%dma_wait3A_376, %dma_wait3A_377] : memref<1015808x16xf32, #tpu.memory_space<hbm>> -> memref<1015808x16xf32, #tpu.memory_space<hbm>>
    tpu.wait_indirect_dma semaphore(%arg10 : memref<!tpu.dma_semaphore, #tpu.memory_space<semaphore_mem>>) src(%dma_wait3A_378 : memref<1015808x16xf32, #tpu.memory_space<hbm>>) dst(%dma_wait3A_372 : memref<128x16xf32, #tpu.memory_space<vmem>>)
    %dma_wait3A_379 = arith.constant 0 : i32
    %dma_wait3A_380 = arith.constant 0 : i32
    %dma_wait3A_381 = arith.constant 0 : i32
    %dma_wait3A_382 = arith.constant 0 : i32
    %dma_wait3A_383 = tpu.memref_slice %arg7[%dma_wait3A_381, %dma_wait3A_382] : memref<512x16xf32, #tpu.memory_space<vmem>> -> memref<128x16xf32, #tpu.memory_space<vmem>>
    %dma_wait3A_384 = arith.constant 0 : i32
    %dma_wait3A_385 = tpu.memref_slice %arg6[%dma_wait3A_379, %dma_wait3A_380, %dma_wait3A_384] : memref<2x200x128xi32, #tpu.memory_space<vmem>> -> memref<1x1x128xi32, #tpu.memory_space<vmem>>
    %dma_wait3A_386 = tpu.memref_squeeze %dma_wait3A_385 : memref<1x1x128xi32, #tpu.memory_space<vmem>> -> memref<128xi32, #tpu.memory_space<vmem>>
    %dma_wait3A_387 = arith.constant 0 : i32
    %dma_wait3A_388 = arith.constant 0 : i32
    %dma_wait3A_389 = tpu.memref_slice %arg2[%dma_wait3A_387, %dma_wait3A_388] : memref<1015808x16xf32, #tpu.memory_space<hbm>> -> memref<1015808x16xf32, #tpu.memory_space<hbm>>
    tpu.wait_indirect_dma semaphore(%arg10 : memref<!tpu.dma_semaphore, #tpu.memory_space<semaphore_mem>>) src(%dma_wait3A_389 : memref<1015808x16xf32, #tpu.memory_space<hbm>>) dst(%dma_wait3A_383 : memref<128x16xf32, #tpu.memory_space<vmem>>)
    %dma_wait3A_390 = arith.constant 0 : i32
    %dma_wait3A_391 = arith.constant 0 : i32
    %dma_wait3A_392 = arith.constant 0 : i32
    %dma_wait3A_393 = arith.constant 0 : i32
    %dma_wait3A_394 = tpu.memref_slice %arg7[%dma_wait3A_392, %dma_wait3A_393] : memref<512x16xf32, #tpu.memory_space<vmem>> -> memref<128x16xf32, #tpu.memory_space<vmem>>
    %dma_wait3A_395 = arith.constant 0 : i32
    %dma_wait3A_396 = tpu.memref_slice %arg6[%dma_wait3A_390, %dma_wait3A_391, %dma_wait3A_395] : memref<2x200x128xi32, #tpu.memory_space<vmem>> -> memref<1x1x128xi32, #tpu.memory_space<vmem>>
    %dma_wait3A_397 = tpu.memref_squeeze %dma_wait3A_396 : memref<1x1x128xi32, #tpu.memory_space<vmem>> -> memref<128xi32, #tpu.memory_space<vmem>>
    %dma_wait3A_398 = arith.constant 0 : i32
    %dma_wait3A_399 = arith.constant 0 : i32
    %dma_wait3A_400 = tpu.memref_slice %arg2[%dma_wait3A_398, %dma_wait3A_399] : memref<1015808x16xf32, #tpu.memory_space<hbm>> -> memref<1015808x16xf32, #tpu.memory_space<hbm>>
    tpu.wait_indirect_dma semaphore(%arg10 : memref<!tpu.dma_semaphore, #tpu.memory_space<semaphore_mem>>) src(%dma_wait3A_400 : memref<1015808x16xf32, #tpu.memory_space<hbm>>) dst(%dma_wait3A_394 : memref<128x16xf32, #tpu.memory_space<vmem>>)
    %dma_wait3A_401 = arith.constant 0 : i32
    %dma_wait3A_402 = arith.constant 0 : i32
    %dma_wait3A_403 = arith.constant 0 : i32
    %dma_wait3A_404 = arith.constant 0 : i32
    %dma_wait3A_405 = tpu.memref_slice %arg7[%dma_wait3A_403, %dma_wait3A_404] : memref<512x16xf32, #tpu.memory_space<vmem>> -> memref<128x16xf32, #tpu.memory_space<vmem>>
    %dma_wait3A_406 = arith.constant 0 : i32
    %dma_wait3A_407 = tpu.memref_slice %arg6[%dma_wait3A_401, %dma_wait3A_402, %dma_wait3A_406] : memref<2x200x128xi32, #tpu.memory_space<vmem>> -> memref<1x1x128xi32, #tpu.memory_space<vmem>>
    %dma_wait3A_408 = tpu.memref_squeeze %dma_wait3A_407 : memref<1x1x128xi32, #tpu.memory_space<vmem>> -> memref<128xi32, #tpu.memory_space<vmem>>
    %dma_wait3A_409 = arith.constant 0 : i32
    %dma_wait3A_410 = arith.constant 0 : i32
    %dma_wait3A_411 = tpu.memref_slice %arg2[%dma_wait3A_409, %dma_wait3A_410] : memref<1015808x16xf32, #tpu.memory_space<hbm>> -> memref<1015808x16xf32, #tpu.memory_space<hbm>>
    tpu.wait_indirect_dma semaphore(%arg10 : memref<!tpu.dma_semaphore, #tpu.memory_space<semaphore_mem>>) src(%dma_wait3A_411 : memref<1015808x16xf32, #tpu.memory_space<hbm>>) dst(%dma_wait3A_405 : memref<128x16xf32, #tpu.memory_space<vmem>>)
    %dma_wait3A_412 = arith.constant 0 : i32
    %dma_wait3A_413 = arith.constant 0 : i32
    %dma_wait3A_414 = arith.constant 0 : i32
    %dma_wait3A_415 = arith.constant 0 : i32
    %dma_wait3A_416 = tpu.memref_slice %arg7[%dma_wait3A_414, %dma_wait3A_415] : memref<512x16xf32, #tpu.memory_space<vmem>> -> memref<128x16xf32, #tpu.memory_space<vmem>>
    %dma_wait3A_417 = arith.constant 0 : i32
    %dma_wait3A_418 = tpu.memref_slice %arg6[%dma_wait3A_412, %dma_wait3A_413, %dma_wait3A_417] : memref<2x200x128xi32, #tpu.memory_space<vmem>> -> memref<1x1x128xi32, #tpu.memory_space<vmem>>
    %dma_wait3A_419 = tpu.memref_squeeze %dma_wait3A_418 : memref<1x1x128xi32, #tpu.memory_space<vmem>> -> memref<128xi32, #tpu.memory_space<vmem>>
    %dma_wait3A_420 = arith.constant 0 : i32
    %dma_wait3A_421 = arith.constant 0 : i32
    %dma_wait3A_422 = tpu.memref_slice %arg2[%dma_wait3A_420, %dma_wait3A_421] : memref<1015808x16xf32, #tpu.memory_space<hbm>> -> memref<1015808x16xf32, #tpu.memory_space<hbm>>
    tpu.wait_indirect_dma semaphore(%arg10 : memref<!tpu.dma_semaphore, #tpu.memory_space<semaphore_mem>>) src(%dma_wait3A_422 : memref<1015808x16xf32, #tpu.memory_space<hbm>>) dst(%dma_wait3A_416 : memref<128x16xf32, #tpu.memory_space<vmem>>)
    %dma_wait3A_423 = arith.constant 0 : i32
    %dma_wait3A_424 = arith.constant 0 : i32
    %dma_wait3A_425 = arith.constant 0 : i32
    %dma_wait3A_426 = arith.constant 0 : i32
    %dma_wait3A_427 = tpu.memref_slice %arg7[%dma_wait3A_425, %dma_wait3A_426] : memref<512x16xf32, #tpu.memory_space<vmem>> -> memref<128x16xf32, #tpu.memory_space<vmem>>
    %dma_wait3A_428 = arith.constant 0 : i32
    %dma_wait3A_429 = tpu.memref_slice %arg6[%dma_wait3A_423, %dma_wait3A_424, %dma_wait3A_428] : memref<2x200x128xi32, #tpu.memory_space<vmem>> -> memref<1x1x128xi32, #tpu.memory_space<vmem>>
    %dma_wait3A_430 = tpu.memref_squeeze %dma_wait3A_429 : memref<1x1x128xi32, #tpu.memory_space<vmem>> -> memref<128xi32, #tpu.memory_space<vmem>>
    %dma_wait3A_431 = arith.constant 0 : i32
    %dma_wait3A_432 = arith.constant 0 : i32
    %dma_wait3A_433 = tpu.memref_slice %arg2[%dma_wait3A_431, %dma_wait3A_432] : memref<1015808x16xf32, #tpu.memory_space<hbm>> -> memref<1015808x16xf32, #tpu.memory_space<hbm>>
    tpu.wait_indirect_dma semaphore(%arg10 : memref<!tpu.dma_semaphore, #tpu.memory_space<semaphore_mem>>) src(%dma_wait3A_433 : memref<1015808x16xf32, #tpu.memory_space<hbm>>) dst(%dma_wait3A_427 : memref<128x16xf32, #tpu.memory_space<vmem>>)
    %dma_wait3A_434 = arith.constant 0 : i32
    %dma_wait3A_435 = arith.constant 0 : i32
    %dma_wait3A_436 = arith.constant 0 : i32
    %dma_wait3A_437 = arith.constant 0 : i32
    %dma_wait3A_438 = tpu.memref_slice %arg7[%dma_wait3A_436, %dma_wait3A_437] : memref<512x16xf32, #tpu.memory_space<vmem>> -> memref<128x16xf32, #tpu.memory_space<vmem>>
    %dma_wait3A_439 = arith.constant 0 : i32
    %dma_wait3A_440 = tpu.memref_slice %arg6[%dma_wait3A_434, %dma_wait3A_435, %dma_wait3A_439] : memref<2x200x128xi32, #tpu.memory_space<vmem>> -> memref<1x1x128xi32, #tpu.memory_space<vmem>>
    %dma_wait3A_441 = tpu.memref_squeeze %dma_wait3A_440 : memref<1x1x128xi32, #tpu.memory_space<vmem>> -> memref<128xi32, #tpu.memory_space<vmem>>
    %dma_wait3A_442 = arith.constant 0 : i32
    %dma_wait3A_443 = arith.constant 0 : i32
    %dma_wait3A_444 = tpu.memref_slice %arg2[%dma_wait3A_442, %dma_wait3A_443] : memref<1015808x16xf32, #tpu.memory_space<hbm>> -> memref<1015808x16xf32, #tpu.memory_space<hbm>>
    tpu.wait_indirect_dma semaphore(%arg10 : memref<!tpu.dma_semaphore, #tpu.memory_space<semaphore_mem>>) src(%dma_wait3A_444 : memref<1015808x16xf32, #tpu.memory_space<hbm>>) dst(%dma_wait3A_438 : memref<128x16xf32, #tpu.memory_space<vmem>>)
    %dma_wait3A_445 = arith.constant 0 : i32
    %dma_wait3A_446 = arith.constant 0 : i32
    %dma_wait3A_447 = arith.constant 0 : i32
    %dma_wait3A_448 = arith.constant 0 : i32
    %dma_wait3A_449 = tpu.memref_slice %arg7[%dma_wait3A_447, %dma_wait3A_448] : memref<512x16xf32, #tpu.memory_space<vmem>> -> memref<128x16xf32, #tpu.memory_space<vmem>>
    %dma_wait3A_450 = arith.constant 0 : i32
    %dma_wait3A_451 = tpu.memref_slice %arg6[%dma_wait3A_445, %dma_wait3A_446, %dma_wait3A_450] : memref<2x200x128xi32, #tpu.memory_space<vmem>> -> memref<1x1x128xi32, #tpu.memory_space<vmem>>
    %dma_wait3A_452 = tpu.memref_squeeze %dma_wait3A_451 : memref<1x1x128xi32, #tpu.memory_space<vmem>> -> memref<128xi32, #tpu.memory_space<vmem>>
    %dma_wait3A_453 = arith.constant 0 : i32
    %dma_wait3A_454 = arith.constant 0 : i32
    %dma_wait3A_455 = tpu.memref_slice %arg2[%dma_wait3A_453, %dma_wait3A_454] : memref<1015808x16xf32, #tpu.memory_space<hbm>> -> memref<1015808x16xf32, #tpu.memory_space<hbm>>
    tpu.wait_indirect_dma semaphore(%arg10 : memref<!tpu.dma_semaphore, #tpu.memory_space<semaphore_mem>>) src(%dma_wait3A_455 : memref<1015808x16xf32, #tpu.memory_space<hbm>>) dst(%dma_wait3A_449 : memref<128x16xf32, #tpu.memory_space<vmem>>)
    %dma_wait3A_456 = arith.constant 0 : i32
    %dma_wait3A_457 = arith.constant 0 : i32
    %dma_wait3A_458 = arith.constant 0 : i32
    %dma_wait3A_459 = arith.constant 0 : i32
    %dma_wait3A_460 = tpu.memref_slice %arg7[%dma_wait3A_458, %dma_wait3A_459] : memref<512x16xf32, #tpu.memory_space<vmem>> -> memref<128x16xf32, #tpu.memory_space<vmem>>
    %dma_wait3A_461 = arith.constant 0 : i32
    %dma_wait3A_462 = tpu.memref_slice %arg6[%dma_wait3A_456, %dma_wait3A_457, %dma_wait3A_461] : memref<2x200x128xi32, #tpu.memory_space<vmem>> -> memref<1x1x128xi32, #tpu.memory_space<vmem>>
    %dma_wait3A_463 = tpu.memref_squeeze %dma_wait3A_462 : memref<1x1x128xi32, #tpu.memory_space<vmem>> -> memref<128xi32, #tpu.memory_space<vmem>>
    %dma_wait3A_464 = arith.constant 0 : i32
    %dma_wait3A_465 = arith.constant 0 : i32
    %dma_wait3A_466 = tpu.memref_slice %arg2[%dma_wait3A_464, %dma_wait3A_465] : memref<1015808x16xf32, #tpu.memory_space<hbm>> -> memref<1015808x16xf32, #tpu.memory_space<hbm>>
    tpu.wait_indirect_dma semaphore(%arg10 : memref<!tpu.dma_semaphore, #tpu.memory_space<semaphore_mem>>) src(%dma_wait3A_466 : memref<1015808x16xf32, #tpu.memory_space<hbm>>) dst(%dma_wait3A_460 : memref<128x16xf32, #tpu.memory_space<vmem>>)
    %dma_wait3A_467 = arith.constant 0 : i32
    %dma_wait3A_468 = arith.constant 0 : i32
    %dma_wait3A_469 = arith.constant 0 : i32
    %dma_wait3A_470 = arith.constant 0 : i32
    %dma_wait3A_471 = tpu.memref_slice %arg7[%dma_wait3A_469, %dma_wait3A_470] : memref<512x16xf32, #tpu.memory_space<vmem>> -> memref<128x16xf32, #tpu.memory_space<vmem>>
    %dma_wait3A_472 = arith.constant 0 : i32
    %dma_wait3A_473 = tpu.memref_slice %arg6[%dma_wait3A_467, %dma_wait3A_468, %dma_wait3A_472] : memref<2x200x128xi32, #tpu.memory_space<vmem>> -> memref<1x1x128xi32, #tpu.memory_space<vmem>>
    %dma_wait3A_474 = tpu.memref_squeeze %dma_wait3A_473 : memref<1x1x128xi32, #tpu.memory_space<vmem>> -> memref<128xi32, #tpu.memory_space<vmem>>
    %dma_wait3A_475 = arith.constant 0 : i32
    %dma_wait3A_476 = arith.constant 0 : i32
    %dma_wait3A_477 = tpu.memref_slice %arg2[%dma_wait3A_475, %dma_wait3A_476] : memref<1015808x16xf32, #tpu.memory_space<hbm>> -> memref<1015808x16xf32, #tpu.memory_space<hbm>>
    tpu.wait_indirect_dma semaphore(%arg10 : memref<!tpu.dma_semaphore, #tpu.memory_space<semaphore_mem>>) src(%dma_wait3A_477 : memref<1015808x16xf32, #tpu.memory_space<hbm>>) dst(%dma_wait3A_471 : memref<128x16xf32, #tpu.memory_space<vmem>>)
    %dma_wait3A_478 = arith.constant 0 : i32
    %dma_wait3A_479 = arith.constant 0 : i32
    %dma_wait3A_480 = arith.constant 0 : i32
    %dma_wait3A_481 = arith.constant 0 : i32
    %dma_wait3A_482 = tpu.memref_slice %arg7[%dma_wait3A_480, %dma_wait3A_481] : memref<512x16xf32, #tpu.memory_space<vmem>> -> memref<128x16xf32, #tpu.memory_space<vmem>>
    %dma_wait3A_483 = arith.constant 0 : i32
    %dma_wait3A_484 = tpu.memref_slice %arg6[%dma_wait3A_478, %dma_wait3A_479, %dma_wait3A_483] : memref<2x200x128xi32, #tpu.memory_space<vmem>> -> memref<1x1x128xi32, #tpu.memory_space<vmem>>
    %dma_wait3A_485 = tpu.memref_squeeze %dma_wait3A_484 : memref<1x1x128xi32, #tpu.memory_space<vmem>> -> memref<128xi32, #tpu.memory_space<vmem>>
    %dma_wait3A_486 = arith.constant 0 : i32
    %dma_wait3A_487 = arith.constant 0 : i32
    %dma_wait3A_488 = tpu.memref_slice %arg2[%dma_wait3A_486, %dma_wait3A_487] : memref<1015808x16xf32, #tpu.memory_space<hbm>> -> memref<1015808x16xf32, #tpu.memory_space<hbm>>
    tpu.wait_indirect_dma semaphore(%arg10 : memref<!tpu.dma_semaphore, #tpu.memory_space<semaphore_mem>>) src(%dma_wait3A_488 : memref<1015808x16xf32, #tpu.memory_space<hbm>>) dst(%dma_wait3A_482 : memref<128x16xf32, #tpu.memory_space<vmem>>)
    %dma_wait3A_489 = arith.constant 0 : i32
    %dma_wait3A_490 = arith.constant 0 : i32
    %dma_wait3A_491 = arith.constant 0 : i32
    %dma_wait3A_492 = arith.constant 0 : i32
    %dma_wait3A_493 = tpu.memref_slice %arg6[%dma_wait3A_490, %dma_wait3A_491, %dma_wait3A_492] : memref<2x200x128xi32, #tpu.memory_space<vmem>> -> memref<1x200x128xi32, #tpu.memory_space<vmem>>
    %dma_wait3A_494 = tpu.memref_squeeze %dma_wait3A_493 : memref<1x200x128xi32, #tpu.memory_space<vmem>> -> memref<200x128xi32, #tpu.memory_space<vmem>>
    %dma_wait3A_495 = arith.constant 0 : i32
    %dma_wait3A_496 = arith.constant 0 : i32
    %dma_wait3A_497 = tpu.memref_slice %arg3[%dma_wait3A_495, %dma_wait3A_489, %dma_wait3A_496] : memref<200x128x128xi32, #tpu.memory_space<hbm>> -> memref<200x1x128xi32, #tpu.memory_space<hbm>>
    %dma_wait3A_498 = tpu.memref_squeeze %dma_wait3A_497 : memref<200x1x128xi32, #tpu.memory_space<hbm>> -> memref<200x128xi32, #tpu.memory_space<hbm>>
    %dma_wait3A_499 = arith.constant 0 : i32
    %dma_wait3A_500 = arith.constant 0 : i32
    %dma_wait3A_501 = tpu.memref_slice %arg6[%dma_wait3A_490, %dma_wait3A_499, %dma_wait3A_500] : memref<2x200x128xi32, #tpu.memory_space<vmem>> -> memref<1x200x128xi32, #tpu.memory_space<vmem>>
    %dma_wait3A_502 = tpu.memref_squeeze %dma_wait3A_501 : memref<1x200x128xi32, #tpu.memory_space<vmem>> -> memref<200x128xi32, #tpu.memory_space<vmem>>
    %dma_wait3A_503 = arith.constant 0 : i32
    %dma_wait3A_504 = arith.constant 0 : i32
    %dma_wait3A_505 = tpu.memref_slice %arg3[%dma_wait3A_503, %dma_wait3A_489, %dma_wait3A_504] : memref<200x128x128xi32, #tpu.memory_space<hbm>> -> memref<200x1x128xi32, #tpu.memory_space<hbm>>
    %dma_wait3A_506 = tpu.memref_squeeze %dma_wait3A_505 : memref<200x1x128xi32, #tpu.memory_space<hbm>> -> memref<200x128xi32, #tpu.memory_space<hbm>>
    tpu.wait_dma2 semaphore(%arg9 : memref<!tpu.dma_semaphore, #tpu.memory_space<semaphore_mem>>) src(%dma_wait3A_506 : memref<200x128xi32, #tpu.memory_space<hbm>>) dst(%dma_wait3A_502 : memref<200x128xi32, #tpu.memory_space<vmem>>)
    %mul3A_507 = arith.constant 4 : i32
    %mul3A_508 = arith.muli %add3A, %mul3A_507 : i32
    %add3A_509 = arith.constant 2 : i32
    %add3A_510 = arith.addi %mul3A_508, %add3A_509 : i32
    %dma_start3A_511 = arith.constant 0 : i32
    %dma_start3A_512 = arith.constant 0 : i32
    %dma_start3A_513 = arith.constant 0 : i32
    %dma_start3A_514 = tpu.memref_slice %arg6[%dma_start3A_511, %dma_start3A_512, %dma_start3A_513] : memref<2x200x128xi32, #tpu.memory_space<vmem>> -> memref<1x200x128xi32, #tpu.memory_space<vmem>>
    %dma_start3A_515 = tpu.memref_squeeze %dma_start3A_514 : memref<1x200x128xi32, #tpu.memory_space<vmem>> -> memref<200x128xi32, #tpu.memory_space<vmem>>
    %dma_start3A_516 = arith.constant 0 : i32
    %dma_start3A_517 = arith.constant 0 : i32
    %dma_start3A_518 = tpu.memref_slice %arg3[%dma_start3A_516, %add3A_510, %dma_start3A_517] : memref<200x128x128xi32, #tpu.memory_space<hbm>> -> memref<200x1x128xi32, #tpu.memory_space<hbm>>
    %dma_start3A_519 = tpu.memref_squeeze %dma_start3A_518 : memref<200x1x128xi32, #tpu.memory_space<hbm>> -> memref<200x128xi32, #tpu.memory_space<hbm>>
    %dma_start3A_520 = arith.constant 0 : i32
    %dma_start3A_521 = arith.constant 0 : i32
    %dma_start3A_522 = tpu.memref_slice %arg6[%dma_start3A_511, %dma_start3A_520, %dma_start3A_521] : memref<2x200x128xi32, #tpu.memory_space<vmem>> -> memref<1x200x128xi32, #tpu.memory_space<vmem>>
    %dma_start3A_523 = tpu.memref_squeeze %dma_start3A_522 : memref<1x200x128xi32, #tpu.memory_space<vmem>> -> memref<200x128xi32, #tpu.memory_space<vmem>>
    %dma_start3A_524 = arith.constant 0 : i32
    %dma_start3A_525 = arith.constant 0 : i32
    %dma_start3A_526 = tpu.memref_slice %arg3[%dma_start3A_524, %add3A_510, %dma_start3A_525] : memref<200x128x128xi32, #tpu.memory_space<hbm>> -> memref<200x1x128xi32, #tpu.memory_space<hbm>>
    %dma_start3A_527 = tpu.memref_squeeze %dma_start3A_526 : memref<200x1x128xi32, #tpu.memory_space<hbm>> -> memref<200x128xi32, #tpu.memory_space<hbm>>
    tpu.enqueue_dma source(%dma_start3A_527 : memref<200x128xi32, #tpu.memory_space<hbm>>) target(%dma_start3A_523 : memref<200x128xi32, #tpu.memory_space<vmem>>) target_semaphore(%arg9 : memref<!tpu.dma_semaphore, #tpu.memory_space<semaphore_mem>>)
    %dma_start3A_528 = arith.constant 1 : i32
    %dma_start3A_529 = arith.constant 0 : i32
    %dma_start3A_530 = arith.constant 128 : i32
    %dma_start3A_531 = arith.constant 0 : i32
    %dma_start3A_532 = tpu.memref_slice %arg7[%dma_start3A_530, %dma_start3A_531] : memref<512x16xf32, #tpu.memory_space<vmem>> -> memref<128x16xf32, #tpu.memory_space<vmem>>
    %dma_start3A_533 = arith.constant 0 : i32
    %dma_start3A_534 = arith.constant 0 : i32
    %dma_start3A_535 = tpu.memref_slice %arg6[%dma_start3A_528, %dma_start3A_533, %dma_start3A_534] : memref<2x200x128xi32, #tpu.memory_space<vmem>> -> memref<1x200x128xi32, #tpu.memory_space<vmem>>
    %dma_start3A_536 = tpu.memref_squeeze %dma_start3A_535 : memref<1x200x128xi32, #tpu.memory_space<vmem>> -> memref<200x128xi32, #tpu.memory_space<vmem>>
    %dma_start3A_537 = arith.constant 0 : i32
    %dma_start3A_538 = tpu.memref_slice %dma_start3A_536[%dma_start3A_529, %dma_start3A_537] : memref<200x128xi32, #tpu.memory_space<vmem>> -> memref<1x128xi32, #tpu.memory_space<vmem>>
    %dma_start3A_539 = tpu.memref_squeeze %dma_start3A_538 : memref<1x128xi32, #tpu.memory_space<vmem>> -> memref<128xi32, #tpu.memory_space<vmem>>
    %dma_start3A_540 = arith.constant 0 : i32
    %dma_start3A_541 = arith.constant 0 : i32
    %dma_start3A_542 = tpu.memref_slice %arg2[%dma_start3A_540, %dma_start3A_541] : memref<1015808x16xf32, #tpu.memory_space<hbm>> -> memref<1015808x16xf32, #tpu.memory_space<hbm>>
    tpu.enqueue_indirect_dma source(%dma_start3A_542 : memref<1015808x16xf32, #tpu.memory_space<hbm>>) target(%dma_start3A_532 : memref<128x16xf32, #tpu.memory_space<vmem>>) offsets(%dma_start3A_539 : memref<128xi32, #tpu.memory_space<vmem>>) semaphore(%arg10 : memref<!tpu.dma_semaphore, #tpu.memory_space<semaphore_mem>>) {add = true}
    %dma_start3A_543 = arith.constant 1 : i32
    %dma_start3A_544 = arith.constant 1 : i32
    %dma_start3A_545 = arith.constant 128 : i32
    %dma_start3A_546 = arith.constant 0 : i32
    %dma_start3A_547 = tpu.memref_slice %arg7[%dma_start3A_545, %dma_start3A_546] : memref<512x16xf32, #tpu.memory_space<vmem>> -> memref<128x16xf32, #tpu.memory_space<vmem>>
    %dma_start3A_548 = arith.constant 0 : i32
    %dma_start3A_549 = arith.constant 0 : i32
    %dma_start3A_550 = tpu.memref_slice %arg6[%dma_start3A_543, %dma_start3A_548, %dma_start3A_549] : memref<2x200x128xi32, #tpu.memory_space<vmem>> -> memref<1x200x128xi32, #tpu.memory_space<vmem>>
    %dma_start3A_551 = tpu.memref_squeeze %dma_start3A_550 : memref<1x200x128xi32, #tpu.memory_space<vmem>> -> memref<200x128xi32, #tpu.memory_space<vmem>>
    %dma_start3A_552 = arith.constant 0 : i32
    %dma_start3A_553 = tpu.memref_slice %dma_start3A_551[%dma_start3A_544, %dma_start3A_552] : memref<200x128xi32, #tpu.memory_space<vmem>> -> memref<1x128xi32, #tpu.memory_space<vmem>>
    %dma_start3A_554 = tpu.memref_squeeze %dma_start3A_553 : memref<1x128xi32, #tpu.memory_space<vmem>> -> memref<128xi32, #tpu.memory_space<vmem>>
    %dma_start3A_555 = arith.constant 0 : i32
    %dma_start3A_556 = arith.constant 0 : i32
    %dma_start3A_557 = tpu.memref_slice %arg2[%dma_start3A_555, %dma_start3A_556] : memref<1015808x16xf32, #tpu.memory_space<hbm>> -> memref<1015808x16xf32, #tpu.memory_space<hbm>>
    tpu.enqueue_indirect_dma source(%dma_start3A_557 : memref<1015808x16xf32, #tpu.memory_space<hbm>>) target(%dma_start3A_547 : memref<128x16xf32, #tpu.memory_space<vmem>>) offsets(%dma_start3A_554 : memref<128xi32, #tpu.memory_space<vmem>>) semaphore(%arg10 : memref<!tpu.dma_semaphore, #tpu.memory_space<semaphore_mem>>) {add = true}
    %dma_start3A_558 = arith.constant 1 : i32
    %dma_start3A_559 = arith.constant 2 : i32
    %dma_start3A_560 = arith.constant 128 : i32
    %dma_start3A_561 = arith.constant 0 : i32
    %dma_start3A_562 = tpu.memref_slice %arg7[%dma_start3A_560, %dma_start3A_561] : memref<512x16xf32, #tpu.memory_space<vmem>> -> memref<128x16xf32, #tpu.memory_space<vmem>>
    %dma_start3A_563 = arith.constant 0 : i32
    %dma_start3A_564 = arith.constant 0 : i32
    %dma_start3A_565 = tpu.memref_slice %arg6[%dma_start3A_558, %dma_start3A_563, %dma_start3A_564] : memref<2x200x128xi32, #tpu.memory_space<vmem>> -> memref<1x200x128xi32, #tpu.memory_space<vmem>>
    %dma_start3A_566 = tpu.memref_squeeze %dma_start3A_565 : memref<1x200x128xi32, #tpu.memory_space<vmem>> -> memref<200x128xi32, #tpu.memory_space<vmem>>
    %dma_start3A_567 = arith.constant 0 : i32
    %dma_start3A_568 = tpu.memref_slice %dma_start3A_566[%dma_start3A_559, %dma_start3A_567] : memref<200x128xi32, #tpu.memory_space<vmem>> -> memref<1x128xi32, #tpu.memory_space<vmem>>
    %dma_start3A_569 = tpu.memref_squeeze %dma_start3A_568 : memref<1x128xi32, #tpu.memory_space<vmem>> -> memref<128xi32, #tpu.memory_space<vmem>>
    %dma_start3A_570 = arith.constant 0 : i32
    %dma_start3A_571 = arith.constant 0 : i32
    %dma_start3A_572 = tpu.memref_slice %arg2[%dma_start3A_570, %dma_start3A_571] : memref<1015808x16xf32, #tpu.memory_space<hbm>> -> memref<1015808x16xf32, #tpu.memory_space<hbm>>
    tpu.enqueue_indirect_dma source(%dma_start3A_572 : memref<1015808x16xf32, #tpu.memory_space<hbm>>) target(%dma_start3A_562 : memref<128x16xf32, #tpu.memory_space<vmem>>) offsets(%dma_start3A_569 : memref<128xi32, #tpu.memory_space<vmem>>) semaphore(%arg10 : memref<!tpu.dma_semaphore, #tpu.memory_space<semaphore_mem>>) {add = true}
    %dma_start3A_573 = arith.constant 1 : i32
    %dma_start3A_574 = arith.constant 3 : i32
    %dma_start3A_575 = arith.constant 128 : i32
    %dma_start3A_576 = arith.constant 0 : i32
    %dma_start3A_577 = tpu.memref_slice %arg7[%dma_start3A_575, %dma_start3A_576] : memref<512x16xf32, #tpu.memory_space<vmem>> -> memref<128x16xf32, #tpu.memory_space<vmem>>
    %dma_start3A_578 = arith.constant 0 : i32
    %dma_start3A_579 = arith.constant 0 : i32
    %dma_start3A_580 = tpu.memref_slice %arg6[%dma_start3A_573, %dma_start3A_578, %dma_start3A_579] : memref<2x200x128xi32, #tpu.memory_space<vmem>> -> memref<1x200x128xi32, #tpu.memory_space<vmem>>
    %dma_start3A_581 = tpu.memref_squeeze %dma_start3A_580 : memref<1x200x128xi32, #tpu.memory_space<vmem>> -> memref<200x128xi32, #tpu.memory_space<vmem>>
    %dma_start3A_582 = arith.constant 0 : i32
    %dma_start3A_583 = tpu.memref_slice %dma_start3A_581[%dma_start3A_574, %dma_start3A_582] : memref<200x128xi32, #tpu.memory_space<vmem>> -> memref<1x128xi32, #tpu.memory_space<vmem>>
    %dma_start3A_584 = tpu.memref_squeeze %dma_start3A_583 : memref<1x128xi32, #tpu.memory_space<vmem>> -> memref<128xi32, #tpu.memory_space<vmem>>
    %dma_start3A_585 = arith.constant 0 : i32
    %dma_start3A_586 = arith.constant 0 : i32
    %dma_start3A_587 = tpu.memref_slice %arg2[%dma_start3A_585, %dma_start3A_586] : memref<1015808x16xf32, #tpu.memory_space<hbm>> -> memref<1015808x16xf32, #tpu.memory_space<hbm>>
    tpu.enqueue_indirect_dma source(%dma_start3A_587 : memref<1015808x16xf32, #tpu.memory_space<hbm>>) target(%dma_start3A_577 : memref<128x16xf32, #tpu.memory_space<vmem>>) offsets(%dma_start3A_584 : memref<128xi32, #tpu.memory_space<vmem>>) semaphore(%arg10 : memref<!tpu.dma_semaphore, #tpu.memory_space<semaphore_mem>>) {add = true}
    %dma_start3A_588 = arith.constant 1 : i32
    %dma_start3A_589 = arith.constant 4 : i32
    %dma_start3A_590 = arith.constant 128 : i32
    %dma_start3A_591 = arith.constant 0 : i32
    %dma_start3A_592 = tpu.memref_slice %arg7[%dma_start3A_590, %dma_start3A_591] : memref<512x16xf32, #tpu.memory_space<vmem>> -> memref<128x16xf32, #tpu.memory_space<vmem>>
    %dma_start3A_593 = arith.constant 0 : i32
    %dma_start3A_594 = arith.constant 0 : i32
    %dma_start3A_595 = tpu.memref_slice %arg6[%dma_start3A_588, %dma_start3A_593, %dma_start3A_594] : memref<2x200x128xi32, #tpu.memory_space<vmem>> -> memref<1x200x128xi32, #tpu.memory_space<vmem>>
    %dma_start3A_596 = tpu.memref_squeeze %dma_start3A_595 : memref<1x200x128xi32, #tpu.memory_space<vmem>> -> memref<200x128xi32, #tpu.memory_space<vmem>>
    %dma_start3A_597 = arith.constant 0 : i32
    %dma_start3A_598 = tpu.memref_slice %dma_start3A_596[%dma_start3A_589, %dma_start3A_597] : memref<200x128xi32, #tpu.memory_space<vmem>> -> memref<1x128xi32, #tpu.memory_space<vmem>>
    %dma_start3A_599 = tpu.memref_squeeze %dma_start3A_598 : memref<1x128xi32, #tpu.memory_space<vmem>> -> memref<128xi32, #tpu.memory_space<vmem>>
    %dma_start3A_600 = arith.constant 0 : i32
    %dma_start3A_601 = arith.constant 0 : i32
    %dma_start3A_602 = tpu.memref_slice %arg2[%dma_start3A_600, %dma_start3A_601] : memref<1015808x16xf32, #tpu.memory_space<hbm>> -> memref<1015808x16xf32, #tpu.memory_space<hbm>>
    tpu.enqueue_indirect_dma source(%dma_start3A_602 : memref<1015808x16xf32, #tpu.memory_space<hbm>>) target(%dma_start3A_592 : memref<128x16xf32, #tpu.memory_space<vmem>>) offsets(%dma_start3A_599 : memref<128xi32, #tpu.memory_space<vmem>>) semaphore(%arg10 : memref<!tpu.dma_semaphore, #tpu.memory_space<semaphore_mem>>) {add = true}
    %dma_start3A_603 = arith.constant 1 : i32
    %dma_start3A_604 = arith.constant 5 : i32
    %dma_start3A_605 = arith.constant 128 : i32
    %dma_start3A_606 = arith.constant 0 : i32
    %dma_start3A_607 = tpu.memref_slice %arg7[%dma_start3A_605, %dma_start3A_606] : memref<512x16xf32, #tpu.memory_space<vmem>> -> memref<128x16xf32, #tpu.memory_space<vmem>>
    %dma_start3A_608 = arith.constant 0 : i32
    %dma_start3A_609 = arith.constant 0 : i32
    %dma_start3A_610 = tpu.memref_slice %arg6[%dma_start3A_603, %dma_start3A_608, %dma_start3A_609] : memref<2x200x128xi32, #tpu.memory_space<vmem>> -> memref<1x200x128xi32, #tpu.memory_space<vmem>>
    %dma_start3A_611 = tpu.memref_squeeze %dma_start3A_610 : memref<1x200x128xi32, #tpu.memory_space<vmem>> -> memref<200x128xi32, #tpu.memory_space<vmem>>
    %dma_start3A_612 = arith.constant 0 : i32
    %dma_start3A_613 = tpu.memref_slice %dma_start3A_611[%dma_start3A_604, %dma_start3A_612] : memref<200x128xi32, #tpu.memory_space<vmem>> -> memref<1x128xi32, #tpu.memory_space<vmem>>
    %dma_start3A_614 = tpu.memref_squeeze %dma_start3A_613 : memref<1x128xi32, #tpu.memory_space<vmem>> -> memref<128xi32, #tpu.memory_space<vmem>>
    %dma_start3A_615 = arith.constant 0 : i32
    %dma_start3A_616 = arith.constant 0 : i32
    %dma_start3A_617 = tpu.memref_slice %arg2[%dma_start3A_615, %dma_start3A_616] : memref<1015808x16xf32, #tpu.memory_space<hbm>> -> memref<1015808x16xf32, #tpu.memory_space<hbm>>
    tpu.enqueue_indirect_dma source(%dma_start3A_617 : memref<1015808x16xf32, #tpu.memory_space<hbm>>) target(%dma_start3A_607 : memref<128x16xf32, #tpu.memory_space<vmem>>) offsets(%dma_start3A_614 : memref<128xi32, #tpu.memory_space<vmem>>) semaphore(%arg10 : memref<!tpu.dma_semaphore, #tpu.memory_space<semaphore_mem>>) {add = true}
    %dma_start3A_618 = arith.constant 1 : i32
    %dma_start3A_619 = arith.constant 6 : i32
    %dma_start3A_620 = arith.constant 128 : i32
    %dma_start3A_621 = arith.constant 0 : i32
    %dma_start3A_622 = tpu.memref_slice %arg7[%dma_start3A_620, %dma_start3A_621] : memref<512x16xf32, #tpu.memory_space<vmem>> -> memref<128x16xf32, #tpu.memory_space<vmem>>
    %dma_start3A_623 = arith.constant 0 : i32
    %dma_start3A_624 = arith.constant 0 : i32
    %dma_start3A_625 = tpu.memref_slice %arg6[%dma_start3A_618, %dma_start3A_623, %dma_start3A_624] : memref<2x200x128xi32, #tpu.memory_space<vmem>> -> memref<1x200x128xi32, #tpu.memory_space<vmem>>
    %dma_start3A_626 = tpu.memref_squeeze %dma_start3A_625 : memref<1x200x128xi32, #tpu.memory_space<vmem>> -> memref<200x128xi32, #tpu.memory_space<vmem>>
    %dma_start3A_627 = arith.constant 0 : i32
    %dma_start3A_628 = tpu.memref_slice %dma_start3A_626[%dma_start3A_619, %dma_start3A_627] : memref<200x128xi32, #tpu.memory_space<vmem>> -> memref<1x128xi32, #tpu.memory_space<vmem>>
    %dma_start3A_629 = tpu.memref_squeeze %dma_start3A_628 : memref<1x128xi32, #tpu.memory_space<vmem>> -> memref<128xi32, #tpu.memory_space<vmem>>
    %dma_start3A_630 = arith.constant 0 : i32
    %dma_start3A_631 = arith.constant 0 : i32
    %dma_start3A_632 = tpu.memref_slice %arg2[%dma_start3A_630, %dma_start3A_631] : memref<1015808x16xf32, #tpu.memory_space<hbm>> -> memref<1015808x16xf32, #tpu.memory_space<hbm>>
    tpu.enqueue_indirect_dma source(%dma_start3A_632 : memref<1015808x16xf32, #tpu.memory_space<hbm>>) target(%dma_start3A_622 : memref<128x16xf32, #tpu.memory_space<vmem>>) offsets(%dma_start3A_629 : memref<128xi32, #tpu.memory_space<vmem>>) semaphore(%arg10 : memref<!tpu.dma_semaphore, #tpu.memory_space<semaphore_mem>>) {add = true}
    %dma_start3A_633 = arith.constant 1 : i32
    %dma_start3A_634 = arith.constant 7 : i32
    %dma_start3A_635 = arith.constant 128 : i32
    %dma_start3A_636 = arith.constant 0 : i32
    %dma_start3A_637 = tpu.memref_slice %arg7[%dma_start3A_635, %dma_start3A_636] : memref<512x16xf32, #tpu.memory_space<vmem>> -> memref<128x16xf32, #tpu.memory_space<vmem>>
    %dma_start3A_638 = arith.constant 0 : i32
    %dma_start3A_639 = arith.constant 0 : i32
    %dma_start3A_640 = tpu.memref_slice %arg6[%dma_start3A_633, %dma_start3A_638, %dma_start3A_639] : memref<2x200x128xi32, #tpu.memory_space<vmem>> -> memref<1x200x128xi32, #tpu.memory_space<vmem>>
    %dma_start3A_641 = tpu.memref_squeeze %dma_start3A_640 : memref<1x200x128xi32, #tpu.memory_space<vmem>> -> memref<200x128xi32, #tpu.memory_space<vmem>>
    %dma_start3A_642 = arith.constant 0 : i32
    %dma_start3A_643 = tpu.memref_slice %dma_start3A_641[%dma_start3A_634, %dma_start3A_642] : memref<200x128xi32, #tpu.memory_space<vmem>> -> memref<1x128xi32, #tpu.memory_space<vmem>>
    %dma_start3A_644 = tpu.memref_squeeze %dma_start3A_643 : memref<1x128xi32, #tpu.memory_space<vmem>> -> memref<128xi32, #tpu.memory_space<vmem>>
    %dma_start3A_645 = arith.constant 0 : i32
    %dma_start3A_646 = arith.constant 0 : i32
    %dma_start3A_647 = tpu.memref_slice %arg2[%dma_start3A_645, %dma_start3A_646] : memref<1015808x16xf32, #tpu.memory_space<hbm>> -> memref<1015808x16xf32, #tpu.memory_space<hbm>>
    tpu.enqueue_indirect_dma source(%dma_start3A_647 : memref<1015808x16xf32, #tpu.memory_space<hbm>>) target(%dma_start3A_637 : memref<128x16xf32, #tpu.memory_space<vmem>>) offsets(%dma_start3A_644 : memref<128xi32, #tpu.memory_space<vmem>>) semaphore(%arg10 : memref<!tpu.dma_semaphore, #tpu.memory_space<semaphore_mem>>) {add = true}
    %dma_start3A_648 = arith.constant 1 : i32
    %dma_start3A_649 = arith.constant 8 : i32
    %dma_start3A_650 = arith.constant 128 : i32
    %dma_start3A_651 = arith.constant 0 : i32
    %dma_start3A_652 = tpu.memref_slice %arg7[%dma_start3A_650, %dma_start3A_651] : memref<512x16xf32, #tpu.memory_space<vmem>> -> memref<128x16xf32, #tpu.memory_space<vmem>>
    %dma_start3A_653 = arith.constant 0 : i32
    %dma_start3A_654 = arith.constant 0 : i32
    %dma_start3A_655 = tpu.memref_slice %arg6[%dma_start3A_648, %dma_start3A_653, %dma_start3A_654] : memref<2x200x128xi32, #tpu.memory_space<vmem>> -> memref<1x200x128xi32, #tpu.memory_space<vmem>>
    %dma_start3A_656 = tpu.memref_squeeze %dma_start3A_655 : memref<1x200x128xi32, #tpu.memory_space<vmem>> -> memref<200x128xi32, #tpu.memory_space<vmem>>
    %dma_start3A_657 = arith.constant 0 : i32
    %dma_start3A_658 = tpu.memref_slice %dma_start3A_656[%dma_start3A_649, %dma_start3A_657] : memref<200x128xi32, #tpu.memory_space<vmem>> -> memref<1x128xi32, #tpu.memory_space<vmem>>
    %dma_start3A_659 = tpu.memref_squeeze %dma_start3A_658 : memref<1x128xi32, #tpu.memory_space<vmem>> -> memref<128xi32, #tpu.memory_space<vmem>>
    %dma_start3A_660 = arith.constant 0 : i32
    %dma_start3A_661 = arith.constant 0 : i32
    %dma_start3A_662 = tpu.memref_slice %arg2[%dma_start3A_660, %dma_start3A_661] : memref<1015808x16xf32, #tpu.memory_space<hbm>> -> memref<1015808x16xf32, #tpu.memory_space<hbm>>
    tpu.enqueue_indirect_dma source(%dma_start3A_662 : memref<1015808x16xf32, #tpu.memory_space<hbm>>) target(%dma_start3A_652 : memref<128x16xf32, #tpu.memory_space<vmem>>) offsets(%dma_start3A_659 : memref<128xi32, #tpu.memory_space<vmem>>) semaphore(%arg10 : memref<!tpu.dma_semaphore, #tpu.memory_space<semaphore_mem>>) {add = true}
    %dma_start3A_663 = arith.constant 1 : i32
    %dma_start3A_664 = arith.constant 9 : i32
    %dma_start3A_665 = arith.constant 128 : i32
    %dma_start3A_666 = arith.constant 0 : i32
    %dma_start3A_667 = tpu.memref_slice %arg7[%dma_start3A_665, %dma_start3A_666] : memref<512x16xf32, #tpu.memory_space<vmem>> -> memref<128x16xf32, #tpu.memory_space<vmem>>
    %dma_start3A_668 = arith.constant 0 : i32
    %dma_start3A_669 = arith.constant 0 : i32
    %dma_start3A_670 = tpu.memref_slice %arg6[%dma_start3A_663, %dma_start3A_668, %dma_start3A_669] : memref<2x200x128xi32, #tpu.memory_space<vmem>> -> memref<1x200x128xi32, #tpu.memory_space<vmem>>
    %dma_start3A_671 = tpu.memref_squeeze %dma_start3A_670 : memref<1x200x128xi32, #tpu.memory_space<vmem>> -> memref<200x128xi32, #tpu.memory_space<vmem>>
    %dma_start3A_672 = arith.constant 0 : i32
    %dma_start3A_673 = tpu.memref_slice %dma_start3A_671[%dma_start3A_664, %dma_start3A_672] : memref<200x128xi32, #tpu.memory_space<vmem>> -> memref<1x128xi32, #tpu.memory_space<vmem>>
    %dma_start3A_674 = tpu.memref_squeeze %dma_start3A_673 : memref<1x128xi32, #tpu.memory_space<vmem>> -> memref<128xi32, #tpu.memory_space<vmem>>
    %dma_start3A_675 = arith.constant 0 : i32
    %dma_start3A_676 = arith.constant 0 : i32
    %dma_start3A_677 = tpu.memref_slice %arg2[%dma_start3A_675, %dma_start3A_676] : memref<1015808x16xf32, #tpu.memory_space<hbm>> -> memref<1015808x16xf32, #tpu.memory_space<hbm>>
    tpu.enqueue_indirect_dma source(%dma_start3A_677 : memref<1015808x16xf32, #tpu.memory_space<hbm>>) target(%dma_start3A_667 : memref<128x16xf32, #tpu.memory_space<vmem>>) offsets(%dma_start3A_674 : memref<128xi32, #tpu.memory_space<vmem>>) semaphore(%arg10 : memref<!tpu.dma_semaphore, #tpu.memory_space<semaphore_mem>>) {add = true}
    %dma_start3A_678 = arith.constant 1 : i32
    %dma_start3A_679 = arith.constant 10 : i32
    %dma_start3A_680 = arith.constant 128 : i32
    %dma_start3A_681 = arith.constant 0 : i32
    %dma_start3A_682 = tpu.memref_slice %arg7[%dma_start3A_680, %dma_start3A_681] : memref<512x16xf32, #tpu.memory_space<vmem>> -> memref<128x16xf32, #tpu.memory_space<vmem>>
    %dma_start3A_683 = arith.constant 0 : i32
    %dma_start3A_684 = arith.constant 0 : i32
    %dma_start3A_685 = tpu.memref_slice %arg6[%dma_start3A_678, %dma_start3A_683, %dma_start3A_684] : memref<2x200x128xi32, #tpu.memory_space<vmem>> -> memref<1x200x128xi32, #tpu.memory_space<vmem>>
    %dma_start3A_686 = tpu.memref_squeeze %dma_start3A_685 : memref<1x200x128xi32, #tpu.memory_space<vmem>> -> memref<200x128xi32, #tpu.memory_space<vmem>>
    %dma_start3A_687 = arith.constant 0 : i32
    %dma_start3A_688 = tpu.memref_slice %dma_start3A_686[%dma_start3A_679, %dma_start3A_687] : memref<200x128xi32, #tpu.memory_space<vmem>> -> memref<1x128xi32, #tpu.memory_space<vmem>>
    %dma_start3A_689 = tpu.memref_squeeze %dma_start3A_688 : memref<1x128xi32, #tpu.memory_space<vmem>> -> memref<128xi32, #tpu.memory_space<vmem>>
    %dma_start3A_690 = arith.constant 0 : i32
    %dma_start3A_691 = arith.constant 0 : i32
    %dma_start3A_692 = tpu.memref_slice %arg2[%dma_start3A_690, %dma_start3A_691] : memref<1015808x16xf32, #tpu.memory_space<hbm>> -> memref<1015808x16xf32, #tpu.memory_space<hbm>>
    tpu.enqueue_indirect_dma source(%dma_start3A_692 : memref<1015808x16xf32, #tpu.memory_space<hbm>>) target(%dma_start3A_682 : memref<128x16xf32, #tpu.memory_space<vmem>>) offsets(%dma_start3A_689 : memref<128xi32, #tpu.memory_space<vmem>>) semaphore(%arg10 : memref<!tpu.dma_semaphore, #tpu.memory_space<semaphore_mem>>) {add = true}
    %dma_start3A_693 = arith.constant 1 : i32
    %dma_start3A_694 = arith.constant 11 : i32
    %dma_start3A_695 = arith.constant 128 : i32
    %dma_start3A_696 = arith.constant 0 : i32
    %dma_start3A_697 = tpu.memref_slice %arg7[%dma_start3A_695, %dma_start3A_696] : memref<512x16xf32, #tpu.memory_space<vmem>> -> memref<128x16xf32, #tpu.memory_space<vmem>>
    %dma_start3A_698 = arith.constant 0 : i32
    %dma_start3A_699 = arith.constant 0 : i32
    %dma_start3A_700 = tpu.memref_slice %arg6[%dma_start3A_693, %dma_start3A_698, %dma_start3A_699] : memref<2x200x128xi32, #tpu.memory_space<vmem>> -> memref<1x200x128xi32, #tpu.memory_space<vmem>>
    %dma_start3A_701 = tpu.memref_squeeze %dma_start3A_700 : memref<1x200x128xi32, #tpu.memory_space<vmem>> -> memref<200x128xi32, #tpu.memory_space<vmem>>
    %dma_start3A_702 = arith.constant 0 : i32
    %dma_start3A_703 = tpu.memref_slice %dma_start3A_701[%dma_start3A_694, %dma_start3A_702] : memref<200x128xi32, #tpu.memory_space<vmem>> -> memref<1x128xi32, #tpu.memory_space<vmem>>
    %dma_start3A_704 = tpu.memref_squeeze %dma_start3A_703 : memref<1x128xi32, #tpu.memory_space<vmem>> -> memref<128xi32, #tpu.memory_space<vmem>>
    %dma_start3A_705 = arith.constant 0 : i32
    %dma_start3A_706 = arith.constant 0 : i32
    %dma_start3A_707 = tpu.memref_slice %arg2[%dma_start3A_705, %dma_start3A_706] : memref<1015808x16xf32, #tpu.memory_space<hbm>> -> memref<1015808x16xf32, #tpu.memory_space<hbm>>
    tpu.enqueue_indirect_dma source(%dma_start3A_707 : memref<1015808x16xf32, #tpu.memory_space<hbm>>) target(%dma_start3A_697 : memref<128x16xf32, #tpu.memory_space<vmem>>) offsets(%dma_start3A_704 : memref<128xi32, #tpu.memory_space<vmem>>) semaphore(%arg10 : memref<!tpu.dma_semaphore, #tpu.memory_space<semaphore_mem>>) {add = true}
    %dma_start3A_708 = arith.constant 1 : i32
    %dma_start3A_709 = arith.constant 12 : i32
    %dma_start3A_710 = arith.constant 128 : i32
    %dma_start3A_711 = arith.constant 0 : i32
    %dma_start3A_712 = tpu.memref_slice %arg7[%dma_start3A_710, %dma_start3A_711] : memref<512x16xf32, #tpu.memory_space<vmem>> -> memref<128x16xf32, #tpu.memory_space<vmem>>
    %dma_start3A_713 = arith.constant 0 : i32
    %dma_start3A_714 = arith.constant 0 : i32
    %dma_start3A_715 = tpu.memref_slice %arg6[%dma_start3A_708, %dma_start3A_713, %dma_start3A_714] : memref<2x200x128xi32, #tpu.memory_space<vmem>> -> memref<1x200x128xi32, #tpu.memory_space<vmem>>
    %dma_start3A_716 = tpu.memref_squeeze %dma_start3A_715 : memref<1x200x128xi32, #tpu.memory_space<vmem>> -> memref<200x128xi32, #tpu.memory_space<vmem>>
    %dma_start3A_717 = arith.constant 0 : i32
    %dma_start3A_718 = tpu.memref_slice %dma_start3A_716[%dma_start3A_709, %dma_start3A_717] : memref<200x128xi32, #tpu.memory_space<vmem>> -> memref<1x128xi32, #tpu.memory_space<vmem>>
    %dma_start3A_719 = tpu.memref_squeeze %dma_start3A_718 : memref<1x128xi32, #tpu.memory_space<vmem>> -> memref<128xi32, #tpu.memory_space<vmem>>
    %dma_start3A_720 = arith.constant 0 : i32
    %dma_start3A_721 = arith.constant 0 : i32
    %dma_start3A_722 = tpu.memref_slice %arg2[%dma_start3A_720, %dma_start3A_721] : memref<1015808x16xf32, #tpu.memory_space<hbm>> -> memref<1015808x16xf32, #tpu.memory_space<hbm>>
    tpu.enqueue_indirect_dma source(%dma_start3A_722 : memref<1015808x16xf32, #tpu.memory_space<hbm>>) target(%dma_start3A_712 : memref<128x16xf32, #tpu.memory_space<vmem>>) offsets(%dma_start3A_719 : memref<128xi32, #tpu.memory_space<vmem>>) semaphore(%arg10 : memref<!tpu.dma_semaphore, #tpu.memory_space<semaphore_mem>>) {add = true}
    %dma_start3A_723 = arith.constant 1 : i32
    %dma_start3A_724 = arith.constant 13 : i32
    %dma_start3A_725 = arith.constant 128 : i32
    %dma_start3A_726 = arith.constant 0 : i32
    %dma_start3A_727 = tpu.memref_slice %arg7[%dma_start3A_725, %dma_start3A_726] : memref<512x16xf32, #tpu.memory_space<vmem>> -> memref<128x16xf32, #tpu.memory_space<vmem>>
    %dma_start3A_728 = arith.constant 0 : i32
    %dma_start3A_729 = arith.constant 0 : i32
    %dma_start3A_730 = tpu.memref_slice %arg6[%dma_start3A_723, %dma_start3A_728, %dma_start3A_729] : memref<2x200x128xi32, #tpu.memory_space<vmem>> -> memref<1x200x128xi32, #tpu.memory_space<vmem>>
    %dma_start3A_731 = tpu.memref_squeeze %dma_start3A_730 : memref<1x200x128xi32, #tpu.memory_space<vmem>> -> memref<200x128xi32, #tpu.memory_space<vmem>>
    %dma_start3A_732 = arith.constant 0 : i32
    %dma_start3A_733 = tpu.memref_slice %dma_start3A_731[%dma_start3A_724, %dma_start3A_732] : memref<200x128xi32, #tpu.memory_space<vmem>> -> memref<1x128xi32, #tpu.memory_space<vmem>>
    %dma_start3A_734 = tpu.memref_squeeze %dma_start3A_733 : memref<1x128xi32, #tpu.memory_space<vmem>> -> memref<128xi32, #tpu.memory_space<vmem>>
    %dma_start3A_735 = arith.constant 0 : i32
    %dma_start3A_736 = arith.constant 0 : i32
    %dma_start3A_737 = tpu.memref_slice %arg2[%dma_start3A_735, %dma_start3A_736] : memref<1015808x16xf32, #tpu.memory_space<hbm>> -> memref<1015808x16xf32, #tpu.memory_space<hbm>>
    tpu.enqueue_indirect_dma source(%dma_start3A_737 : memref<1015808x16xf32, #tpu.memory_space<hbm>>) target(%dma_start3A_727 : memref<128x16xf32, #tpu.memory_space<vmem>>) offsets(%dma_start3A_734 : memref<128xi32, #tpu.memory_space<vmem>>) semaphore(%arg10 : memref<!tpu.dma_semaphore, #tpu.memory_space<semaphore_mem>>) {add = true}
    %dma_start3A_738 = arith.constant 1 : i32
    %dma_start3A_739 = arith.constant 14 : i32
    %dma_start3A_740 = arith.constant 128 : i32
    %dma_start3A_741 = arith.constant 0 : i32
    %dma_start3A_742 = tpu.memref_slice %arg7[%dma_start3A_740, %dma_start3A_741] : memref<512x16xf32, #tpu.memory_space<vmem>> -> memref<128x16xf32, #tpu.memory_space<vmem>>
    %dma_start3A_743 = arith.constant 0 : i32
    %dma_start3A_744 = arith.constant 0 : i32
    %dma_start3A_745 = tpu.memref_slice %arg6[%dma_start3A_738, %dma_start3A_743, %dma_start3A_744] : memref<2x200x128xi32, #tpu.memory_space<vmem>> -> memref<1x200x128xi32, #tpu.memory_space<vmem>>
    %dma_start3A_746 = tpu.memref_squeeze %dma_start3A_745 : memref<1x200x128xi32, #tpu.memory_space<vmem>> -> memref<200x128xi32, #tpu.memory_space<vmem>>
    %dma_start3A_747 = arith.constant 0 : i32
    %dma_start3A_748 = tpu.memref_slice %dma_start3A_746[%dma_start3A_739, %dma_start3A_747] : memref<200x128xi32, #tpu.memory_space<vmem>> -> memref<1x128xi32, #tpu.memory_space<vmem>>
    %dma_start3A_749 = tpu.memref_squeeze %dma_start3A_748 : memref<1x128xi32, #tpu.memory_space<vmem>> -> memref<128xi32, #tpu.memory_space<vmem>>
    %dma_start3A_750 = arith.constant 0 : i32
    %dma_start3A_751 = arith.constant 0 : i32
    %dma_start3A_752 = tpu.memref_slice %arg2[%dma_start3A_750, %dma_start3A_751] : memref<1015808x16xf32, #tpu.memory_space<hbm>> -> memref<1015808x16xf32, #tpu.memory_space<hbm>>
    tpu.enqueue_indirect_dma source(%dma_start3A_752 : memref<1015808x16xf32, #tpu.memory_space<hbm>>) target(%dma_start3A_742 : memref<128x16xf32, #tpu.memory_space<vmem>>) offsets(%dma_start3A_749 : memref<128xi32, #tpu.memory_space<vmem>>) semaphore(%arg10 : memref<!tpu.dma_semaphore, #tpu.memory_space<semaphore_mem>>) {add = true}
    %dma_start3A_753 = arith.constant 1 : i32
    %dma_start3A_754 = arith.constant 15 : i32
    %dma_start3A_755 = arith.constant 128 : i32
    %dma_start3A_756 = arith.constant 0 : i32
    %dma_start3A_757 = tpu.memref_slice %arg7[%dma_start3A_755, %dma_start3A_756] : memref<512x16xf32, #tpu.memory_space<vmem>> -> memref<128x16xf32, #tpu.memory_space<vmem>>
    %dma_start3A_758 = arith.constant 0 : i32
    %dma_start3A_759 = arith.constant 0 : i32
    %dma_start3A_760 = tpu.memref_slice %arg6[%dma_start3A_753, %dma_start3A_758, %dma_start3A_759] : memref<2x200x128xi32, #tpu.memory_space<vmem>> -> memref<1x200x128xi32, #tpu.memory_space<vmem>>
    %dma_start3A_761 = tpu.memref_squeeze %dma_start3A_760 : memref<1x200x128xi32, #tpu.memory_space<vmem>> -> memref<200x128xi32, #tpu.memory_space<vmem>>
    %dma_start3A_762 = arith.constant 0 : i32
    %dma_start3A_763 = tpu.memref_slice %dma_start3A_761[%dma_start3A_754, %dma_start3A_762] : memref<200x128xi32, #tpu.memory_space<vmem>> -> memref<1x128xi32, #tpu.memory_space<vmem>>
    %dma_start3A_764 = tpu.memref_squeeze %dma_start3A_763 : memref<1x128xi32, #tpu.memory_space<vmem>> -> memref<128xi32, #tpu.memory_space<vmem>>
    %dma_start3A_765 = arith.constant 0 : i32
    %dma_start3A_766 = arith.constant 0 : i32
    %dma_start3A_767 = tpu.memref_slice %arg2[%dma_start3A_765, %dma_start3A_766] : memref<1015808x16xf32, #tpu.memory_space<hbm>> -> memref<1015808x16xf32, #tpu.memory_space<hbm>>
    tpu.enqueue_indirect_dma source(%dma_start3A_767 : memref<1015808x16xf32, #tpu.memory_space<hbm>>) target(%dma_start3A_757 : memref<128x16xf32, #tpu.memory_space<vmem>>) offsets(%dma_start3A_764 : memref<128xi32, #tpu.memory_space<vmem>>) semaphore(%arg10 : memref<!tpu.dma_semaphore, #tpu.memory_space<semaphore_mem>>) {add = true}
    %scan3A_768 = arith.constant 0 : i32
    %scan3A_769 = arith.constant 1 : i32
    %scan3A_770 = arith.constant 16 : i32
    %scan3A_771 = arith.constant 184 : i32
    %scan3A_772 = arith.addi %scan3A_770, %scan3A_771 : i32
    %scan3A_773 = arith.constant 1 : i32
    scf.for %scan3A_1869 = %scan3A_770 to %scan3A_772 step %scan3A_773  : i32 {
      %dma_wait3A_1870 = arith.constant 0 : i32
      %dma_wait3A_1871 = arith.constant 0 : i32
      %dma_wait3A_1872 = arith.constant 0 : i32
      %dma_wait3A_1873 = arith.constant 0 : i32
      %dma_wait3A_1874 = tpu.memref_slice %arg7[%dma_wait3A_1872, %dma_wait3A_1873] : memref<512x16xf32, #tpu.memory_space<vmem>> -> memref<128x16xf32, #tpu.memory_space<vmem>>
      %dma_wait3A_1875 = arith.constant 0 : i32
      %dma_wait3A_1876 = tpu.memref_slice %arg6[%dma_wait3A_1870, %dma_wait3A_1871, %dma_wait3A_1875] : memref<2x200x128xi32, #tpu.memory_space<vmem>> -> memref<1x1x128xi32, #tpu.memory_space<vmem>>
      %dma_wait3A_1877 = tpu.memref_squeeze %dma_wait3A_1876 : memref<1x1x128xi32, #tpu.memory_space<vmem>> -> memref<128xi32, #tpu.memory_space<vmem>>
      %dma_wait3A_1878 = arith.constant 0 : i32
      %dma_wait3A_1879 = arith.constant 0 : i32
      %dma_wait3A_1880 = tpu.memref_slice %arg2[%dma_wait3A_1878, %dma_wait3A_1879] : memref<1015808x16xf32, #tpu.memory_space<hbm>> -> memref<1015808x16xf32, #tpu.memory_space<hbm>>
      tpu.wait_indirect_dma semaphore(%arg10 : memref<!tpu.dma_semaphore, #tpu.memory_space<semaphore_mem>>) src(%dma_wait3A_1880 : memref<1015808x16xf32, #tpu.memory_space<hbm>>) dst(%dma_wait3A_1874 : memref<128x16xf32, #tpu.memory_space<vmem>>)
      %dma_start3A_1881 = arith.constant 128 : i32
      %dma_start3A_1882 = arith.constant 0 : i32
      %dma_start3A_1883 = tpu.memref_slice %arg7[%dma_start3A_1881, %dma_start3A_1882] : memref<512x16xf32, #tpu.memory_space<vmem>> -> memref<128x16xf32, #tpu.memory_space<vmem>>
      %dma_start3A_1884 = arith.constant 0 : i32
      %dma_start3A_1885 = arith.constant 0 : i32
      %dma_start3A_1886 = tpu.memref_slice %arg6[%scan3A_769, %dma_start3A_1884, %dma_start3A_1885] : memref<2x200x128xi32, #tpu.memory_space<vmem>> -> memref<1x200x128xi32, #tpu.memory_space<vmem>>
      %dma_start3A_1887 = tpu.memref_squeeze %dma_start3A_1886 : memref<1x200x128xi32, #tpu.memory_space<vmem>> -> memref<200x128xi32, #tpu.memory_space<vmem>>
      %dma_start3A_1888 = arith.constant 0 : i32
      %dma_start3A_1889 = tpu.memref_slice %dma_start3A_1887[%scan3A_1869, %dma_start3A_1888] : memref<200x128xi32, #tpu.memory_space<vmem>> -> memref<1x128xi32, #tpu.memory_space<vmem>>
      %dma_start3A_1890 = tpu.memref_squeeze %dma_start3A_1889 : memref<1x128xi32, #tpu.memory_space<vmem>> -> memref<128xi32, #tpu.memory_space<vmem>>
      %dma_start3A_1891 = arith.constant 0 : i32
      %dma_start3A_1892 = arith.constant 0 : i32
      %dma_start3A_1893 = tpu.memref_slice %arg2[%dma_start3A_1891, %dma_start3A_1892] : memref<1015808x16xf32, #tpu.memory_space<hbm>> -> memref<1015808x16xf32, #tpu.memory_space<hbm>>
      tpu.enqueue_indirect_dma source(%dma_start3A_1893 : memref<1015808x16xf32, #tpu.memory_space<hbm>>) target(%dma_start3A_1883 : memref<128x16xf32, #tpu.memory_space<vmem>>) offsets(%dma_start3A_1890 : memref<128xi32, #tpu.memory_space<vmem>>) semaphore(%arg10 : memref<!tpu.dma_semaphore, #tpu.memory_space<semaphore_mem>>) {add = true}
    }
    %scan3A_774 = arith.constant 184 : i32
    %dma_wait3A_775 = arith.constant 0 : i32
    %dma_wait3A_776 = arith.constant 0 : i32
    %dma_wait3A_777 = arith.constant 0 : i32
    %dma_wait3A_778 = arith.constant 0 : i32
    %dma_wait3A_779 = tpu.memref_slice %arg7[%dma_wait3A_777, %dma_wait3A_778] : memref<512x16xf32, #tpu.memory_space<vmem>> -> memref<128x16xf32, #tpu.memory_space<vmem>>
    %dma_wait3A_780 = arith.constant 0 : i32
    %dma_wait3A_781 = tpu.memref_slice %arg6[%dma_wait3A_775, %dma_wait3A_776, %dma_wait3A_780] : memref<2x200x128xi32, #tpu.memory_space<vmem>> -> memref<1x1x128xi32, #tpu.memory_space<vmem>>
    %dma_wait3A_782 = tpu.memref_squeeze %dma_wait3A_781 : memref<1x1x128xi32, #tpu.memory_space<vmem>> -> memref<128xi32, #tpu.memory_space<vmem>>
    %dma_wait3A_783 = arith.constant 0 : i32
    %dma_wait3A_784 = arith.constant 0 : i32
    %dma_wait3A_785 = tpu.memref_slice %arg2[%dma_wait3A_783, %dma_wait3A_784] : memref<1015808x16xf32, #tpu.memory_space<hbm>> -> memref<1015808x16xf32, #tpu.memory_space<hbm>>
    tpu.wait_indirect_dma semaphore(%arg10 : memref<!tpu.dma_semaphore, #tpu.memory_space<semaphore_mem>>) src(%dma_wait3A_785 : memref<1015808x16xf32, #tpu.memory_space<hbm>>) dst(%dma_wait3A_779 : memref<128x16xf32, #tpu.memory_space<vmem>>)
    %dma_wait3A_786 = arith.constant 0 : i32
    %dma_wait3A_787 = arith.constant 0 : i32
    %dma_wait3A_788 = arith.constant 0 : i32
    %dma_wait3A_789 = arith.constant 0 : i32
    %dma_wait3A_790 = tpu.memref_slice %arg7[%dma_wait3A_788, %dma_wait3A_789] : memref<512x16xf32, #tpu.memory_space<vmem>> -> memref<128x16xf32, #tpu.memory_space<vmem>>
    %dma_wait3A_791 = arith.constant 0 : i32
    %dma_wait3A_792 = tpu.memref_slice %arg6[%dma_wait3A_786, %dma_wait3A_787, %dma_wait3A_791] : memref<2x200x128xi32, #tpu.memory_space<vmem>> -> memref<1x1x128xi32, #tpu.memory_space<vmem>>
    %dma_wait3A_793 = tpu.memref_squeeze %dma_wait3A_792 : memref<1x1x128xi32, #tpu.memory_space<vmem>> -> memref<128xi32, #tpu.memory_space<vmem>>
    %dma_wait3A_794 = arith.constant 0 : i32
    %dma_wait3A_795 = arith.constant 0 : i32
    %dma_wait3A_796 = tpu.memref_slice %arg2[%dma_wait3A_794, %dma_wait3A_795] : memref<1015808x16xf32, #tpu.memory_space<hbm>> -> memref<1015808x16xf32, #tpu.memory_space<hbm>>
    tpu.wait_indirect_dma semaphore(%arg10 : memref<!tpu.dma_semaphore, #tpu.memory_space<semaphore_mem>>) src(%dma_wait3A_796 : memref<1015808x16xf32, #tpu.memory_space<hbm>>) dst(%dma_wait3A_790 : memref<128x16xf32, #tpu.memory_space<vmem>>)
    %dma_wait3A_797 = arith.constant 0 : i32
    %dma_wait3A_798 = arith.constant 0 : i32
    %dma_wait3A_799 = arith.constant 0 : i32
    %dma_wait3A_800 = arith.constant 0 : i32
    %dma_wait3A_801 = tpu.memref_slice %arg7[%dma_wait3A_799, %dma_wait3A_800] : memref<512x16xf32, #tpu.memory_space<vmem>> -> memref<128x16xf32, #tpu.memory_space<vmem>>
    %dma_wait3A_802 = arith.constant 0 : i32
    %dma_wait3A_803 = tpu.memref_slice %arg6[%dma_wait3A_797, %dma_wait3A_798, %dma_wait3A_802] : memref<2x200x128xi32, #tpu.memory_space<vmem>> -> memref<1x1x128xi32, #tpu.memory_space<vmem>>
    %dma_wait3A_804 = tpu.memref_squeeze %dma_wait3A_803 : memref<1x1x128xi32, #tpu.memory_space<vmem>> -> memref<128xi32, #tpu.memory_space<vmem>>
    %dma_wait3A_805 = arith.constant 0 : i32
    %dma_wait3A_806 = arith.constant 0 : i32
    %dma_wait3A_807 = tpu.memref_slice %arg2[%dma_wait3A_805, %dma_wait3A_806] : memref<1015808x16xf32, #tpu.memory_space<hbm>> -> memref<1015808x16xf32, #tpu.memory_space<hbm>>
    tpu.wait_indirect_dma semaphore(%arg10 : memref<!tpu.dma_semaphore, #tpu.memory_space<semaphore_mem>>) src(%dma_wait3A_807 : memref<1015808x16xf32, #tpu.memory_space<hbm>>) dst(%dma_wait3A_801 : memref<128x16xf32, #tpu.memory_space<vmem>>)
    %dma_wait3A_808 = arith.constant 0 : i32
    %dma_wait3A_809 = arith.constant 0 : i32
    %dma_wait3A_810 = arith.constant 0 : i32
    %dma_wait3A_811 = arith.constant 0 : i32
    %dma_wait3A_812 = tpu.memref_slice %arg7[%dma_wait3A_810, %dma_wait3A_811] : memref<512x16xf32, #tpu.memory_space<vmem>> -> memref<128x16xf32, #tpu.memory_space<vmem>>
    %dma_wait3A_813 = arith.constant 0 : i32
    %dma_wait3A_814 = tpu.memref_slice %arg6[%dma_wait3A_808, %dma_wait3A_809, %dma_wait3A_813] : memref<2x200x128xi32, #tpu.memory_space<vmem>> -> memref<1x1x128xi32, #tpu.memory_space<vmem>>
    %dma_wait3A_815 = tpu.memref_squeeze %dma_wait3A_814 : memref<1x1x128xi32, #tpu.memory_space<vmem>> -> memref<128xi32, #tpu.memory_space<vmem>>
    %dma_wait3A_816 = arith.constant 0 : i32
    %dma_wait3A_817 = arith.constant 0 : i32
    %dma_wait3A_818 = tpu.memref_slice %arg2[%dma_wait3A_816, %dma_wait3A_817] : memref<1015808x16xf32, #tpu.memory_space<hbm>> -> memref<1015808x16xf32, #tpu.memory_space<hbm>>
    tpu.wait_indirect_dma semaphore(%arg10 : memref<!tpu.dma_semaphore, #tpu.memory_space<semaphore_mem>>) src(%dma_wait3A_818 : memref<1015808x16xf32, #tpu.memory_space<hbm>>) dst(%dma_wait3A_812 : memref<128x16xf32, #tpu.memory_space<vmem>>)
    %dma_wait3A_819 = arith.constant 0 : i32
    %dma_wait3A_820 = arith.constant 0 : i32
    %dma_wait3A_821 = arith.constant 0 : i32
    %dma_wait3A_822 = arith.constant 0 : i32
    %dma_wait3A_823 = tpu.memref_slice %arg7[%dma_wait3A_821, %dma_wait3A_822] : memref<512x16xf32, #tpu.memory_space<vmem>> -> memref<128x16xf32, #tpu.memory_space<vmem>>
    %dma_wait3A_824 = arith.constant 0 : i32
    %dma_wait3A_825 = tpu.memref_slice %arg6[%dma_wait3A_819, %dma_wait3A_820, %dma_wait3A_824] : memref<2x200x128xi32, #tpu.memory_space<vmem>> -> memref<1x1x128xi32, #tpu.memory_space<vmem>>
    %dma_wait3A_826 = tpu.memref_squeeze %dma_wait3A_825 : memref<1x1x128xi32, #tpu.memory_space<vmem>> -> memref<128xi32, #tpu.memory_space<vmem>>
    %dma_wait3A_827 = arith.constant 0 : i32
    %dma_wait3A_828 = arith.constant 0 : i32
    %dma_wait3A_829 = tpu.memref_slice %arg2[%dma_wait3A_827, %dma_wait3A_828] : memref<1015808x16xf32, #tpu.memory_space<hbm>> -> memref<1015808x16xf32, #tpu.memory_space<hbm>>
    tpu.wait_indirect_dma semaphore(%arg10 : memref<!tpu.dma_semaphore, #tpu.memory_space<semaphore_mem>>) src(%dma_wait3A_829 : memref<1015808x16xf32, #tpu.memory_space<hbm>>) dst(%dma_wait3A_823 : memref<128x16xf32, #tpu.memory_space<vmem>>)
    %dma_wait3A_830 = arith.constant 0 : i32
    %dma_wait3A_831 = arith.constant 0 : i32
    %dma_wait3A_832 = arith.constant 0 : i32
    %dma_wait3A_833 = arith.constant 0 : i32
    %dma_wait3A_834 = tpu.memref_slice %arg7[%dma_wait3A_832, %dma_wait3A_833] : memref<512x16xf32, #tpu.memory_space<vmem>> -> memref<128x16xf32, #tpu.memory_space<vmem>>
    %dma_wait3A_835 = arith.constant 0 : i32
    %dma_wait3A_836 = tpu.memref_slice %arg6[%dma_wait3A_830, %dma_wait3A_831, %dma_wait3A_835] : memref<2x200x128xi32, #tpu.memory_space<vmem>> -> memref<1x1x128xi32, #tpu.memory_space<vmem>>
    %dma_wait3A_837 = tpu.memref_squeeze %dma_wait3A_836 : memref<1x1x128xi32, #tpu.memory_space<vmem>> -> memref<128xi32, #tpu.memory_space<vmem>>
    %dma_wait3A_838 = arith.constant 0 : i32
    %dma_wait3A_839 = arith.constant 0 : i32
    %dma_wait3A_840 = tpu.memref_slice %arg2[%dma_wait3A_838, %dma_wait3A_839] : memref<1015808x16xf32, #tpu.memory_space<hbm>> -> memref<1015808x16xf32, #tpu.memory_space<hbm>>
    tpu.wait_indirect_dma semaphore(%arg10 : memref<!tpu.dma_semaphore, #tpu.memory_space<semaphore_mem>>) src(%dma_wait3A_840 : memref<1015808x16xf32, #tpu.memory_space<hbm>>) dst(%dma_wait3A_834 : memref<128x16xf32, #tpu.memory_space<vmem>>)
    %dma_wait3A_841 = arith.constant 0 : i32
    %dma_wait3A_842 = arith.constant 0 : i32
    %dma_wait3A_843 = arith.constant 0 : i32
    %dma_wait3A_844 = arith.constant 0 : i32
    %dma_wait3A_845 = tpu.memref_slice %arg7[%dma_wait3A_843, %dma_wait3A_844] : memref<512x16xf32, #tpu.memory_space<vmem>> -> memref<128x16xf32, #tpu.memory_space<vmem>>
    %dma_wait3A_846 = arith.constant 0 : i32
    %dma_wait3A_847 = tpu.memref_slice %arg6[%dma_wait3A_841, %dma_wait3A_842, %dma_wait3A_846] : memref<2x200x128xi32, #tpu.memory_space<vmem>> -> memref<1x1x128xi32, #tpu.memory_space<vmem>>
    %dma_wait3A_848 = tpu.memref_squeeze %dma_wait3A_847 : memref<1x1x128xi32, #tpu.memory_space<vmem>> -> memref<128xi32, #tpu.memory_space<vmem>>
    %dma_wait3A_849 = arith.constant 0 : i32
    %dma_wait3A_850 = arith.constant 0 : i32
    %dma_wait3A_851 = tpu.memref_slice %arg2[%dma_wait3A_849, %dma_wait3A_850] : memref<1015808x16xf32, #tpu.memory_space<hbm>> -> memref<1015808x16xf32, #tpu.memory_space<hbm>>
    tpu.wait_indirect_dma semaphore(%arg10 : memref<!tpu.dma_semaphore, #tpu.memory_space<semaphore_mem>>) src(%dma_wait3A_851 : memref<1015808x16xf32, #tpu.memory_space<hbm>>) dst(%dma_wait3A_845 : memref<128x16xf32, #tpu.memory_space<vmem>>)
    %dma_wait3A_852 = arith.constant 0 : i32
    %dma_wait3A_853 = arith.constant 0 : i32
    %dma_wait3A_854 = arith.constant 0 : i32
    %dma_wait3A_855 = arith.constant 0 : i32
    %dma_wait3A_856 = tpu.memref_slice %arg7[%dma_wait3A_854, %dma_wait3A_855] : memref<512x16xf32, #tpu.memory_space<vmem>> -> memref<128x16xf32, #tpu.memory_space<vmem>>
    %dma_wait3A_857 = arith.constant 0 : i32
    %dma_wait3A_858 = tpu.memref_slice %arg6[%dma_wait3A_852, %dma_wait3A_853, %dma_wait3A_857] : memref<2x200x128xi32, #tpu.memory_space<vmem>> -> memref<1x1x128xi32, #tpu.memory_space<vmem>>
    %dma_wait3A_859 = tpu.memref_squeeze %dma_wait3A_858 : memref<1x1x128xi32, #tpu.memory_space<vmem>> -> memref<128xi32, #tpu.memory_space<vmem>>
    %dma_wait3A_860 = arith.constant 0 : i32
    %dma_wait3A_861 = arith.constant 0 : i32
    %dma_wait3A_862 = tpu.memref_slice %arg2[%dma_wait3A_860, %dma_wait3A_861] : memref<1015808x16xf32, #tpu.memory_space<hbm>> -> memref<1015808x16xf32, #tpu.memory_space<hbm>>
    tpu.wait_indirect_dma semaphore(%arg10 : memref<!tpu.dma_semaphore, #tpu.memory_space<semaphore_mem>>) src(%dma_wait3A_862 : memref<1015808x16xf32, #tpu.memory_space<hbm>>) dst(%dma_wait3A_856 : memref<128x16xf32, #tpu.memory_space<vmem>>)
    %dma_wait3A_863 = arith.constant 0 : i32
    %dma_wait3A_864 = arith.constant 0 : i32
    %dma_wait3A_865 = arith.constant 0 : i32
    %dma_wait3A_866 = arith.constant 0 : i32
    %dma_wait3A_867 = tpu.memref_slice %arg7[%dma_wait3A_865, %dma_wait3A_866] : memref<512x16xf32, #tpu.memory_space<vmem>> -> memref<128x16xf32, #tpu.memory_space<vmem>>
    %dma_wait3A_868 = arith.constant 0 : i32
    %dma_wait3A_869 = tpu.memref_slice %arg6[%dma_wait3A_863, %dma_wait3A_864, %dma_wait3A_868] : memref<2x200x128xi32, #tpu.memory_space<vmem>> -> memref<1x1x128xi32, #tpu.memory_space<vmem>>
    %dma_wait3A_870 = tpu.memref_squeeze %dma_wait3A_869 : memref<1x1x128xi32, #tpu.memory_space<vmem>> -> memref<128xi32, #tpu.memory_space<vmem>>
    %dma_wait3A_871 = arith.constant 0 : i32
    %dma_wait3A_872 = arith.constant 0 : i32
    %dma_wait3A_873 = tpu.memref_slice %arg2[%dma_wait3A_871, %dma_wait3A_872] : memref<1015808x16xf32, #tpu.memory_space<hbm>> -> memref<1015808x16xf32, #tpu.memory_space<hbm>>
    tpu.wait_indirect_dma semaphore(%arg10 : memref<!tpu.dma_semaphore, #tpu.memory_space<semaphore_mem>>) src(%dma_wait3A_873 : memref<1015808x16xf32, #tpu.memory_space<hbm>>) dst(%dma_wait3A_867 : memref<128x16xf32, #tpu.memory_space<vmem>>)
    %dma_wait3A_874 = arith.constant 0 : i32
    %dma_wait3A_875 = arith.constant 0 : i32
    %dma_wait3A_876 = arith.constant 0 : i32
    %dma_wait3A_877 = arith.constant 0 : i32
    %dma_wait3A_878 = tpu.memref_slice %arg7[%dma_wait3A_876, %dma_wait3A_877] : memref<512x16xf32, #tpu.memory_space<vmem>> -> memref<128x16xf32, #tpu.memory_space<vmem>>
    %dma_wait3A_879 = arith.constant 0 : i32
    %dma_wait3A_880 = tpu.memref_slice %arg6[%dma_wait3A_874, %dma_wait3A_875, %dma_wait3A_879] : memref<2x200x128xi32, #tpu.memory_space<vmem>> -> memref<1x1x128xi32, #tpu.memory_space<vmem>>
    %dma_wait3A_881 = tpu.memref_squeeze %dma_wait3A_880 : memref<1x1x128xi32, #tpu.memory_space<vmem>> -> memref<128xi32, #tpu.memory_space<vmem>>
    %dma_wait3A_882 = arith.constant 0 : i32
    %dma_wait3A_883 = arith.constant 0 : i32
    %dma_wait3A_884 = tpu.memref_slice %arg2[%dma_wait3A_882, %dma_wait3A_883] : memref<1015808x16xf32, #tpu.memory_space<hbm>> -> memref<1015808x16xf32, #tpu.memory_space<hbm>>
    tpu.wait_indirect_dma semaphore(%arg10 : memref<!tpu.dma_semaphore, #tpu.memory_space<semaphore_mem>>) src(%dma_wait3A_884 : memref<1015808x16xf32, #tpu.memory_space<hbm>>) dst(%dma_wait3A_878 : memref<128x16xf32, #tpu.memory_space<vmem>>)
    %dma_wait3A_885 = arith.constant 0 : i32
    %dma_wait3A_886 = arith.constant 0 : i32
    %dma_wait3A_887 = arith.constant 0 : i32
    %dma_wait3A_888 = arith.constant 0 : i32
    %dma_wait3A_889 = tpu.memref_slice %arg7[%dma_wait3A_887, %dma_wait3A_888] : memref<512x16xf32, #tpu.memory_space<vmem>> -> memref<128x16xf32, #tpu.memory_space<vmem>>
    %dma_wait3A_890 = arith.constant 0 : i32
    %dma_wait3A_891 = tpu.memref_slice %arg6[%dma_wait3A_885, %dma_wait3A_886, %dma_wait3A_890] : memref<2x200x128xi32, #tpu.memory_space<vmem>> -> memref<1x1x128xi32, #tpu.memory_space<vmem>>
    %dma_wait3A_892 = tpu.memref_squeeze %dma_wait3A_891 : memref<1x1x128xi32, #tpu.memory_space<vmem>> -> memref<128xi32, #tpu.memory_space<vmem>>
    %dma_wait3A_893 = arith.constant 0 : i32
    %dma_wait3A_894 = arith.constant 0 : i32
    %dma_wait3A_895 = tpu.memref_slice %arg2[%dma_wait3A_893, %dma_wait3A_894] : memref<1015808x16xf32, #tpu.memory_space<hbm>> -> memref<1015808x16xf32, #tpu.memory_space<hbm>>
    tpu.wait_indirect_dma semaphore(%arg10 : memref<!tpu.dma_semaphore, #tpu.memory_space<semaphore_mem>>) src(%dma_wait3A_895 : memref<1015808x16xf32, #tpu.memory_space<hbm>>) dst(%dma_wait3A_889 : memref<128x16xf32, #tpu.memory_space<vmem>>)
    %dma_wait3A_896 = arith.constant 0 : i32
    %dma_wait3A_897 = arith.constant 0 : i32
    %dma_wait3A_898 = arith.constant 0 : i32
    %dma_wait3A_899 = arith.constant 0 : i32
    %dma_wait3A_900 = tpu.memref_slice %arg7[%dma_wait3A_898, %dma_wait3A_899] : memref<512x16xf32, #tpu.memory_space<vmem>> -> memref<128x16xf32, #tpu.memory_space<vmem>>
    %dma_wait3A_901 = arith.constant 0 : i32
    %dma_wait3A_902 = tpu.memref_slice %arg6[%dma_wait3A_896, %dma_wait3A_897, %dma_wait3A_901] : memref<2x200x128xi32, #tpu.memory_space<vmem>> -> memref<1x1x128xi32, #tpu.memory_space<vmem>>
    %dma_wait3A_903 = tpu.memref_squeeze %dma_wait3A_902 : memref<1x1x128xi32, #tpu.memory_space<vmem>> -> memref<128xi32, #tpu.memory_space<vmem>>
    %dma_wait3A_904 = arith.constant 0 : i32
    %dma_wait3A_905 = arith.constant 0 : i32
    %dma_wait3A_906 = tpu.memref_slice %arg2[%dma_wait3A_904, %dma_wait3A_905] : memref<1015808x16xf32, #tpu.memory_space<hbm>> -> memref<1015808x16xf32, #tpu.memory_space<hbm>>
    tpu.wait_indirect_dma semaphore(%arg10 : memref<!tpu.dma_semaphore, #tpu.memory_space<semaphore_mem>>) src(%dma_wait3A_906 : memref<1015808x16xf32, #tpu.memory_space<hbm>>) dst(%dma_wait3A_900 : memref<128x16xf32, #tpu.memory_space<vmem>>)
    %dma_wait3A_907 = arith.constant 0 : i32
    %dma_wait3A_908 = arith.constant 0 : i32
    %dma_wait3A_909 = arith.constant 0 : i32
    %dma_wait3A_910 = arith.constant 0 : i32
    %dma_wait3A_911 = tpu.memref_slice %arg7[%dma_wait3A_909, %dma_wait3A_910] : memref<512x16xf32, #tpu.memory_space<vmem>> -> memref<128x16xf32, #tpu.memory_space<vmem>>
    %dma_wait3A_912 = arith.constant 0 : i32
    %dma_wait3A_913 = tpu.memref_slice %arg6[%dma_wait3A_907, %dma_wait3A_908, %dma_wait3A_912] : memref<2x200x128xi32, #tpu.memory_space<vmem>> -> memref<1x1x128xi32, #tpu.memory_space<vmem>>
    %dma_wait3A_914 = tpu.memref_squeeze %dma_wait3A_913 : memref<1x1x128xi32, #tpu.memory_space<vmem>> -> memref<128xi32, #tpu.memory_space<vmem>>
    %dma_wait3A_915 = arith.constant 0 : i32
    %dma_wait3A_916 = arith.constant 0 : i32
    %dma_wait3A_917 = tpu.memref_slice %arg2[%dma_wait3A_915, %dma_wait3A_916] : memref<1015808x16xf32, #tpu.memory_space<hbm>> -> memref<1015808x16xf32, #tpu.memory_space<hbm>>
    tpu.wait_indirect_dma semaphore(%arg10 : memref<!tpu.dma_semaphore, #tpu.memory_space<semaphore_mem>>) src(%dma_wait3A_917 : memref<1015808x16xf32, #tpu.memory_space<hbm>>) dst(%dma_wait3A_911 : memref<128x16xf32, #tpu.memory_space<vmem>>)
    %dma_wait3A_918 = arith.constant 0 : i32
    %dma_wait3A_919 = arith.constant 0 : i32
    %dma_wait3A_920 = arith.constant 0 : i32
    %dma_wait3A_921 = arith.constant 0 : i32
    %dma_wait3A_922 = tpu.memref_slice %arg7[%dma_wait3A_920, %dma_wait3A_921] : memref<512x16xf32, #tpu.memory_space<vmem>> -> memref<128x16xf32, #tpu.memory_space<vmem>>
    %dma_wait3A_923 = arith.constant 0 : i32
    %dma_wait3A_924 = tpu.memref_slice %arg6[%dma_wait3A_918, %dma_wait3A_919, %dma_wait3A_923] : memref<2x200x128xi32, #tpu.memory_space<vmem>> -> memref<1x1x128xi32, #tpu.memory_space<vmem>>
    %dma_wait3A_925 = tpu.memref_squeeze %dma_wait3A_924 : memref<1x1x128xi32, #tpu.memory_space<vmem>> -> memref<128xi32, #tpu.memory_space<vmem>>
    %dma_wait3A_926 = arith.constant 0 : i32
    %dma_wait3A_927 = arith.constant 0 : i32
    %dma_wait3A_928 = tpu.memref_slice %arg2[%dma_wait3A_926, %dma_wait3A_927] : memref<1015808x16xf32, #tpu.memory_space<hbm>> -> memref<1015808x16xf32, #tpu.memory_space<hbm>>
    tpu.wait_indirect_dma semaphore(%arg10 : memref<!tpu.dma_semaphore, #tpu.memory_space<semaphore_mem>>) src(%dma_wait3A_928 : memref<1015808x16xf32, #tpu.memory_space<hbm>>) dst(%dma_wait3A_922 : memref<128x16xf32, #tpu.memory_space<vmem>>)
    %dma_wait3A_929 = arith.constant 0 : i32
    %dma_wait3A_930 = arith.constant 0 : i32
    %dma_wait3A_931 = arith.constant 0 : i32
    %dma_wait3A_932 = arith.constant 0 : i32
    %dma_wait3A_933 = tpu.memref_slice %arg7[%dma_wait3A_931, %dma_wait3A_932] : memref<512x16xf32, #tpu.memory_space<vmem>> -> memref<128x16xf32, #tpu.memory_space<vmem>>
    %dma_wait3A_934 = arith.constant 0 : i32
    %dma_wait3A_935 = tpu.memref_slice %arg6[%dma_wait3A_929, %dma_wait3A_930, %dma_wait3A_934] : memref<2x200x128xi32, #tpu.memory_space<vmem>> -> memref<1x1x128xi32, #tpu.memory_space<vmem>>
    %dma_wait3A_936 = tpu.memref_squeeze %dma_wait3A_935 : memref<1x1x128xi32, #tpu.memory_space<vmem>> -> memref<128xi32, #tpu.memory_space<vmem>>
    %dma_wait3A_937 = arith.constant 0 : i32
    %dma_wait3A_938 = arith.constant 0 : i32
    %dma_wait3A_939 = tpu.memref_slice %arg2[%dma_wait3A_937, %dma_wait3A_938] : memref<1015808x16xf32, #tpu.memory_space<hbm>> -> memref<1015808x16xf32, #tpu.memory_space<hbm>>
    tpu.wait_indirect_dma semaphore(%arg10 : memref<!tpu.dma_semaphore, #tpu.memory_space<semaphore_mem>>) src(%dma_wait3A_939 : memref<1015808x16xf32, #tpu.memory_space<hbm>>) dst(%dma_wait3A_933 : memref<128x16xf32, #tpu.memory_space<vmem>>)
    %dma_wait3A_940 = arith.constant 0 : i32
    %dma_wait3A_941 = arith.constant 0 : i32
    %dma_wait3A_942 = arith.constant 0 : i32
    %dma_wait3A_943 = arith.constant 0 : i32
    %dma_wait3A_944 = tpu.memref_slice %arg7[%dma_wait3A_942, %dma_wait3A_943] : memref<512x16xf32, #tpu.memory_space<vmem>> -> memref<128x16xf32, #tpu.memory_space<vmem>>
    %dma_wait3A_945 = arith.constant 0 : i32
    %dma_wait3A_946 = tpu.memref_slice %arg6[%dma_wait3A_940, %dma_wait3A_941, %dma_wait3A_945] : memref<2x200x128xi32, #tpu.memory_space<vmem>> -> memref<1x1x128xi32, #tpu.memory_space<vmem>>
    %dma_wait3A_947 = tpu.memref_squeeze %dma_wait3A_946 : memref<1x1x128xi32, #tpu.memory_space<vmem>> -> memref<128xi32, #tpu.memory_space<vmem>>
    %dma_wait3A_948 = arith.constant 0 : i32
    %dma_wait3A_949 = arith.constant 0 : i32
    %dma_wait3A_950 = tpu.memref_slice %arg2[%dma_wait3A_948, %dma_wait3A_949] : memref<1015808x16xf32, #tpu.memory_space<hbm>> -> memref<1015808x16xf32, #tpu.memory_space<hbm>>
    tpu.wait_indirect_dma semaphore(%arg10 : memref<!tpu.dma_semaphore, #tpu.memory_space<semaphore_mem>>) src(%dma_wait3A_950 : memref<1015808x16xf32, #tpu.memory_space<hbm>>) dst(%dma_wait3A_944 : memref<128x16xf32, #tpu.memory_space<vmem>>)
    %dma_wait3A_951 = arith.constant 0 : i32
    %dma_wait3A_952 = arith.constant 0 : i32
    %dma_wait3A_953 = arith.constant 0 : i32
    %dma_wait3A_954 = arith.constant 0 : i32
    %dma_wait3A_955 = tpu.memref_slice %arg6[%dma_wait3A_952, %dma_wait3A_953, %dma_wait3A_954] : memref<2x200x128xi32, #tpu.memory_space<vmem>> -> memref<1x200x128xi32, #tpu.memory_space<vmem>>
    %dma_wait3A_956 = tpu.memref_squeeze %dma_wait3A_955 : memref<1x200x128xi32, #tpu.memory_space<vmem>> -> memref<200x128xi32, #tpu.memory_space<vmem>>
    %dma_wait3A_957 = arith.constant 0 : i32
    %dma_wait3A_958 = arith.constant 0 : i32
    %dma_wait3A_959 = tpu.memref_slice %arg3[%dma_wait3A_957, %dma_wait3A_951, %dma_wait3A_958] : memref<200x128x128xi32, #tpu.memory_space<hbm>> -> memref<200x1x128xi32, #tpu.memory_space<hbm>>
    %dma_wait3A_960 = tpu.memref_squeeze %dma_wait3A_959 : memref<200x1x128xi32, #tpu.memory_space<hbm>> -> memref<200x128xi32, #tpu.memory_space<hbm>>
    %dma_wait3A_961 = arith.constant 0 : i32
    %dma_wait3A_962 = arith.constant 0 : i32
    %dma_wait3A_963 = tpu.memref_slice %arg6[%dma_wait3A_952, %dma_wait3A_961, %dma_wait3A_962] : memref<2x200x128xi32, #tpu.memory_space<vmem>> -> memref<1x200x128xi32, #tpu.memory_space<vmem>>
    %dma_wait3A_964 = tpu.memref_squeeze %dma_wait3A_963 : memref<1x200x128xi32, #tpu.memory_space<vmem>> -> memref<200x128xi32, #tpu.memory_space<vmem>>
    %dma_wait3A_965 = arith.constant 0 : i32
    %dma_wait3A_966 = arith.constant 0 : i32
    %dma_wait3A_967 = tpu.memref_slice %arg3[%dma_wait3A_965, %dma_wait3A_951, %dma_wait3A_966] : memref<200x128x128xi32, #tpu.memory_space<hbm>> -> memref<200x1x128xi32, #tpu.memory_space<hbm>>
    %dma_wait3A_968 = tpu.memref_squeeze %dma_wait3A_967 : memref<200x1x128xi32, #tpu.memory_space<hbm>> -> memref<200x128xi32, #tpu.memory_space<hbm>>
    tpu.wait_dma2 semaphore(%arg9 : memref<!tpu.dma_semaphore, #tpu.memory_space<semaphore_mem>>) src(%dma_wait3A_968 : memref<200x128xi32, #tpu.memory_space<hbm>>) dst(%dma_wait3A_964 : memref<200x128xi32, #tpu.memory_space<vmem>>)
    %mul3A_969 = arith.constant 4 : i32
    %mul3A_970 = arith.muli %add3A, %mul3A_969 : i32
    %add3A_971 = arith.constant 3 : i32
    %add3A_972 = arith.addi %mul3A_970, %add3A_971 : i32
    %dma_start3A_973 = arith.constant 1 : i32
    %dma_start3A_974 = arith.constant 0 : i32
    %dma_start3A_975 = arith.constant 0 : i32
    %dma_start3A_976 = tpu.memref_slice %arg6[%dma_start3A_973, %dma_start3A_974, %dma_start3A_975] : memref<2x200x128xi32, #tpu.memory_space<vmem>> -> memref<1x200x128xi32, #tpu.memory_space<vmem>>
    %dma_start3A_977 = tpu.memref_squeeze %dma_start3A_976 : memref<1x200x128xi32, #tpu.memory_space<vmem>> -> memref<200x128xi32, #tpu.memory_space<vmem>>
    %dma_start3A_978 = arith.constant 0 : i32
    %dma_start3A_979 = arith.constant 0 : i32
    %dma_start3A_980 = tpu.memref_slice %arg3[%dma_start3A_978, %add3A_972, %dma_start3A_979] : memref<200x128x128xi32, #tpu.memory_space<hbm>> -> memref<200x1x128xi32, #tpu.memory_space<hbm>>
    %dma_start3A_981 = tpu.memref_squeeze %dma_start3A_980 : memref<200x1x128xi32, #tpu.memory_space<hbm>> -> memref<200x128xi32, #tpu.memory_space<hbm>>
    %dma_start3A_982 = arith.constant 0 : i32
    %dma_start3A_983 = arith.constant 0 : i32
    %dma_start3A_984 = tpu.memref_slice %arg6[%dma_start3A_973, %dma_start3A_982, %dma_start3A_983] : memref<2x200x128xi32, #tpu.memory_space<vmem>> -> memref<1x200x128xi32, #tpu.memory_space<vmem>>
    %dma_start3A_985 = tpu.memref_squeeze %dma_start3A_984 : memref<1x200x128xi32, #tpu.memory_space<vmem>> -> memref<200x128xi32, #tpu.memory_space<vmem>>
    %dma_start3A_986 = arith.constant 0 : i32
    %dma_start3A_987 = arith.constant 0 : i32
    %dma_start3A_988 = tpu.memref_slice %arg3[%dma_start3A_986, %add3A_972, %dma_start3A_987] : memref<200x128x128xi32, #tpu.memory_space<hbm>> -> memref<200x1x128xi32, #tpu.memory_space<hbm>>
    %dma_start3A_989 = tpu.memref_squeeze %dma_start3A_988 : memref<200x1x128xi32, #tpu.memory_space<hbm>> -> memref<200x128xi32, #tpu.memory_space<hbm>>
    tpu.enqueue_dma source(%dma_start3A_989 : memref<200x128xi32, #tpu.memory_space<hbm>>) target(%dma_start3A_985 : memref<200x128xi32, #tpu.memory_space<vmem>>) target_semaphore(%arg9 : memref<!tpu.dma_semaphore, #tpu.memory_space<semaphore_mem>>)
    %dma_start3A_990 = arith.constant 0 : i32
    %dma_start3A_991 = arith.constant 0 : i32
    %dma_start3A_992 = arith.constant 256 : i32
    %dma_start3A_993 = arith.constant 0 : i32
    %dma_start3A_994 = tpu.memref_slice %arg7[%dma_start3A_992, %dma_start3A_993] : memref<512x16xf32, #tpu.memory_space<vmem>> -> memref<128x16xf32, #tpu.memory_space<vmem>>
    %dma_start3A_995 = arith.constant 0 : i32
    %dma_start3A_996 = arith.constant 0 : i32
    %dma_start3A_997 = tpu.memref_slice %arg6[%dma_start3A_990, %dma_start3A_995, %dma_start3A_996] : memref<2x200x128xi32, #tpu.memory_space<vmem>> -> memref<1x200x128xi32, #tpu.memory_space<vmem>>
    %dma_start3A_998 = tpu.memref_squeeze %dma_start3A_997 : memref<1x200x128xi32, #tpu.memory_space<vmem>> -> memref<200x128xi32, #tpu.memory_space<vmem>>
    %dma_start3A_999 = arith.constant 0 : i32
    %dma_start3A_1000 = tpu.memref_slice %dma_start3A_998[%dma_start3A_991, %dma_start3A_999] : memref<200x128xi32, #tpu.memory_space<vmem>> -> memref<1x128xi32, #tpu.memory_space<vmem>>
    %dma_start3A_1001 = tpu.memref_squeeze %dma_start3A_1000 : memref<1x128xi32, #tpu.memory_space<vmem>> -> memref<128xi32, #tpu.memory_space<vmem>>
    %dma_start3A_1002 = arith.constant 0 : i32
    %dma_start3A_1003 = arith.constant 0 : i32
    %dma_start3A_1004 = tpu.memref_slice %arg2[%dma_start3A_1002, %dma_start3A_1003] : memref<1015808x16xf32, #tpu.memory_space<hbm>> -> memref<1015808x16xf32, #tpu.memory_space<hbm>>
    tpu.enqueue_indirect_dma source(%dma_start3A_1004 : memref<1015808x16xf32, #tpu.memory_space<hbm>>) target(%dma_start3A_994 : memref<128x16xf32, #tpu.memory_space<vmem>>) offsets(%dma_start3A_1001 : memref<128xi32, #tpu.memory_space<vmem>>) semaphore(%arg10 : memref<!tpu.dma_semaphore, #tpu.memory_space<semaphore_mem>>) {add = true}
    %dma_start3A_1005 = arith.constant 0 : i32
    %dma_start3A_1006 = arith.constant 1 : i32
    %dma_start3A_1007 = arith.constant 256 : i32
    %dma_start3A_1008 = arith.constant 0 : i32
    %dma_start3A_1009 = tpu.memref_slice %arg7[%dma_start3A_1007, %dma_start3A_1008] : memref<512x16xf32, #tpu.memory_space<vmem>> -> memref<128x16xf32, #tpu.memory_space<vmem>>
    %dma_start3A_1010 = arith.constant 0 : i32
    %dma_start3A_1011 = arith.constant 0 : i32
    %dma_start3A_1012 = tpu.memref_slice %arg6[%dma_start3A_1005, %dma_start3A_1010, %dma_start3A_1011] : memref<2x200x128xi32, #tpu.memory_space<vmem>> -> memref<1x200x128xi32, #tpu.memory_space<vmem>>
    %dma_start3A_1013 = tpu.memref_squeeze %dma_start3A_1012 : memref<1x200x128xi32, #tpu.memory_space<vmem>> -> memref<200x128xi32, #tpu.memory_space<vmem>>
    %dma_start3A_1014 = arith.constant 0 : i32
    %dma_start3A_1015 = tpu.memref_slice %dma_start3A_1013[%dma_start3A_1006, %dma_start3A_1014] : memref<200x128xi32, #tpu.memory_space<vmem>> -> memref<1x128xi32, #tpu.memory_space<vmem>>
    %dma_start3A_1016 = tpu.memref_squeeze %dma_start3A_1015 : memref<1x128xi32, #tpu.memory_space<vmem>> -> memref<128xi32, #tpu.memory_space<vmem>>
    %dma_start3A_1017 = arith.constant 0 : i32
    %dma_start3A_1018 = arith.constant 0 : i32
    %dma_start3A_1019 = tpu.memref_slice %arg2[%dma_start3A_1017, %dma_start3A_1018] : memref<1015808x16xf32, #tpu.memory_space<hbm>> -> memref<1015808x16xf32, #tpu.memory_space<hbm>>
    tpu.enqueue_indirect_dma source(%dma_start3A_1019 : memref<1015808x16xf32, #tpu.memory_space<hbm>>) target(%dma_start3A_1009 : memref<128x16xf32, #tpu.memory_space<vmem>>) offsets(%dma_start3A_1016 : memref<128xi32, #tpu.memory_space<vmem>>) semaphore(%arg10 : memref<!tpu.dma_semaphore, #tpu.memory_space<semaphore_mem>>) {add = true}
    %dma_start3A_1020 = arith.constant 0 : i32
    %dma_start3A_1021 = arith.constant 2 : i32
    %dma_start3A_1022 = arith.constant 256 : i32
    %dma_start3A_1023 = arith.constant 0 : i32
    %dma_start3A_1024 = tpu.memref_slice %arg7[%dma_start3A_1022, %dma_start3A_1023] : memref<512x16xf32, #tpu.memory_space<vmem>> -> memref<128x16xf32, #tpu.memory_space<vmem>>
    %dma_start3A_1025 = arith.constant 0 : i32
    %dma_start3A_1026 = arith.constant 0 : i32
    %dma_start3A_1027 = tpu.memref_slice %arg6[%dma_start3A_1020, %dma_start3A_1025, %dma_start3A_1026] : memref<2x200x128xi32, #tpu.memory_space<vmem>> -> memref<1x200x128xi32, #tpu.memory_space<vmem>>
    %dma_start3A_1028 = tpu.memref_squeeze %dma_start3A_1027 : memref<1x200x128xi32, #tpu.memory_space<vmem>> -> memref<200x128xi32, #tpu.memory_space<vmem>>
    %dma_start3A_1029 = arith.constant 0 : i32
    %dma_start3A_1030 = tpu.memref_slice %dma_start3A_1028[%dma_start3A_1021, %dma_start3A_1029] : memref<200x128xi32, #tpu.memory_space<vmem>> -> memref<1x128xi32, #tpu.memory_space<vmem>>
    %dma_start3A_1031 = tpu.memref_squeeze %dma_start3A_1030 : memref<1x128xi32, #tpu.memory_space<vmem>> -> memref<128xi32, #tpu.memory_space<vmem>>
    %dma_start3A_1032 = arith.constant 0 : i32
    %dma_start3A_1033 = arith.constant 0 : i32
    %dma_start3A_1034 = tpu.memref_slice %arg2[%dma_start3A_1032, %dma_start3A_1033] : memref<1015808x16xf32, #tpu.memory_space<hbm>> -> memref<1015808x16xf32, #tpu.memory_space<hbm>>
    tpu.enqueue_indirect_dma source(%dma_start3A_1034 : memref<1015808x16xf32, #tpu.memory_space<hbm>>) target(%dma_start3A_1024 : memref<128x16xf32, #tpu.memory_space<vmem>>) offsets(%dma_start3A_1031 : memref<128xi32, #tpu.memory_space<vmem>>) semaphore(%arg10 : memref<!tpu.dma_semaphore, #tpu.memory_space<semaphore_mem>>) {add = true}
    %dma_start3A_1035 = arith.constant 0 : i32
    %dma_start3A_1036 = arith.constant 3 : i32
    %dma_start3A_1037 = arith.constant 256 : i32
    %dma_start3A_1038 = arith.constant 0 : i32
    %dma_start3A_1039 = tpu.memref_slice %arg7[%dma_start3A_1037, %dma_start3A_1038] : memref<512x16xf32, #tpu.memory_space<vmem>> -> memref<128x16xf32, #tpu.memory_space<vmem>>
    %dma_start3A_1040 = arith.constant 0 : i32
    %dma_start3A_1041 = arith.constant 0 : i32
    %dma_start3A_1042 = tpu.memref_slice %arg6[%dma_start3A_1035, %dma_start3A_1040, %dma_start3A_1041] : memref<2x200x128xi32, #tpu.memory_space<vmem>> -> memref<1x200x128xi32, #tpu.memory_space<vmem>>
    %dma_start3A_1043 = tpu.memref_squeeze %dma_start3A_1042 : memref<1x200x128xi32, #tpu.memory_space<vmem>> -> memref<200x128xi32, #tpu.memory_space<vmem>>
    %dma_start3A_1044 = arith.constant 0 : i32
    %dma_start3A_1045 = tpu.memref_slice %dma_start3A_1043[%dma_start3A_1036, %dma_start3A_1044] : memref<200x128xi32, #tpu.memory_space<vmem>> -> memref<1x128xi32, #tpu.memory_space<vmem>>
    %dma_start3A_1046 = tpu.memref_squeeze %dma_start3A_1045 : memref<1x128xi32, #tpu.memory_space<vmem>> -> memref<128xi32, #tpu.memory_space<vmem>>
    %dma_start3A_1047 = arith.constant 0 : i32
    %dma_start3A_1048 = arith.constant 0 : i32
    %dma_start3A_1049 = tpu.memref_slice %arg2[%dma_start3A_1047, %dma_start3A_1048] : memref<1015808x16xf32, #tpu.memory_space<hbm>> -> memref<1015808x16xf32, #tpu.memory_space<hbm>>
    tpu.enqueue_indirect_dma source(%dma_start3A_1049 : memref<1015808x16xf32, #tpu.memory_space<hbm>>) target(%dma_start3A_1039 : memref<128x16xf32, #tpu.memory_space<vmem>>) offsets(%dma_start3A_1046 : memref<128xi32, #tpu.memory_space<vmem>>) semaphore(%arg10 : memref<!tpu.dma_semaphore, #tpu.memory_space<semaphore_mem>>) {add = true}
    %dma_start3A_1050 = arith.constant 0 : i32
    %dma_start3A_1051 = arith.constant 4 : i32
    %dma_start3A_1052 = arith.constant 256 : i32
    %dma_start3A_1053 = arith.constant 0 : i32
    %dma_start3A_1054 = tpu.memref_slice %arg7[%dma_start3A_1052, %dma_start3A_1053] : memref<512x16xf32, #tpu.memory_space<vmem>> -> memref<128x16xf32, #tpu.memory_space<vmem>>
    %dma_start3A_1055 = arith.constant 0 : i32
    %dma_start3A_1056 = arith.constant 0 : i32
    %dma_start3A_1057 = tpu.memref_slice %arg6[%dma_start3A_1050, %dma_start3A_1055, %dma_start3A_1056] : memref<2x200x128xi32, #tpu.memory_space<vmem>> -> memref<1x200x128xi32, #tpu.memory_space<vmem>>
    %dma_start3A_1058 = tpu.memref_squeeze %dma_start3A_1057 : memref<1x200x128xi32, #tpu.memory_space<vmem>> -> memref<200x128xi32, #tpu.memory_space<vmem>>
    %dma_start3A_1059 = arith.constant 0 : i32
    %dma_start3A_1060 = tpu.memref_slice %dma_start3A_1058[%dma_start3A_1051, %dma_start3A_1059] : memref<200x128xi32, #tpu.memory_space<vmem>> -> memref<1x128xi32, #tpu.memory_space<vmem>>
    %dma_start3A_1061 = tpu.memref_squeeze %dma_start3A_1060 : memref<1x128xi32, #tpu.memory_space<vmem>> -> memref<128xi32, #tpu.memory_space<vmem>>
    %dma_start3A_1062 = arith.constant 0 : i32
    %dma_start3A_1063 = arith.constant 0 : i32
    %dma_start3A_1064 = tpu.memref_slice %arg2[%dma_start3A_1062, %dma_start3A_1063] : memref<1015808x16xf32, #tpu.memory_space<hbm>> -> memref<1015808x16xf32, #tpu.memory_space<hbm>>
    tpu.enqueue_indirect_dma source(%dma_start3A_1064 : memref<1015808x16xf32, #tpu.memory_space<hbm>>) target(%dma_start3A_1054 : memref<128x16xf32, #tpu.memory_space<vmem>>) offsets(%dma_start3A_1061 : memref<128xi32, #tpu.memory_space<vmem>>) semaphore(%arg10 : memref<!tpu.dma_semaphore, #tpu.memory_space<semaphore_mem>>) {add = true}
    %dma_start3A_1065 = arith.constant 0 : i32
    %dma_start3A_1066 = arith.constant 5 : i32
    %dma_start3A_1067 = arith.constant 256 : i32
    %dma_start3A_1068 = arith.constant 0 : i32
    %dma_start3A_1069 = tpu.memref_slice %arg7[%dma_start3A_1067, %dma_start3A_1068] : memref<512x16xf32, #tpu.memory_space<vmem>> -> memref<128x16xf32, #tpu.memory_space<vmem>>
    %dma_start3A_1070 = arith.constant 0 : i32
    %dma_start3A_1071 = arith.constant 0 : i32
    %dma_start3A_1072 = tpu.memref_slice %arg6[%dma_start3A_1065, %dma_start3A_1070, %dma_start3A_1071] : memref<2x200x128xi32, #tpu.memory_space<vmem>> -> memref<1x200x128xi32, #tpu.memory_space<vmem>>
    %dma_start3A_1073 = tpu.memref_squeeze %dma_start3A_1072 : memref<1x200x128xi32, #tpu.memory_space<vmem>> -> memref<200x128xi32, #tpu.memory_space<vmem>>
    %dma_start3A_1074 = arith.constant 0 : i32
    %dma_start3A_1075 = tpu.memref_slice %dma_start3A_1073[%dma_start3A_1066, %dma_start3A_1074] : memref<200x128xi32, #tpu.memory_space<vmem>> -> memref<1x128xi32, #tpu.memory_space<vmem>>
    %dma_start3A_1076 = tpu.memref_squeeze %dma_start3A_1075 : memref<1x128xi32, #tpu.memory_space<vmem>> -> memref<128xi32, #tpu.memory_space<vmem>>
    %dma_start3A_1077 = arith.constant 0 : i32
    %dma_start3A_1078 = arith.constant 0 : i32
    %dma_start3A_1079 = tpu.memref_slice %arg2[%dma_start3A_1077, %dma_start3A_1078] : memref<1015808x16xf32, #tpu.memory_space<hbm>> -> memref<1015808x16xf32, #tpu.memory_space<hbm>>
    tpu.enqueue_indirect_dma source(%dma_start3A_1079 : memref<1015808x16xf32, #tpu.memory_space<hbm>>) target(%dma_start3A_1069 : memref<128x16xf32, #tpu.memory_space<vmem>>) offsets(%dma_start3A_1076 : memref<128xi32, #tpu.memory_space<vmem>>) semaphore(%arg10 : memref<!tpu.dma_semaphore, #tpu.memory_space<semaphore_mem>>) {add = true}
    %dma_start3A_1080 = arith.constant 0 : i32
    %dma_start3A_1081 = arith.constant 6 : i32
    %dma_start3A_1082 = arith.constant 256 : i32
    %dma_start3A_1083 = arith.constant 0 : i32
    %dma_start3A_1084 = tpu.memref_slice %arg7[%dma_start3A_1082, %dma_start3A_1083] : memref<512x16xf32, #tpu.memory_space<vmem>> -> memref<128x16xf32, #tpu.memory_space<vmem>>
    %dma_start3A_1085 = arith.constant 0 : i32
    %dma_start3A_1086 = arith.constant 0 : i32
    %dma_start3A_1087 = tpu.memref_slice %arg6[%dma_start3A_1080, %dma_start3A_1085, %dma_start3A_1086] : memref<2x200x128xi32, #tpu.memory_space<vmem>> -> memref<1x200x128xi32, #tpu.memory_space<vmem>>
    %dma_start3A_1088 = tpu.memref_squeeze %dma_start3A_1087 : memref<1x200x128xi32, #tpu.memory_space<vmem>> -> memref<200x128xi32, #tpu.memory_space<vmem>>
    %dma_start3A_1089 = arith.constant 0 : i32
    %dma_start3A_1090 = tpu.memref_slice %dma_start3A_1088[%dma_start3A_1081, %dma_start3A_1089] : memref<200x128xi32, #tpu.memory_space<vmem>> -> memref<1x128xi32, #tpu.memory_space<vmem>>
    %dma_start3A_1091 = tpu.memref_squeeze %dma_start3A_1090 : memref<1x128xi32, #tpu.memory_space<vmem>> -> memref<128xi32, #tpu.memory_space<vmem>>
    %dma_start3A_1092 = arith.constant 0 : i32
    %dma_start3A_1093 = arith.constant 0 : i32
    %dma_start3A_1094 = tpu.memref_slice %arg2[%dma_start3A_1092, %dma_start3A_1093] : memref<1015808x16xf32, #tpu.memory_space<hbm>> -> memref<1015808x16xf32, #tpu.memory_space<hbm>>
    tpu.enqueue_indirect_dma source(%dma_start3A_1094 : memref<1015808x16xf32, #tpu.memory_space<hbm>>) target(%dma_start3A_1084 : memref<128x16xf32, #tpu.memory_space<vmem>>) offsets(%dma_start3A_1091 : memref<128xi32, #tpu.memory_space<vmem>>) semaphore(%arg10 : memref<!tpu.dma_semaphore, #tpu.memory_space<semaphore_mem>>) {add = true}
    %dma_start3A_1095 = arith.constant 0 : i32
    %dma_start3A_1096 = arith.constant 7 : i32
    %dma_start3A_1097 = arith.constant 256 : i32
    %dma_start3A_1098 = arith.constant 0 : i32
    %dma_start3A_1099 = tpu.memref_slice %arg7[%dma_start3A_1097, %dma_start3A_1098] : memref<512x16xf32, #tpu.memory_space<vmem>> -> memref<128x16xf32, #tpu.memory_space<vmem>>
    %dma_start3A_1100 = arith.constant 0 : i32
    %dma_start3A_1101 = arith.constant 0 : i32
    %dma_start3A_1102 = tpu.memref_slice %arg6[%dma_start3A_1095, %dma_start3A_1100, %dma_start3A_1101] : memref<2x200x128xi32, #tpu.memory_space<vmem>> -> memref<1x200x128xi32, #tpu.memory_space<vmem>>
    %dma_start3A_1103 = tpu.memref_squeeze %dma_start3A_1102 : memref<1x200x128xi32, #tpu.memory_space<vmem>> -> memref<200x128xi32, #tpu.memory_space<vmem>>
    %dma_start3A_1104 = arith.constant 0 : i32
    %dma_start3A_1105 = tpu.memref_slice %dma_start3A_1103[%dma_start3A_1096, %dma_start3A_1104] : memref<200x128xi32, #tpu.memory_space<vmem>> -> memref<1x128xi32, #tpu.memory_space<vmem>>
    %dma_start3A_1106 = tpu.memref_squeeze %dma_start3A_1105 : memref<1x128xi32, #tpu.memory_space<vmem>> -> memref<128xi32, #tpu.memory_space<vmem>>
    %dma_start3A_1107 = arith.constant 0 : i32
    %dma_start3A_1108 = arith.constant 0 : i32
    %dma_start3A_1109 = tpu.memref_slice %arg2[%dma_start3A_1107, %dma_start3A_1108] : memref<1015808x16xf32, #tpu.memory_space<hbm>> -> memref<1015808x16xf32, #tpu.memory_space<hbm>>
    tpu.enqueue_indirect_dma source(%dma_start3A_1109 : memref<1015808x16xf32, #tpu.memory_space<hbm>>) target(%dma_start3A_1099 : memref<128x16xf32, #tpu.memory_space<vmem>>) offsets(%dma_start3A_1106 : memref<128xi32, #tpu.memory_space<vmem>>) semaphore(%arg10 : memref<!tpu.dma_semaphore, #tpu.memory_space<semaphore_mem>>) {add = true}
    %dma_start3A_1110 = arith.constant 0 : i32
    %dma_start3A_1111 = arith.constant 8 : i32
    %dma_start3A_1112 = arith.constant 256 : i32
    %dma_start3A_1113 = arith.constant 0 : i32
    %dma_start3A_1114 = tpu.memref_slice %arg7[%dma_start3A_1112, %dma_start3A_1113] : memref<512x16xf32, #tpu.memory_space<vmem>> -> memref<128x16xf32, #tpu.memory_space<vmem>>
    %dma_start3A_1115 = arith.constant 0 : i32
    %dma_start3A_1116 = arith.constant 0 : i32
    %dma_start3A_1117 = tpu.memref_slice %arg6[%dma_start3A_1110, %dma_start3A_1115, %dma_start3A_1116] : memref<2x200x128xi32, #tpu.memory_space<vmem>> -> memref<1x200x128xi32, #tpu.memory_space<vmem>>
    %dma_start3A_1118 = tpu.memref_squeeze %dma_start3A_1117 : memref<1x200x128xi32, #tpu.memory_space<vmem>> -> memref<200x128xi32, #tpu.memory_space<vmem>>
    %dma_start3A_1119 = arith.constant 0 : i32
    %dma_start3A_1120 = tpu.memref_slice %dma_start3A_1118[%dma_start3A_1111, %dma_start3A_1119] : memref<200x128xi32, #tpu.memory_space<vmem>> -> memref<1x128xi32, #tpu.memory_space<vmem>>
    %dma_start3A_1121 = tpu.memref_squeeze %dma_start3A_1120 : memref<1x128xi32, #tpu.memory_space<vmem>> -> memref<128xi32, #tpu.memory_space<vmem>>
    %dma_start3A_1122 = arith.constant 0 : i32
    %dma_start3A_1123 = arith.constant 0 : i32
    %dma_start3A_1124 = tpu.memref_slice %arg2[%dma_start3A_1122, %dma_start3A_1123] : memref<1015808x16xf32, #tpu.memory_space<hbm>> -> memref<1015808x16xf32, #tpu.memory_space<hbm>>
    tpu.enqueue_indirect_dma source(%dma_start3A_1124 : memref<1015808x16xf32, #tpu.memory_space<hbm>>) target(%dma_start3A_1114 : memref<128x16xf32, #tpu.memory_space<vmem>>) offsets(%dma_start3A_1121 : memref<128xi32, #tpu.memory_space<vmem>>) semaphore(%arg10 : memref<!tpu.dma_semaphore, #tpu.memory_space<semaphore_mem>>) {add = true}
    %dma_start3A_1125 = arith.constant 0 : i32
    %dma_start3A_1126 = arith.constant 9 : i32
    %dma_start3A_1127 = arith.constant 256 : i32
    %dma_start3A_1128 = arith.constant 0 : i32
    %dma_start3A_1129 = tpu.memref_slice %arg7[%dma_start3A_1127, %dma_start3A_1128] : memref<512x16xf32, #tpu.memory_space<vmem>> -> memref<128x16xf32, #tpu.memory_space<vmem>>
    %dma_start3A_1130 = arith.constant 0 : i32
    %dma_start3A_1131 = arith.constant 0 : i32
    %dma_start3A_1132 = tpu.memref_slice %arg6[%dma_start3A_1125, %dma_start3A_1130, %dma_start3A_1131] : memref<2x200x128xi32, #tpu.memory_space<vmem>> -> memref<1x200x128xi32, #tpu.memory_space<vmem>>
    %dma_start3A_1133 = tpu.memref_squeeze %dma_start3A_1132 : memref<1x200x128xi32, #tpu.memory_space<vmem>> -> memref<200x128xi32, #tpu.memory_space<vmem>>
    %dma_start3A_1134 = arith.constant 0 : i32
    %dma_start3A_1135 = tpu.memref_slice %dma_start3A_1133[%dma_start3A_1126, %dma_start3A_1134] : memref<200x128xi32, #tpu.memory_space<vmem>> -> memref<1x128xi32, #tpu.memory_space<vmem>>
    %dma_start3A_1136 = tpu.memref_squeeze %dma_start3A_1135 : memref<1x128xi32, #tpu.memory_space<vmem>> -> memref<128xi32, #tpu.memory_space<vmem>>
    %dma_start3A_1137 = arith.constant 0 : i32
    %dma_start3A_1138 = arith.constant 0 : i32
    %dma_start3A_1139 = tpu.memref_slice %arg2[%dma_start3A_1137, %dma_start3A_1138] : memref<1015808x16xf32, #tpu.memory_space<hbm>> -> memref<1015808x16xf32, #tpu.memory_space<hbm>>
    tpu.enqueue_indirect_dma source(%dma_start3A_1139 : memref<1015808x16xf32, #tpu.memory_space<hbm>>) target(%dma_start3A_1129 : memref<128x16xf32, #tpu.memory_space<vmem>>) offsets(%dma_start3A_1136 : memref<128xi32, #tpu.memory_space<vmem>>) semaphore(%arg10 : memref<!tpu.dma_semaphore, #tpu.memory_space<semaphore_mem>>) {add = true}
    %dma_start3A_1140 = arith.constant 0 : i32
    %dma_start3A_1141 = arith.constant 10 : i32
    %dma_start3A_1142 = arith.constant 256 : i32
    %dma_start3A_1143 = arith.constant 0 : i32
    %dma_start3A_1144 = tpu.memref_slice %arg7[%dma_start3A_1142, %dma_start3A_1143] : memref<512x16xf32, #tpu.memory_space<vmem>> -> memref<128x16xf32, #tpu.memory_space<vmem>>
    %dma_start3A_1145 = arith.constant 0 : i32
    %dma_start3A_1146 = arith.constant 0 : i32
    %dma_start3A_1147 = tpu.memref_slice %arg6[%dma_start3A_1140, %dma_start3A_1145, %dma_start3A_1146] : memref<2x200x128xi32, #tpu.memory_space<vmem>> -> memref<1x200x128xi32, #tpu.memory_space<vmem>>
    %dma_start3A_1148 = tpu.memref_squeeze %dma_start3A_1147 : memref<1x200x128xi32, #tpu.memory_space<vmem>> -> memref<200x128xi32, #tpu.memory_space<vmem>>
    %dma_start3A_1149 = arith.constant 0 : i32
    %dma_start3A_1150 = tpu.memref_slice %dma_start3A_1148[%dma_start3A_1141, %dma_start3A_1149] : memref<200x128xi32, #tpu.memory_space<vmem>> -> memref<1x128xi32, #tpu.memory_space<vmem>>
    %dma_start3A_1151 = tpu.memref_squeeze %dma_start3A_1150 : memref<1x128xi32, #tpu.memory_space<vmem>> -> memref<128xi32, #tpu.memory_space<vmem>>
    %dma_start3A_1152 = arith.constant 0 : i32
    %dma_start3A_1153 = arith.constant 0 : i32
    %dma_start3A_1154 = tpu.memref_slice %arg2[%dma_start3A_1152, %dma_start3A_1153] : memref<1015808x16xf32, #tpu.memory_space<hbm>> -> memref<1015808x16xf32, #tpu.memory_space<hbm>>
    tpu.enqueue_indirect_dma source(%dma_start3A_1154 : memref<1015808x16xf32, #tpu.memory_space<hbm>>) target(%dma_start3A_1144 : memref<128x16xf32, #tpu.memory_space<vmem>>) offsets(%dma_start3A_1151 : memref<128xi32, #tpu.memory_space<vmem>>) semaphore(%arg10 : memref<!tpu.dma_semaphore, #tpu.memory_space<semaphore_mem>>) {add = true}
    %dma_start3A_1155 = arith.constant 0 : i32
    %dma_start3A_1156 = arith.constant 11 : i32
    %dma_start3A_1157 = arith.constant 256 : i32
    %dma_start3A_1158 = arith.constant 0 : i32
    %dma_start3A_1159 = tpu.memref_slice %arg7[%dma_start3A_1157, %dma_start3A_1158] : memref<512x16xf32, #tpu.memory_space<vmem>> -> memref<128x16xf32, #tpu.memory_space<vmem>>
    %dma_start3A_1160 = arith.constant 0 : i32
    %dma_start3A_1161 = arith.constant 0 : i32
    %dma_start3A_1162 = tpu.memref_slice %arg6[%dma_start3A_1155, %dma_start3A_1160, %dma_start3A_1161] : memref<2x200x128xi32, #tpu.memory_space<vmem>> -> memref<1x200x128xi32, #tpu.memory_space<vmem>>
    %dma_start3A_1163 = tpu.memref_squeeze %dma_start3A_1162 : memref<1x200x128xi32, #tpu.memory_space<vmem>> -> memref<200x128xi32, #tpu.memory_space<vmem>>
    %dma_start3A_1164 = arith.constant 0 : i32
    %dma_start3A_1165 = tpu.memref_slice %dma_start3A_1163[%dma_start3A_1156, %dma_start3A_1164] : memref<200x128xi32, #tpu.memory_space<vmem>> -> memref<1x128xi32, #tpu.memory_space<vmem>>
    %dma_start3A_1166 = tpu.memref_squeeze %dma_start3A_1165 : memref<1x128xi32, #tpu.memory_space<vmem>> -> memref<128xi32, #tpu.memory_space<vmem>>
    %dma_start3A_1167 = arith.constant 0 : i32
    %dma_start3A_1168 = arith.constant 0 : i32
    %dma_start3A_1169 = tpu.memref_slice %arg2[%dma_start3A_1167, %dma_start3A_1168] : memref<1015808x16xf32, #tpu.memory_space<hbm>> -> memref<1015808x16xf32, #tpu.memory_space<hbm>>
    tpu.enqueue_indirect_dma source(%dma_start3A_1169 : memref<1015808x16xf32, #tpu.memory_space<hbm>>) target(%dma_start3A_1159 : memref<128x16xf32, #tpu.memory_space<vmem>>) offsets(%dma_start3A_1166 : memref<128xi32, #tpu.memory_space<vmem>>) semaphore(%arg10 : memref<!tpu.dma_semaphore, #tpu.memory_space<semaphore_mem>>) {add = true}
    %dma_start3A_1170 = arith.constant 0 : i32
    %dma_start3A_1171 = arith.constant 12 : i32
    %dma_start3A_1172 = arith.constant 256 : i32
    %dma_start3A_1173 = arith.constant 0 : i32
    %dma_start3A_1174 = tpu.memref_slice %arg7[%dma_start3A_1172, %dma_start3A_1173] : memref<512x16xf32, #tpu.memory_space<vmem>> -> memref<128x16xf32, #tpu.memory_space<vmem>>
    %dma_start3A_1175 = arith.constant 0 : i32
    %dma_start3A_1176 = arith.constant 0 : i32
    %dma_start3A_1177 = tpu.memref_slice %arg6[%dma_start3A_1170, %dma_start3A_1175, %dma_start3A_1176] : memref<2x200x128xi32, #tpu.memory_space<vmem>> -> memref<1x200x128xi32, #tpu.memory_space<vmem>>
    %dma_start3A_1178 = tpu.memref_squeeze %dma_start3A_1177 : memref<1x200x128xi32, #tpu.memory_space<vmem>> -> memref<200x128xi32, #tpu.memory_space<vmem>>
    %dma_start3A_1179 = arith.constant 0 : i32
    %dma_start3A_1180 = tpu.memref_slice %dma_start3A_1178[%dma_start3A_1171, %dma_start3A_1179] : memref<200x128xi32, #tpu.memory_space<vmem>> -> memref<1x128xi32, #tpu.memory_space<vmem>>
    %dma_start3A_1181 = tpu.memref_squeeze %dma_start3A_1180 : memref<1x128xi32, #tpu.memory_space<vmem>> -> memref<128xi32, #tpu.memory_space<vmem>>
    %dma_start3A_1182 = arith.constant 0 : i32
    %dma_start3A_1183 = arith.constant 0 : i32
    %dma_start3A_1184 = tpu.memref_slice %arg2[%dma_start3A_1182, %dma_start3A_1183] : memref<1015808x16xf32, #tpu.memory_space<hbm>> -> memref<1015808x16xf32, #tpu.memory_space<hbm>>
    tpu.enqueue_indirect_dma source(%dma_start3A_1184 : memref<1015808x16xf32, #tpu.memory_space<hbm>>) target(%dma_start3A_1174 : memref<128x16xf32, #tpu.memory_space<vmem>>) offsets(%dma_start3A_1181 : memref<128xi32, #tpu.memory_space<vmem>>) semaphore(%arg10 : memref<!tpu.dma_semaphore, #tpu.memory_space<semaphore_mem>>) {add = true}
    %dma_start3A_1185 = arith.constant 0 : i32
    %dma_start3A_1186 = arith.constant 13 : i32
    %dma_start3A_1187 = arith.constant 256 : i32
    %dma_start3A_1188 = arith.constant 0 : i32
    %dma_start3A_1189 = tpu.memref_slice %arg7[%dma_start3A_1187, %dma_start3A_1188] : memref<512x16xf32, #tpu.memory_space<vmem>> -> memref<128x16xf32, #tpu.memory_space<vmem>>
    %dma_start3A_1190 = arith.constant 0 : i32
    %dma_start3A_1191 = arith.constant 0 : i32
    %dma_start3A_1192 = tpu.memref_slice %arg6[%dma_start3A_1185, %dma_start3A_1190, %dma_start3A_1191] : memref<2x200x128xi32, #tpu.memory_space<vmem>> -> memref<1x200x128xi32, #tpu.memory_space<vmem>>
    %dma_start3A_1193 = tpu.memref_squeeze %dma_start3A_1192 : memref<1x200x128xi32, #tpu.memory_space<vmem>> -> memref<200x128xi32, #tpu.memory_space<vmem>>
    %dma_start3A_1194 = arith.constant 0 : i32
    %dma_start3A_1195 = tpu.memref_slice %dma_start3A_1193[%dma_start3A_1186, %dma_start3A_1194] : memref<200x128xi32, #tpu.memory_space<vmem>> -> memref<1x128xi32, #tpu.memory_space<vmem>>
    %dma_start3A_1196 = tpu.memref_squeeze %dma_start3A_1195 : memref<1x128xi32, #tpu.memory_space<vmem>> -> memref<128xi32, #tpu.memory_space<vmem>>
    %dma_start3A_1197 = arith.constant 0 : i32
    %dma_start3A_1198 = arith.constant 0 : i32
    %dma_start3A_1199 = tpu.memref_slice %arg2[%dma_start3A_1197, %dma_start3A_1198] : memref<1015808x16xf32, #tpu.memory_space<hbm>> -> memref<1015808x16xf32, #tpu.memory_space<hbm>>
    tpu.enqueue_indirect_dma source(%dma_start3A_1199 : memref<1015808x16xf32, #tpu.memory_space<hbm>>) target(%dma_start3A_1189 : memref<128x16xf32, #tpu.memory_space<vmem>>) offsets(%dma_start3A_1196 : memref<128xi32, #tpu.memory_space<vmem>>) semaphore(%arg10 : memref<!tpu.dma_semaphore, #tpu.memory_space<semaphore_mem>>) {add = true}
    %dma_start3A_1200 = arith.constant 0 : i32
    %dma_start3A_1201 = arith.constant 14 : i32
    %dma_start3A_1202 = arith.constant 256 : i32
    %dma_start3A_1203 = arith.constant 0 : i32
    %dma_start3A_1204 = tpu.memref_slice %arg7[%dma_start3A_1202, %dma_start3A_1203] : memref<512x16xf32, #tpu.memory_space<vmem>> -> memref<128x16xf32, #tpu.memory_space<vmem>>
    %dma_start3A_1205 = arith.constant 0 : i32
    %dma_start3A_1206 = arith.constant 0 : i32
    %dma_start3A_1207 = tpu.memref_slice %arg6[%dma_start3A_1200, %dma_start3A_1205, %dma_start3A_1206] : memref<2x200x128xi32, #tpu.memory_space<vmem>> -> memref<1x200x128xi32, #tpu.memory_space<vmem>>
    %dma_start3A_1208 = tpu.memref_squeeze %dma_start3A_1207 : memref<1x200x128xi32, #tpu.memory_space<vmem>> -> memref<200x128xi32, #tpu.memory_space<vmem>>
    %dma_start3A_1209 = arith.constant 0 : i32
    %dma_start3A_1210 = tpu.memref_slice %dma_start3A_1208[%dma_start3A_1201, %dma_start3A_1209] : memref<200x128xi32, #tpu.memory_space<vmem>> -> memref<1x128xi32, #tpu.memory_space<vmem>>
    %dma_start3A_1211 = tpu.memref_squeeze %dma_start3A_1210 : memref<1x128xi32, #tpu.memory_space<vmem>> -> memref<128xi32, #tpu.memory_space<vmem>>
    %dma_start3A_1212 = arith.constant 0 : i32
    %dma_start3A_1213 = arith.constant 0 : i32
    %dma_start3A_1214 = tpu.memref_slice %arg2[%dma_start3A_1212, %dma_start3A_1213] : memref<1015808x16xf32, #tpu.memory_space<hbm>> -> memref<1015808x16xf32, #tpu.memory_space<hbm>>
    tpu.enqueue_indirect_dma source(%dma_start3A_1214 : memref<1015808x16xf32, #tpu.memory_space<hbm>>) target(%dma_start3A_1204 : memref<128x16xf32, #tpu.memory_space<vmem>>) offsets(%dma_start3A_1211 : memref<128xi32, #tpu.memory_space<vmem>>) semaphore(%arg10 : memref<!tpu.dma_semaphore, #tpu.memory_space<semaphore_mem>>) {add = true}
    %dma_start3A_1215 = arith.constant 0 : i32
    %dma_start3A_1216 = arith.constant 15 : i32
    %dma_start3A_1217 = arith.constant 256 : i32
    %dma_start3A_1218 = arith.constant 0 : i32
    %dma_start3A_1219 = tpu.memref_slice %arg7[%dma_start3A_1217, %dma_start3A_1218] : memref<512x16xf32, #tpu.memory_space<vmem>> -> memref<128x16xf32, #tpu.memory_space<vmem>>
    %dma_start3A_1220 = arith.constant 0 : i32
    %dma_start3A_1221 = arith.constant 0 : i32
    %dma_start3A_1222 = tpu.memref_slice %arg6[%dma_start3A_1215, %dma_start3A_1220, %dma_start3A_1221] : memref<2x200x128xi32, #tpu.memory_space<vmem>> -> memref<1x200x128xi32, #tpu.memory_space<vmem>>
    %dma_start3A_1223 = tpu.memref_squeeze %dma_start3A_1222 : memref<1x200x128xi32, #tpu.memory_space<vmem>> -> memref<200x128xi32, #tpu.memory_space<vmem>>
    %dma_start3A_1224 = arith.constant 0 : i32
    %dma_start3A_1225 = tpu.memref_slice %dma_start3A_1223[%dma_start3A_1216, %dma_start3A_1224] : memref<200x128xi32, #tpu.memory_space<vmem>> -> memref<1x128xi32, #tpu.memory_space<vmem>>
    %dma_start3A_1226 = tpu.memref_squeeze %dma_start3A_1225 : memref<1x128xi32, #tpu.memory_space<vmem>> -> memref<128xi32, #tpu.memory_space<vmem>>
    %dma_start3A_1227 = arith.constant 0 : i32
    %dma_start3A_1228 = arith.constant 0 : i32
    %dma_start3A_1229 = tpu.memref_slice %arg2[%dma_start3A_1227, %dma_start3A_1228] : memref<1015808x16xf32, #tpu.memory_space<hbm>> -> memref<1015808x16xf32, #tpu.memory_space<hbm>>
    tpu.enqueue_indirect_dma source(%dma_start3A_1229 : memref<1015808x16xf32, #tpu.memory_space<hbm>>) target(%dma_start3A_1219 : memref<128x16xf32, #tpu.memory_space<vmem>>) offsets(%dma_start3A_1226 : memref<128xi32, #tpu.memory_space<vmem>>) semaphore(%arg10 : memref<!tpu.dma_semaphore, #tpu.memory_space<semaphore_mem>>) {add = true}
    %scan3A_1230 = arith.constant 0 : i32
    %scan3A_1231 = arith.constant 0 : i32
    %scan3A_1232 = arith.constant 16 : i32
    %scan3A_1233 = arith.constant 184 : i32
    %scan3A_1234 = arith.addi %scan3A_1232, %scan3A_1233 : i32
    %scan3A_1235 = arith.constant 1 : i32
    scf.for %scan3A_1869 = %scan3A_1232 to %scan3A_1234 step %scan3A_1235  : i32 {
      %dma_wait3A_1870 = arith.constant 0 : i32
      %dma_wait3A_1871 = arith.constant 0 : i32
      %dma_wait3A_1872 = arith.constant 0 : i32
      %dma_wait3A_1873 = arith.constant 0 : i32
      %dma_wait3A_1874 = tpu.memref_slice %arg7[%dma_wait3A_1872, %dma_wait3A_1873] : memref<512x16xf32, #tpu.memory_space<vmem>> -> memref<128x16xf32, #tpu.memory_space<vmem>>
      %dma_wait3A_1875 = arith.constant 0 : i32
      %dma_wait3A_1876 = tpu.memref_slice %arg6[%dma_wait3A_1870, %dma_wait3A_1871, %dma_wait3A_1875] : memref<2x200x128xi32, #tpu.memory_space<vmem>> -> memref<1x1x128xi32, #tpu.memory_space<vmem>>
      %dma_wait3A_1877 = tpu.memref_squeeze %dma_wait3A_1876 : memref<1x1x128xi32, #tpu.memory_space<vmem>> -> memref<128xi32, #tpu.memory_space<vmem>>
      %dma_wait3A_1878 = arith.constant 0 : i32
      %dma_wait3A_1879 = arith.constant 0 : i32
      %dma_wait3A_1880 = tpu.memref_slice %arg2[%dma_wait3A_1878, %dma_wait3A_1879] : memref<1015808x16xf32, #tpu.memory_space<hbm>> -> memref<1015808x16xf32, #tpu.memory_space<hbm>>
      tpu.wait_indirect_dma semaphore(%arg10 : memref<!tpu.dma_semaphore, #tpu.memory_space<semaphore_mem>>) src(%dma_wait3A_1880 : memref<1015808x16xf32, #tpu.memory_space<hbm>>) dst(%dma_wait3A_1874 : memref<128x16xf32, #tpu.memory_space<vmem>>)
      %dma_start3A_1881 = arith.constant 256 : i32
      %dma_start3A_1882 = arith.constant 0 : i32
      %dma_start3A_1883 = tpu.memref_slice %arg7[%dma_start3A_1881, %dma_start3A_1882] : memref<512x16xf32, #tpu.memory_space<vmem>> -> memref<128x16xf32, #tpu.memory_space<vmem>>
      %dma_start3A_1884 = arith.constant 0 : i32
      %dma_start3A_1885 = arith.constant 0 : i32
      %dma_start3A_1886 = tpu.memref_slice %arg6[%scan3A_1231, %dma_start3A_1884, %dma_start3A_1885] : memref<2x200x128xi32, #tpu.memory_space<vmem>> -> memref<1x200x128xi32, #tpu.memory_space<vmem>>
      %dma_start3A_1887 = tpu.memref_squeeze %dma_start3A_1886 : memref<1x200x128xi32, #tpu.memory_space<vmem>> -> memref<200x128xi32, #tpu.memory_space<vmem>>
      %dma_start3A_1888 = arith.constant 0 : i32
      %dma_start3A_1889 = tpu.memref_slice %dma_start3A_1887[%scan3A_1869, %dma_start3A_1888] : memref<200x128xi32, #tpu.memory_space<vmem>> -> memref<1x128xi32, #tpu.memory_space<vmem>>
      %dma_start3A_1890 = tpu.memref_squeeze %dma_start3A_1889 : memref<1x128xi32, #tpu.memory_space<vmem>> -> memref<128xi32, #tpu.memory_space<vmem>>
      %dma_start3A_1891 = arith.constant 0 : i32
      %dma_start3A_1892 = arith.constant 0 : i32
      %dma_start3A_1893 = tpu.memref_slice %arg2[%dma_start3A_1891, %dma_start3A_1892] : memref<1015808x16xf32, #tpu.memory_space<hbm>> -> memref<1015808x16xf32, #tpu.memory_space<hbm>>
      tpu.enqueue_indirect_dma source(%dma_start3A_1893 : memref<1015808x16xf32, #tpu.memory_space<hbm>>) target(%dma_start3A_1883 : memref<128x16xf32, #tpu.memory_space<vmem>>) offsets(%dma_start3A_1890 : memref<128xi32, #tpu.memory_space<vmem>>) semaphore(%arg10 : memref<!tpu.dma_semaphore, #tpu.memory_space<semaphore_mem>>) {add = true}
    }
    %scan3A_1236 = arith.constant 184 : i32
    %dma_wait3A_1237 = arith.constant 0 : i32
    %dma_wait3A_1238 = arith.constant 0 : i32
    %dma_wait3A_1239 = arith.constant 0 : i32
    %dma_wait3A_1240 = arith.constant 0 : i32
    %dma_wait3A_1241 = tpu.memref_slice %arg7[%dma_wait3A_1239, %dma_wait3A_1240] : memref<512x16xf32, #tpu.memory_space<vmem>> -> memref<128x16xf32, #tpu.memory_space<vmem>>
    %dma_wait3A_1242 = arith.constant 0 : i32
    %dma_wait3A_1243 = tpu.memref_slice %arg6[%dma_wait3A_1237, %dma_wait3A_1238, %dma_wait3A_1242] : memref<2x200x128xi32, #tpu.memory_space<vmem>> -> memref<1x1x128xi32, #tpu.memory_space<vmem>>
    %dma_wait3A_1244 = tpu.memref_squeeze %dma_wait3A_1243 : memref<1x1x128xi32, #tpu.memory_space<vmem>> -> memref<128xi32, #tpu.memory_space<vmem>>
    %dma_wait3A_1245 = arith.constant 0 : i32
    %dma_wait3A_1246 = arith.constant 0 : i32
    %dma_wait3A_1247 = tpu.memref_slice %arg2[%dma_wait3A_1245, %dma_wait3A_1246] : memref<1015808x16xf32, #tpu.memory_space<hbm>> -> memref<1015808x16xf32, #tpu.memory_space<hbm>>
    tpu.wait_indirect_dma semaphore(%arg10 : memref<!tpu.dma_semaphore, #tpu.memory_space<semaphore_mem>>) src(%dma_wait3A_1247 : memref<1015808x16xf32, #tpu.memory_space<hbm>>) dst(%dma_wait3A_1241 : memref<128x16xf32, #tpu.memory_space<vmem>>)
    %dma_wait3A_1248 = arith.constant 0 : i32
    %dma_wait3A_1249 = arith.constant 0 : i32
    %dma_wait3A_1250 = arith.constant 0 : i32
    %dma_wait3A_1251 = arith.constant 0 : i32
    %dma_wait3A_1252 = tpu.memref_slice %arg7[%dma_wait3A_1250, %dma_wait3A_1251] : memref<512x16xf32, #tpu.memory_space<vmem>> -> memref<128x16xf32, #tpu.memory_space<vmem>>
    %dma_wait3A_1253 = arith.constant 0 : i32
    %dma_wait3A_1254 = tpu.memref_slice %arg6[%dma_wait3A_1248, %dma_wait3A_1249, %dma_wait3A_1253] : memref<2x200x128xi32, #tpu.memory_space<vmem>> -> memref<1x1x128xi32, #tpu.memory_space<vmem>>
    %dma_wait3A_1255 = tpu.memref_squeeze %dma_wait3A_1254 : memref<1x1x128xi32, #tpu.memory_space<vmem>> -> memref<128xi32, #tpu.memory_space<vmem>>
    %dma_wait3A_1256 = arith.constant 0 : i32
    %dma_wait3A_1257 = arith.constant 0 : i32
    %dma_wait3A_1258 = tpu.memref_slice %arg2[%dma_wait3A_1256, %dma_wait3A_1257] : memref<1015808x16xf32, #tpu.memory_space<hbm>> -> memref<1015808x16xf32, #tpu.memory_space<hbm>>
    tpu.wait_indirect_dma semaphore(%arg10 : memref<!tpu.dma_semaphore, #tpu.memory_space<semaphore_mem>>) src(%dma_wait3A_1258 : memref<1015808x16xf32, #tpu.memory_space<hbm>>) dst(%dma_wait3A_1252 : memref<128x16xf32, #tpu.memory_space<vmem>>)
    %dma_wait3A_1259 = arith.constant 0 : i32
    %dma_wait3A_1260 = arith.constant 0 : i32
    %dma_wait3A_1261 = arith.constant 0 : i32
    %dma_wait3A_1262 = arith.constant 0 : i32
    %dma_wait3A_1263 = tpu.memref_slice %arg7[%dma_wait3A_1261, %dma_wait3A_1262] : memref<512x16xf32, #tpu.memory_space<vmem>> -> memref<128x16xf32, #tpu.memory_space<vmem>>
    %dma_wait3A_1264 = arith.constant 0 : i32
    %dma_wait3A_1265 = tpu.memref_slice %arg6[%dma_wait3A_1259, %dma_wait3A_1260, %dma_wait3A_1264] : memref<2x200x128xi32, #tpu.memory_space<vmem>> -> memref<1x1x128xi32, #tpu.memory_space<vmem>>
    %dma_wait3A_1266 = tpu.memref_squeeze %dma_wait3A_1265 : memref<1x1x128xi32, #tpu.memory_space<vmem>> -> memref<128xi32, #tpu.memory_space<vmem>>
    %dma_wait3A_1267 = arith.constant 0 : i32
    %dma_wait3A_1268 = arith.constant 0 : i32
    %dma_wait3A_1269 = tpu.memref_slice %arg2[%dma_wait3A_1267, %dma_wait3A_1268] : memref<1015808x16xf32, #tpu.memory_space<hbm>> -> memref<1015808x16xf32, #tpu.memory_space<hbm>>
    tpu.wait_indirect_dma semaphore(%arg10 : memref<!tpu.dma_semaphore, #tpu.memory_space<semaphore_mem>>) src(%dma_wait3A_1269 : memref<1015808x16xf32, #tpu.memory_space<hbm>>) dst(%dma_wait3A_1263 : memref<128x16xf32, #tpu.memory_space<vmem>>)
    %dma_wait3A_1270 = arith.constant 0 : i32
    %dma_wait3A_1271 = arith.constant 0 : i32
    %dma_wait3A_1272 = arith.constant 0 : i32
    %dma_wait3A_1273 = arith.constant 0 : i32
    %dma_wait3A_1274 = tpu.memref_slice %arg7[%dma_wait3A_1272, %dma_wait3A_1273] : memref<512x16xf32, #tpu.memory_space<vmem>> -> memref<128x16xf32, #tpu.memory_space<vmem>>
    %dma_wait3A_1275 = arith.constant 0 : i32
    %dma_wait3A_1276 = tpu.memref_slice %arg6[%dma_wait3A_1270, %dma_wait3A_1271, %dma_wait3A_1275] : memref<2x200x128xi32, #tpu.memory_space<vmem>> -> memref<1x1x128xi32, #tpu.memory_space<vmem>>
    %dma_wait3A_1277 = tpu.memref_squeeze %dma_wait3A_1276 : memref<1x1x128xi32, #tpu.memory_space<vmem>> -> memref<128xi32, #tpu.memory_space<vmem>>
    %dma_wait3A_1278 = arith.constant 0 : i32
    %dma_wait3A_1279 = arith.constant 0 : i32
    %dma_wait3A_1280 = tpu.memref_slice %arg2[%dma_wait3A_1278, %dma_wait3A_1279] : memref<1015808x16xf32, #tpu.memory_space<hbm>> -> memref<1015808x16xf32, #tpu.memory_space<hbm>>
    tpu.wait_indirect_dma semaphore(%arg10 : memref<!tpu.dma_semaphore, #tpu.memory_space<semaphore_mem>>) src(%dma_wait3A_1280 : memref<1015808x16xf32, #tpu.memory_space<hbm>>) dst(%dma_wait3A_1274 : memref<128x16xf32, #tpu.memory_space<vmem>>)
    %dma_wait3A_1281 = arith.constant 0 : i32
    %dma_wait3A_1282 = arith.constant 0 : i32
    %dma_wait3A_1283 = arith.constant 0 : i32
    %dma_wait3A_1284 = arith.constant 0 : i32
    %dma_wait3A_1285 = tpu.memref_slice %arg7[%dma_wait3A_1283, %dma_wait3A_1284] : memref<512x16xf32, #tpu.memory_space<vmem>> -> memref<128x16xf32, #tpu.memory_space<vmem>>
    %dma_wait3A_1286 = arith.constant 0 : i32
    %dma_wait3A_1287 = tpu.memref_slice %arg6[%dma_wait3A_1281, %dma_wait3A_1282, %dma_wait3A_1286] : memref<2x200x128xi32, #tpu.memory_space<vmem>> -> memref<1x1x128xi32, #tpu.memory_space<vmem>>
    %dma_wait3A_1288 = tpu.memref_squeeze %dma_wait3A_1287 : memref<1x1x128xi32, #tpu.memory_space<vmem>> -> memref<128xi32, #tpu.memory_space<vmem>>
    %dma_wait3A_1289 = arith.constant 0 : i32
    %dma_wait3A_1290 = arith.constant 0 : i32
    %dma_wait3A_1291 = tpu.memref_slice %arg2[%dma_wait3A_1289, %dma_wait3A_1290] : memref<1015808x16xf32, #tpu.memory_space<hbm>> -> memref<1015808x16xf32, #tpu.memory_space<hbm>>
    tpu.wait_indirect_dma semaphore(%arg10 : memref<!tpu.dma_semaphore, #tpu.memory_space<semaphore_mem>>) src(%dma_wait3A_1291 : memref<1015808x16xf32, #tpu.memory_space<hbm>>) dst(%dma_wait3A_1285 : memref<128x16xf32, #tpu.memory_space<vmem>>)
    %dma_wait3A_1292 = arith.constant 0 : i32
    %dma_wait3A_1293 = arith.constant 0 : i32
    %dma_wait3A_1294 = arith.constant 0 : i32
    %dma_wait3A_1295 = arith.constant 0 : i32
    %dma_wait3A_1296 = tpu.memref_slice %arg7[%dma_wait3A_1294, %dma_wait3A_1295] : memref<512x16xf32, #tpu.memory_space<vmem>> -> memref<128x16xf32, #tpu.memory_space<vmem>>
    %dma_wait3A_1297 = arith.constant 0 : i32
    %dma_wait3A_1298 = tpu.memref_slice %arg6[%dma_wait3A_1292, %dma_wait3A_1293, %dma_wait3A_1297] : memref<2x200x128xi32, #tpu.memory_space<vmem>> -> memref<1x1x128xi32, #tpu.memory_space<vmem>>
    %dma_wait3A_1299 = tpu.memref_squeeze %dma_wait3A_1298 : memref<1x1x128xi32, #tpu.memory_space<vmem>> -> memref<128xi32, #tpu.memory_space<vmem>>
    %dma_wait3A_1300 = arith.constant 0 : i32
    %dma_wait3A_1301 = arith.constant 0 : i32
    %dma_wait3A_1302 = tpu.memref_slice %arg2[%dma_wait3A_1300, %dma_wait3A_1301] : memref<1015808x16xf32, #tpu.memory_space<hbm>> -> memref<1015808x16xf32, #tpu.memory_space<hbm>>
    tpu.wait_indirect_dma semaphore(%arg10 : memref<!tpu.dma_semaphore, #tpu.memory_space<semaphore_mem>>) src(%dma_wait3A_1302 : memref<1015808x16xf32, #tpu.memory_space<hbm>>) dst(%dma_wait3A_1296 : memref<128x16xf32, #tpu.memory_space<vmem>>)
    %dma_wait3A_1303 = arith.constant 0 : i32
    %dma_wait3A_1304 = arith.constant 0 : i32
    %dma_wait3A_1305 = arith.constant 0 : i32
    %dma_wait3A_1306 = arith.constant 0 : i32
    %dma_wait3A_1307 = tpu.memref_slice %arg7[%dma_wait3A_1305, %dma_wait3A_1306] : memref<512x16xf32, #tpu.memory_space<vmem>> -> memref<128x16xf32, #tpu.memory_space<vmem>>
    %dma_wait3A_1308 = arith.constant 0 : i32
    %dma_wait3A_1309 = tpu.memref_slice %arg6[%dma_wait3A_1303, %dma_wait3A_1304, %dma_wait3A_1308] : memref<2x200x128xi32, #tpu.memory_space<vmem>> -> memref<1x1x128xi32, #tpu.memory_space<vmem>>
    %dma_wait3A_1310 = tpu.memref_squeeze %dma_wait3A_1309 : memref<1x1x128xi32, #tpu.memory_space<vmem>> -> memref<128xi32, #tpu.memory_space<vmem>>
    %dma_wait3A_1311 = arith.constant 0 : i32
    %dma_wait3A_1312 = arith.constant 0 : i32
    %dma_wait3A_1313 = tpu.memref_slice %arg2[%dma_wait3A_1311, %dma_wait3A_1312] : memref<1015808x16xf32, #tpu.memory_space<hbm>> -> memref<1015808x16xf32, #tpu.memory_space<hbm>>
    tpu.wait_indirect_dma semaphore(%arg10 : memref<!tpu.dma_semaphore, #tpu.memory_space<semaphore_mem>>) src(%dma_wait3A_1313 : memref<1015808x16xf32, #tpu.memory_space<hbm>>) dst(%dma_wait3A_1307 : memref<128x16xf32, #tpu.memory_space<vmem>>)
    %dma_wait3A_1314 = arith.constant 0 : i32
    %dma_wait3A_1315 = arith.constant 0 : i32
    %dma_wait3A_1316 = arith.constant 0 : i32
    %dma_wait3A_1317 = arith.constant 0 : i32
    %dma_wait3A_1318 = tpu.memref_slice %arg7[%dma_wait3A_1316, %dma_wait3A_1317] : memref<512x16xf32, #tpu.memory_space<vmem>> -> memref<128x16xf32, #tpu.memory_space<vmem>>
    %dma_wait3A_1319 = arith.constant 0 : i32
    %dma_wait3A_1320 = tpu.memref_slice %arg6[%dma_wait3A_1314, %dma_wait3A_1315, %dma_wait3A_1319] : memref<2x200x128xi32, #tpu.memory_space<vmem>> -> memref<1x1x128xi32, #tpu.memory_space<vmem>>
    %dma_wait3A_1321 = tpu.memref_squeeze %dma_wait3A_1320 : memref<1x1x128xi32, #tpu.memory_space<vmem>> -> memref<128xi32, #tpu.memory_space<vmem>>
    %dma_wait3A_1322 = arith.constant 0 : i32
    %dma_wait3A_1323 = arith.constant 0 : i32
    %dma_wait3A_1324 = tpu.memref_slice %arg2[%dma_wait3A_1322, %dma_wait3A_1323] : memref<1015808x16xf32, #tpu.memory_space<hbm>> -> memref<1015808x16xf32, #tpu.memory_space<hbm>>
    tpu.wait_indirect_dma semaphore(%arg10 : memref<!tpu.dma_semaphore, #tpu.memory_space<semaphore_mem>>) src(%dma_wait3A_1324 : memref<1015808x16xf32, #tpu.memory_space<hbm>>) dst(%dma_wait3A_1318 : memref<128x16xf32, #tpu.memory_space<vmem>>)
    %dma_wait3A_1325 = arith.constant 0 : i32
    %dma_wait3A_1326 = arith.constant 0 : i32
    %dma_wait3A_1327 = arith.constant 0 : i32
    %dma_wait3A_1328 = arith.constant 0 : i32
    %dma_wait3A_1329 = tpu.memref_slice %arg7[%dma_wait3A_1327, %dma_wait3A_1328] : memref<512x16xf32, #tpu.memory_space<vmem>> -> memref<128x16xf32, #tpu.memory_space<vmem>>
    %dma_wait3A_1330 = arith.constant 0 : i32
    %dma_wait3A_1331 = tpu.memref_slice %arg6[%dma_wait3A_1325, %dma_wait3A_1326, %dma_wait3A_1330] : memref<2x200x128xi32, #tpu.memory_space<vmem>> -> memref<1x1x128xi32, #tpu.memory_space<vmem>>
    %dma_wait3A_1332 = tpu.memref_squeeze %dma_wait3A_1331 : memref<1x1x128xi32, #tpu.memory_space<vmem>> -> memref<128xi32, #tpu.memory_space<vmem>>
    %dma_wait3A_1333 = arith.constant 0 : i32
    %dma_wait3A_1334 = arith.constant 0 : i32
    %dma_wait3A_1335 = tpu.memref_slice %arg2[%dma_wait3A_1333, %dma_wait3A_1334] : memref<1015808x16xf32, #tpu.memory_space<hbm>> -> memref<1015808x16xf32, #tpu.memory_space<hbm>>
    tpu.wait_indirect_dma semaphore(%arg10 : memref<!tpu.dma_semaphore, #tpu.memory_space<semaphore_mem>>) src(%dma_wait3A_1335 : memref<1015808x16xf32, #tpu.memory_space<hbm>>) dst(%dma_wait3A_1329 : memref<128x16xf32, #tpu.memory_space<vmem>>)
    %dma_wait3A_1336 = arith.constant 0 : i32
    %dma_wait3A_1337 = arith.constant 0 : i32
    %dma_wait3A_1338 = arith.constant 0 : i32
    %dma_wait3A_1339 = arith.constant 0 : i32
    %dma_wait3A_1340 = tpu.memref_slice %arg7[%dma_wait3A_1338, %dma_wait3A_1339] : memref<512x16xf32, #tpu.memory_space<vmem>> -> memref<128x16xf32, #tpu.memory_space<vmem>>
    %dma_wait3A_1341 = arith.constant 0 : i32
    %dma_wait3A_1342 = tpu.memref_slice %arg6[%dma_wait3A_1336, %dma_wait3A_1337, %dma_wait3A_1341] : memref<2x200x128xi32, #tpu.memory_space<vmem>> -> memref<1x1x128xi32, #tpu.memory_space<vmem>>
    %dma_wait3A_1343 = tpu.memref_squeeze %dma_wait3A_1342 : memref<1x1x128xi32, #tpu.memory_space<vmem>> -> memref<128xi32, #tpu.memory_space<vmem>>
    %dma_wait3A_1344 = arith.constant 0 : i32
    %dma_wait3A_1345 = arith.constant 0 : i32
    %dma_wait3A_1346 = tpu.memref_slice %arg2[%dma_wait3A_1344, %dma_wait3A_1345] : memref<1015808x16xf32, #tpu.memory_space<hbm>> -> memref<1015808x16xf32, #tpu.memory_space<hbm>>
    tpu.wait_indirect_dma semaphore(%arg10 : memref<!tpu.dma_semaphore, #tpu.memory_space<semaphore_mem>>) src(%dma_wait3A_1346 : memref<1015808x16xf32, #tpu.memory_space<hbm>>) dst(%dma_wait3A_1340 : memref<128x16xf32, #tpu.memory_space<vmem>>)
    %dma_wait3A_1347 = arith.constant 0 : i32
    %dma_wait3A_1348 = arith.constant 0 : i32
    %dma_wait3A_1349 = arith.constant 0 : i32
    %dma_wait3A_1350 = arith.constant 0 : i32
    %dma_wait3A_1351 = tpu.memref_slice %arg7[%dma_wait3A_1349, %dma_wait3A_1350] : memref<512x16xf32, #tpu.memory_space<vmem>> -> memref<128x16xf32, #tpu.memory_space<vmem>>
    %dma_wait3A_1352 = arith.constant 0 : i32
    %dma_wait3A_1353 = tpu.memref_slice %arg6[%dma_wait3A_1347, %dma_wait3A_1348, %dma_wait3A_1352] : memref<2x200x128xi32, #tpu.memory_space<vmem>> -> memref<1x1x128xi32, #tpu.memory_space<vmem>>
    %dma_wait3A_1354 = tpu.memref_squeeze %dma_wait3A_1353 : memref<1x1x128xi32, #tpu.memory_space<vmem>> -> memref<128xi32, #tpu.memory_space<vmem>>
    %dma_wait3A_1355 = arith.constant 0 : i32
    %dma_wait3A_1356 = arith.constant 0 : i32
    %dma_wait3A_1357 = tpu.memref_slice %arg2[%dma_wait3A_1355, %dma_wait3A_1356] : memref<1015808x16xf32, #tpu.memory_space<hbm>> -> memref<1015808x16xf32, #tpu.memory_space<hbm>>
    tpu.wait_indirect_dma semaphore(%arg10 : memref<!tpu.dma_semaphore, #tpu.memory_space<semaphore_mem>>) src(%dma_wait3A_1357 : memref<1015808x16xf32, #tpu.memory_space<hbm>>) dst(%dma_wait3A_1351 : memref<128x16xf32, #tpu.memory_space<vmem>>)
    %dma_wait3A_1358 = arith.constant 0 : i32
    %dma_wait3A_1359 = arith.constant 0 : i32
    %dma_wait3A_1360 = arith.constant 0 : i32
    %dma_wait3A_1361 = arith.constant 0 : i32
    %dma_wait3A_1362 = tpu.memref_slice %arg7[%dma_wait3A_1360, %dma_wait3A_1361] : memref<512x16xf32, #tpu.memory_space<vmem>> -> memref<128x16xf32, #tpu.memory_space<vmem>>
    %dma_wait3A_1363 = arith.constant 0 : i32
    %dma_wait3A_1364 = tpu.memref_slice %arg6[%dma_wait3A_1358, %dma_wait3A_1359, %dma_wait3A_1363] : memref<2x200x128xi32, #tpu.memory_space<vmem>> -> memref<1x1x128xi32, #tpu.memory_space<vmem>>
    %dma_wait3A_1365 = tpu.memref_squeeze %dma_wait3A_1364 : memref<1x1x128xi32, #tpu.memory_space<vmem>> -> memref<128xi32, #tpu.memory_space<vmem>>
    %dma_wait3A_1366 = arith.constant 0 : i32
    %dma_wait3A_1367 = arith.constant 0 : i32
    %dma_wait3A_1368 = tpu.memref_slice %arg2[%dma_wait3A_1366, %dma_wait3A_1367] : memref<1015808x16xf32, #tpu.memory_space<hbm>> -> memref<1015808x16xf32, #tpu.memory_space<hbm>>
    tpu.wait_indirect_dma semaphore(%arg10 : memref<!tpu.dma_semaphore, #tpu.memory_space<semaphore_mem>>) src(%dma_wait3A_1368 : memref<1015808x16xf32, #tpu.memory_space<hbm>>) dst(%dma_wait3A_1362 : memref<128x16xf32, #tpu.memory_space<vmem>>)
    %dma_wait3A_1369 = arith.constant 0 : i32
    %dma_wait3A_1370 = arith.constant 0 : i32
    %dma_wait3A_1371 = arith.constant 0 : i32
    %dma_wait3A_1372 = arith.constant 0 : i32
    %dma_wait3A_1373 = tpu.memref_slice %arg7[%dma_wait3A_1371, %dma_wait3A_1372] : memref<512x16xf32, #tpu.memory_space<vmem>> -> memref<128x16xf32, #tpu.memory_space<vmem>>
    %dma_wait3A_1374 = arith.constant 0 : i32
    %dma_wait3A_1375 = tpu.memref_slice %arg6[%dma_wait3A_1369, %dma_wait3A_1370, %dma_wait3A_1374] : memref<2x200x128xi32, #tpu.memory_space<vmem>> -> memref<1x1x128xi32, #tpu.memory_space<vmem>>
    %dma_wait3A_1376 = tpu.memref_squeeze %dma_wait3A_1375 : memref<1x1x128xi32, #tpu.memory_space<vmem>> -> memref<128xi32, #tpu.memory_space<vmem>>
    %dma_wait3A_1377 = arith.constant 0 : i32
    %dma_wait3A_1378 = arith.constant 0 : i32
    %dma_wait3A_1379 = tpu.memref_slice %arg2[%dma_wait3A_1377, %dma_wait3A_1378] : memref<1015808x16xf32, #tpu.memory_space<hbm>> -> memref<1015808x16xf32, #tpu.memory_space<hbm>>
    tpu.wait_indirect_dma semaphore(%arg10 : memref<!tpu.dma_semaphore, #tpu.memory_space<semaphore_mem>>) src(%dma_wait3A_1379 : memref<1015808x16xf32, #tpu.memory_space<hbm>>) dst(%dma_wait3A_1373 : memref<128x16xf32, #tpu.memory_space<vmem>>)
    %dma_wait3A_1380 = arith.constant 0 : i32
    %dma_wait3A_1381 = arith.constant 0 : i32
    %dma_wait3A_1382 = arith.constant 0 : i32
    %dma_wait3A_1383 = arith.constant 0 : i32
    %dma_wait3A_1384 = tpu.memref_slice %arg7[%dma_wait3A_1382, %dma_wait3A_1383] : memref<512x16xf32, #tpu.memory_space<vmem>> -> memref<128x16xf32, #tpu.memory_space<vmem>>
    %dma_wait3A_1385 = arith.constant 0 : i32
    %dma_wait3A_1386 = tpu.memref_slice %arg6[%dma_wait3A_1380, %dma_wait3A_1381, %dma_wait3A_1385] : memref<2x200x128xi32, #tpu.memory_space<vmem>> -> memref<1x1x128xi32, #tpu.memory_space<vmem>>
    %dma_wait3A_1387 = tpu.memref_squeeze %dma_wait3A_1386 : memref<1x1x128xi32, #tpu.memory_space<vmem>> -> memref<128xi32, #tpu.memory_space<vmem>>
    %dma_wait3A_1388 = arith.constant 0 : i32
    %dma_wait3A_1389 = arith.constant 0 : i32
    %dma_wait3A_1390 = tpu.memref_slice %arg2[%dma_wait3A_1388, %dma_wait3A_1389] : memref<1015808x16xf32, #tpu.memory_space<hbm>> -> memref<1015808x16xf32, #tpu.memory_space<hbm>>
    tpu.wait_indirect_dma semaphore(%arg10 : memref<!tpu.dma_semaphore, #tpu.memory_space<semaphore_mem>>) src(%dma_wait3A_1390 : memref<1015808x16xf32, #tpu.memory_space<hbm>>) dst(%dma_wait3A_1384 : memref<128x16xf32, #tpu.memory_space<vmem>>)
    %dma_wait3A_1391 = arith.constant 0 : i32
    %dma_wait3A_1392 = arith.constant 0 : i32
    %dma_wait3A_1393 = arith.constant 0 : i32
    %dma_wait3A_1394 = arith.constant 0 : i32
    %dma_wait3A_1395 = tpu.memref_slice %arg7[%dma_wait3A_1393, %dma_wait3A_1394] : memref<512x16xf32, #tpu.memory_space<vmem>> -> memref<128x16xf32, #tpu.memory_space<vmem>>
    %dma_wait3A_1396 = arith.constant 0 : i32
    %dma_wait3A_1397 = tpu.memref_slice %arg6[%dma_wait3A_1391, %dma_wait3A_1392, %dma_wait3A_1396] : memref<2x200x128xi32, #tpu.memory_space<vmem>> -> memref<1x1x128xi32, #tpu.memory_space<vmem>>
    %dma_wait3A_1398 = tpu.memref_squeeze %dma_wait3A_1397 : memref<1x1x128xi32, #tpu.memory_space<vmem>> -> memref<128xi32, #tpu.memory_space<vmem>>
    %dma_wait3A_1399 = arith.constant 0 : i32
    %dma_wait3A_1400 = arith.constant 0 : i32
    %dma_wait3A_1401 = tpu.memref_slice %arg2[%dma_wait3A_1399, %dma_wait3A_1400] : memref<1015808x16xf32, #tpu.memory_space<hbm>> -> memref<1015808x16xf32, #tpu.memory_space<hbm>>
    tpu.wait_indirect_dma semaphore(%arg10 : memref<!tpu.dma_semaphore, #tpu.memory_space<semaphore_mem>>) src(%dma_wait3A_1401 : memref<1015808x16xf32, #tpu.memory_space<hbm>>) dst(%dma_wait3A_1395 : memref<128x16xf32, #tpu.memory_space<vmem>>)
    %dma_wait3A_1402 = arith.constant 0 : i32
    %dma_wait3A_1403 = arith.constant 0 : i32
    %dma_wait3A_1404 = arith.constant 0 : i32
    %dma_wait3A_1405 = arith.constant 0 : i32
    %dma_wait3A_1406 = tpu.memref_slice %arg7[%dma_wait3A_1404, %dma_wait3A_1405] : memref<512x16xf32, #tpu.memory_space<vmem>> -> memref<128x16xf32, #tpu.memory_space<vmem>>
    %dma_wait3A_1407 = arith.constant 0 : i32
    %dma_wait3A_1408 = tpu.memref_slice %arg6[%dma_wait3A_1402, %dma_wait3A_1403, %dma_wait3A_1407] : memref<2x200x128xi32, #tpu.memory_space<vmem>> -> memref<1x1x128xi32, #tpu.memory_space<vmem>>
    %dma_wait3A_1409 = tpu.memref_squeeze %dma_wait3A_1408 : memref<1x1x128xi32, #tpu.memory_space<vmem>> -> memref<128xi32, #tpu.memory_space<vmem>>
    %dma_wait3A_1410 = arith.constant 0 : i32
    %dma_wait3A_1411 = arith.constant 0 : i32
    %dma_wait3A_1412 = tpu.memref_slice %arg2[%dma_wait3A_1410, %dma_wait3A_1411] : memref<1015808x16xf32, #tpu.memory_space<hbm>> -> memref<1015808x16xf32, #tpu.memory_space<hbm>>
    tpu.wait_indirect_dma semaphore(%arg10 : memref<!tpu.dma_semaphore, #tpu.memory_space<semaphore_mem>>) src(%dma_wait3A_1412 : memref<1015808x16xf32, #tpu.memory_space<hbm>>) dst(%dma_wait3A_1406 : memref<128x16xf32, #tpu.memory_space<vmem>>)
    %dma_wait3A_1413 = arith.constant 0 : i32
    %dma_wait3A_1414 = arith.constant 0 : i32
    %dma_wait3A_1415 = arith.constant 0 : i32
    %dma_wait3A_1416 = arith.constant 0 : i32
    %dma_wait3A_1417 = tpu.memref_slice %arg6[%dma_wait3A_1414, %dma_wait3A_1415, %dma_wait3A_1416] : memref<2x200x128xi32, #tpu.memory_space<vmem>> -> memref<1x200x128xi32, #tpu.memory_space<vmem>>
    %dma_wait3A_1418 = tpu.memref_squeeze %dma_wait3A_1417 : memref<1x200x128xi32, #tpu.memory_space<vmem>> -> memref<200x128xi32, #tpu.memory_space<vmem>>
    %dma_wait3A_1419 = arith.constant 0 : i32
    %dma_wait3A_1420 = arith.constant 0 : i32
    %dma_wait3A_1421 = tpu.memref_slice %arg3[%dma_wait3A_1419, %dma_wait3A_1413, %dma_wait3A_1420] : memref<200x128x128xi32, #tpu.memory_space<hbm>> -> memref<200x1x128xi32, #tpu.memory_space<hbm>>
    %dma_wait3A_1422 = tpu.memref_squeeze %dma_wait3A_1421 : memref<200x1x128xi32, #tpu.memory_space<hbm>> -> memref<200x128xi32, #tpu.memory_space<hbm>>
    %dma_wait3A_1423 = arith.constant 0 : i32
    %dma_wait3A_1424 = arith.constant 0 : i32
    %dma_wait3A_1425 = tpu.memref_slice %arg6[%dma_wait3A_1414, %dma_wait3A_1423, %dma_wait3A_1424] : memref<2x200x128xi32, #tpu.memory_space<vmem>> -> memref<1x200x128xi32, #tpu.memory_space<vmem>>
    %dma_wait3A_1426 = tpu.memref_squeeze %dma_wait3A_1425 : memref<1x200x128xi32, #tpu.memory_space<vmem>> -> memref<200x128xi32, #tpu.memory_space<vmem>>
    %dma_wait3A_1427 = arith.constant 0 : i32
    %dma_wait3A_1428 = arith.constant 0 : i32
    %dma_wait3A_1429 = tpu.memref_slice %arg3[%dma_wait3A_1427, %dma_wait3A_1413, %dma_wait3A_1428] : memref<200x128x128xi32, #tpu.memory_space<hbm>> -> memref<200x1x128xi32, #tpu.memory_space<hbm>>
    %dma_wait3A_1430 = tpu.memref_squeeze %dma_wait3A_1429 : memref<200x1x128xi32, #tpu.memory_space<hbm>> -> memref<200x128xi32, #tpu.memory_space<hbm>>
    tpu.wait_dma2 semaphore(%arg9 : memref<!tpu.dma_semaphore, #tpu.memory_space<semaphore_mem>>) src(%dma_wait3A_1430 : memref<200x128xi32, #tpu.memory_space<hbm>>) dst(%dma_wait3A_1426 : memref<200x128xi32, #tpu.memory_space<vmem>>)
    %dma_start3A_1431 = arith.constant 1 : i32
    %dma_start3A_1432 = arith.constant 0 : i32
    %dma_start3A_1433 = arith.constant 384 : i32
    %dma_start3A_1434 = arith.constant 0 : i32
    %dma_start3A_1435 = tpu.memref_slice %arg7[%dma_start3A_1433, %dma_start3A_1434] : memref<512x16xf32, #tpu.memory_space<vmem>> -> memref<128x16xf32, #tpu.memory_space<vmem>>
    %dma_start3A_1436 = arith.constant 0 : i32
    %dma_start3A_1437 = arith.constant 0 : i32
    %dma_start3A_1438 = tpu.memref_slice %arg6[%dma_start3A_1431, %dma_start3A_1436, %dma_start3A_1437] : memref<2x200x128xi32, #tpu.memory_space<vmem>> -> memref<1x200x128xi32, #tpu.memory_space<vmem>>
    %dma_start3A_1439 = tpu.memref_squeeze %dma_start3A_1438 : memref<1x200x128xi32, #tpu.memory_space<vmem>> -> memref<200x128xi32, #tpu.memory_space<vmem>>
    %dma_start3A_1440 = arith.constant 0 : i32
    %dma_start3A_1441 = tpu.memref_slice %dma_start3A_1439[%dma_start3A_1432, %dma_start3A_1440] : memref<200x128xi32, #tpu.memory_space<vmem>> -> memref<1x128xi32, #tpu.memory_space<vmem>>
    %dma_start3A_1442 = tpu.memref_squeeze %dma_start3A_1441 : memref<1x128xi32, #tpu.memory_space<vmem>> -> memref<128xi32, #tpu.memory_space<vmem>>
    %dma_start3A_1443 = arith.constant 0 : i32
    %dma_start3A_1444 = arith.constant 0 : i32
    %dma_start3A_1445 = tpu.memref_slice %arg2[%dma_start3A_1443, %dma_start3A_1444] : memref<1015808x16xf32, #tpu.memory_space<hbm>> -> memref<1015808x16xf32, #tpu.memory_space<hbm>>
    tpu.enqueue_indirect_dma source(%dma_start3A_1445 : memref<1015808x16xf32, #tpu.memory_space<hbm>>) target(%dma_start3A_1435 : memref<128x16xf32, #tpu.memory_space<vmem>>) offsets(%dma_start3A_1442 : memref<128xi32, #tpu.memory_space<vmem>>) semaphore(%arg10 : memref<!tpu.dma_semaphore, #tpu.memory_space<semaphore_mem>>) {add = true}
    %dma_start3A_1446 = arith.constant 1 : i32
    %dma_start3A_1447 = arith.constant 1 : i32
    %dma_start3A_1448 = arith.constant 384 : i32
    %dma_start3A_1449 = arith.constant 0 : i32
    %dma_start3A_1450 = tpu.memref_slice %arg7[%dma_start3A_1448, %dma_start3A_1449] : memref<512x16xf32, #tpu.memory_space<vmem>> -> memref<128x16xf32, #tpu.memory_space<vmem>>
    %dma_start3A_1451 = arith.constant 0 : i32
    %dma_start3A_1452 = arith.constant 0 : i32
    %dma_start3A_1453 = tpu.memref_slice %arg6[%dma_start3A_1446, %dma_start3A_1451, %dma_start3A_1452] : memref<2x200x128xi32, #tpu.memory_space<vmem>> -> memref<1x200x128xi32, #tpu.memory_space<vmem>>
    %dma_start3A_1454 = tpu.memref_squeeze %dma_start3A_1453 : memref<1x200x128xi32, #tpu.memory_space<vmem>> -> memref<200x128xi32, #tpu.memory_space<vmem>>
    %dma_start3A_1455 = arith.constant 0 : i32
    %dma_start3A_1456 = tpu.memref_slice %dma_start3A_1454[%dma_start3A_1447, %dma_start3A_1455] : memref<200x128xi32, #tpu.memory_space<vmem>> -> memref<1x128xi32, #tpu.memory_space<vmem>>
    %dma_start3A_1457 = tpu.memref_squeeze %dma_start3A_1456 : memref<1x128xi32, #tpu.memory_space<vmem>> -> memref<128xi32, #tpu.memory_space<vmem>>
    %dma_start3A_1458 = arith.constant 0 : i32
    %dma_start3A_1459 = arith.constant 0 : i32
    %dma_start3A_1460 = tpu.memref_slice %arg2[%dma_start3A_1458, %dma_start3A_1459] : memref<1015808x16xf32, #tpu.memory_space<hbm>> -> memref<1015808x16xf32, #tpu.memory_space<hbm>>
    tpu.enqueue_indirect_dma source(%dma_start3A_1460 : memref<1015808x16xf32, #tpu.memory_space<hbm>>) target(%dma_start3A_1450 : memref<128x16xf32, #tpu.memory_space<vmem>>) offsets(%dma_start3A_1457 : memref<128xi32, #tpu.memory_space<vmem>>) semaphore(%arg10 : memref<!tpu.dma_semaphore, #tpu.memory_space<semaphore_mem>>) {add = true}
    %dma_start3A_1461 = arith.constant 1 : i32
    %dma_start3A_1462 = arith.constant 2 : i32
    %dma_start3A_1463 = arith.constant 384 : i32
    %dma_start3A_1464 = arith.constant 0 : i32
    %dma_start3A_1465 = tpu.memref_slice %arg7[%dma_start3A_1463, %dma_start3A_1464] : memref<512x16xf32, #tpu.memory_space<vmem>> -> memref<128x16xf32, #tpu.memory_space<vmem>>
    %dma_start3A_1466 = arith.constant 0 : i32
    %dma_start3A_1467 = arith.constant 0 : i32
    %dma_start3A_1468 = tpu.memref_slice %arg6[%dma_start3A_1461, %dma_start3A_1466, %dma_start3A_1467] : memref<2x200x128xi32, #tpu.memory_space<vmem>> -> memref<1x200x128xi32, #tpu.memory_space<vmem>>
    %dma_start3A_1469 = tpu.memref_squeeze %dma_start3A_1468 : memref<1x200x128xi32, #tpu.memory_space<vmem>> -> memref<200x128xi32, #tpu.memory_space<vmem>>
    %dma_start3A_1470 = arith.constant 0 : i32
    %dma_start3A_1471 = tpu.memref_slice %dma_start3A_1469[%dma_start3A_1462, %dma_start3A_1470] : memref<200x128xi32, #tpu.memory_space<vmem>> -> memref<1x128xi32, #tpu.memory_space<vmem>>
    %dma_start3A_1472 = tpu.memref_squeeze %dma_start3A_1471 : memref<1x128xi32, #tpu.memory_space<vmem>> -> memref<128xi32, #tpu.memory_space<vmem>>
    %dma_start3A_1473 = arith.constant 0 : i32
    %dma_start3A_1474 = arith.constant 0 : i32
    %dma_start3A_1475 = tpu.memref_slice %arg2[%dma_start3A_1473, %dma_start3A_1474] : memref<1015808x16xf32, #tpu.memory_space<hbm>> -> memref<1015808x16xf32, #tpu.memory_space<hbm>>
    tpu.enqueue_indirect_dma source(%dma_start3A_1475 : memref<1015808x16xf32, #tpu.memory_space<hbm>>) target(%dma_start3A_1465 : memref<128x16xf32, #tpu.memory_space<vmem>>) offsets(%dma_start3A_1472 : memref<128xi32, #tpu.memory_space<vmem>>) semaphore(%arg10 : memref<!tpu.dma_semaphore, #tpu.memory_space<semaphore_mem>>) {add = true}
    %dma_start3A_1476 = arith.constant 1 : i32
    %dma_start3A_1477 = arith.constant 3 : i32
    %dma_start3A_1478 = arith.constant 384 : i32
    %dma_start3A_1479 = arith.constant 0 : i32
    %dma_start3A_1480 = tpu.memref_slice %arg7[%dma_start3A_1478, %dma_start3A_1479] : memref<512x16xf32, #tpu.memory_space<vmem>> -> memref<128x16xf32, #tpu.memory_space<vmem>>
    %dma_start3A_1481 = arith.constant 0 : i32
    %dma_start3A_1482 = arith.constant 0 : i32
    %dma_start3A_1483 = tpu.memref_slice %arg6[%dma_start3A_1476, %dma_start3A_1481, %dma_start3A_1482] : memref<2x200x128xi32, #tpu.memory_space<vmem>> -> memref<1x200x128xi32, #tpu.memory_space<vmem>>
    %dma_start3A_1484 = tpu.memref_squeeze %dma_start3A_1483 : memref<1x200x128xi32, #tpu.memory_space<vmem>> -> memref<200x128xi32, #tpu.memory_space<vmem>>
    %dma_start3A_1485 = arith.constant 0 : i32
    %dma_start3A_1486 = tpu.memref_slice %dma_start3A_1484[%dma_start3A_1477, %dma_start3A_1485] : memref<200x128xi32, #tpu.memory_space<vmem>> -> memref<1x128xi32, #tpu.memory_space<vmem>>
    %dma_start3A_1487 = tpu.memref_squeeze %dma_start3A_1486 : memref<1x128xi32, #tpu.memory_space<vmem>> -> memref<128xi32, #tpu.memory_space<vmem>>
    %dma_start3A_1488 = arith.constant 0 : i32
    %dma_start3A_1489 = arith.constant 0 : i32
    %dma_start3A_1490 = tpu.memref_slice %arg2[%dma_start3A_1488, %dma_start3A_1489] : memref<1015808x16xf32, #tpu.memory_space<hbm>> -> memref<1015808x16xf32, #tpu.memory_space<hbm>>
    tpu.enqueue_indirect_dma source(%dma_start3A_1490 : memref<1015808x16xf32, #tpu.memory_space<hbm>>) target(%dma_start3A_1480 : memref<128x16xf32, #tpu.memory_space<vmem>>) offsets(%dma_start3A_1487 : memref<128xi32, #tpu.memory_space<vmem>>) semaphore(%arg10 : memref<!tpu.dma_semaphore, #tpu.memory_space<semaphore_mem>>) {add = true}
    %dma_start3A_1491 = arith.constant 1 : i32
    %dma_start3A_1492 = arith.constant 4 : i32
    %dma_start3A_1493 = arith.constant 384 : i32
    %dma_start3A_1494 = arith.constant 0 : i32
    %dma_start3A_1495 = tpu.memref_slice %arg7[%dma_start3A_1493, %dma_start3A_1494] : memref<512x16xf32, #tpu.memory_space<vmem>> -> memref<128x16xf32, #tpu.memory_space<vmem>>
    %dma_start3A_1496 = arith.constant 0 : i32
    %dma_start3A_1497 = arith.constant 0 : i32
    %dma_start3A_1498 = tpu.memref_slice %arg6[%dma_start3A_1491, %dma_start3A_1496, %dma_start3A_1497] : memref<2x200x128xi32, #tpu.memory_space<vmem>> -> memref<1x200x128xi32, #tpu.memory_space<vmem>>
    %dma_start3A_1499 = tpu.memref_squeeze %dma_start3A_1498 : memref<1x200x128xi32, #tpu.memory_space<vmem>> -> memref<200x128xi32, #tpu.memory_space<vmem>>
    %dma_start3A_1500 = arith.constant 0 : i32
    %dma_start3A_1501 = tpu.memref_slice %dma_start3A_1499[%dma_start3A_1492, %dma_start3A_1500] : memref<200x128xi32, #tpu.memory_space<vmem>> -> memref<1x128xi32, #tpu.memory_space<vmem>>
    %dma_start3A_1502 = tpu.memref_squeeze %dma_start3A_1501 : memref<1x128xi32, #tpu.memory_space<vmem>> -> memref<128xi32, #tpu.memory_space<vmem>>
    %dma_start3A_1503 = arith.constant 0 : i32
    %dma_start3A_1504 = arith.constant 0 : i32
    %dma_start3A_1505 = tpu.memref_slice %arg2[%dma_start3A_1503, %dma_start3A_1504] : memref<1015808x16xf32, #tpu.memory_space<hbm>> -> memref<1015808x16xf32, #tpu.memory_space<hbm>>
    tpu.enqueue_indirect_dma source(%dma_start3A_1505 : memref<1015808x16xf32, #tpu.memory_space<hbm>>) target(%dma_start3A_1495 : memref<128x16xf32, #tpu.memory_space<vmem>>) offsets(%dma_start3A_1502 : memref<128xi32, #tpu.memory_space<vmem>>) semaphore(%arg10 : memref<!tpu.dma_semaphore, #tpu.memory_space<semaphore_mem>>) {add = true}
    %dma_start3A_1506 = arith.constant 1 : i32
    %dma_start3A_1507 = arith.constant 5 : i32
    %dma_start3A_1508 = arith.constant 384 : i32
    %dma_start3A_1509 = arith.constant 0 : i32
    %dma_start3A_1510 = tpu.memref_slice %arg7[%dma_start3A_1508, %dma_start3A_1509] : memref<512x16xf32, #tpu.memory_space<vmem>> -> memref<128x16xf32, #tpu.memory_space<vmem>>
    %dma_start3A_1511 = arith.constant 0 : i32
    %dma_start3A_1512 = arith.constant 0 : i32
    %dma_start3A_1513 = tpu.memref_slice %arg6[%dma_start3A_1506, %dma_start3A_1511, %dma_start3A_1512] : memref<2x200x128xi32, #tpu.memory_space<vmem>> -> memref<1x200x128xi32, #tpu.memory_space<vmem>>
    %dma_start3A_1514 = tpu.memref_squeeze %dma_start3A_1513 : memref<1x200x128xi32, #tpu.memory_space<vmem>> -> memref<200x128xi32, #tpu.memory_space<vmem>>
    %dma_start3A_1515 = arith.constant 0 : i32
    %dma_start3A_1516 = tpu.memref_slice %dma_start3A_1514[%dma_start3A_1507, %dma_start3A_1515] : memref<200x128xi32, #tpu.memory_space<vmem>> -> memref<1x128xi32, #tpu.memory_space<vmem>>
    %dma_start3A_1517 = tpu.memref_squeeze %dma_start3A_1516 : memref<1x128xi32, #tpu.memory_space<vmem>> -> memref<128xi32, #tpu.memory_space<vmem>>
    %dma_start3A_1518 = arith.constant 0 : i32
    %dma_start3A_1519 = arith.constant 0 : i32
    %dma_start3A_1520 = tpu.memref_slice %arg2[%dma_start3A_1518, %dma_start3A_1519] : memref<1015808x16xf32, #tpu.memory_space<hbm>> -> memref<1015808x16xf32, #tpu.memory_space<hbm>>
    tpu.enqueue_indirect_dma source(%dma_start3A_1520 : memref<1015808x16xf32, #tpu.memory_space<hbm>>) target(%dma_start3A_1510 : memref<128x16xf32, #tpu.memory_space<vmem>>) offsets(%dma_start3A_1517 : memref<128xi32, #tpu.memory_space<vmem>>) semaphore(%arg10 : memref<!tpu.dma_semaphore, #tpu.memory_space<semaphore_mem>>) {add = true}
    %dma_start3A_1521 = arith.constant 1 : i32
    %dma_start3A_1522 = arith.constant 6 : i32
    %dma_start3A_1523 = arith.constant 384 : i32
    %dma_start3A_1524 = arith.constant 0 : i32
    %dma_start3A_1525 = tpu.memref_slice %arg7[%dma_start3A_1523, %dma_start3A_1524] : memref<512x16xf32, #tpu.memory_space<vmem>> -> memref<128x16xf32, #tpu.memory_space<vmem>>
    %dma_start3A_1526 = arith.constant 0 : i32
    %dma_start3A_1527 = arith.constant 0 : i32
    %dma_start3A_1528 = tpu.memref_slice %arg6[%dma_start3A_1521, %dma_start3A_1526, %dma_start3A_1527] : memref<2x200x128xi32, #tpu.memory_space<vmem>> -> memref<1x200x128xi32, #tpu.memory_space<vmem>>
    %dma_start3A_1529 = tpu.memref_squeeze %dma_start3A_1528 : memref<1x200x128xi32, #tpu.memory_space<vmem>> -> memref<200x128xi32, #tpu.memory_space<vmem>>
    %dma_start3A_1530 = arith.constant 0 : i32
    %dma_start3A_1531 = tpu.memref_slice %dma_start3A_1529[%dma_start3A_1522, %dma_start3A_1530] : memref<200x128xi32, #tpu.memory_space<vmem>> -> memref<1x128xi32, #tpu.memory_space<vmem>>
    %dma_start3A_1532 = tpu.memref_squeeze %dma_start3A_1531 : memref<1x128xi32, #tpu.memory_space<vmem>> -> memref<128xi32, #tpu.memory_space<vmem>>
    %dma_start3A_1533 = arith.constant 0 : i32
    %dma_start3A_1534 = arith.constant 0 : i32
    %dma_start3A_1535 = tpu.memref_slice %arg2[%dma_start3A_1533, %dma_start3A_1534] : memref<1015808x16xf32, #tpu.memory_space<hbm>> -> memref<1015808x16xf32, #tpu.memory_space<hbm>>
    tpu.enqueue_indirect_dma source(%dma_start3A_1535 : memref<1015808x16xf32, #tpu.memory_space<hbm>>) target(%dma_start3A_1525 : memref<128x16xf32, #tpu.memory_space<vmem>>) offsets(%dma_start3A_1532 : memref<128xi32, #tpu.memory_space<vmem>>) semaphore(%arg10 : memref<!tpu.dma_semaphore, #tpu.memory_space<semaphore_mem>>) {add = true}
    %dma_start3A_1536 = arith.constant 1 : i32
    %dma_start3A_1537 = arith.constant 7 : i32
    %dma_start3A_1538 = arith.constant 384 : i32
    %dma_start3A_1539 = arith.constant 0 : i32
    %dma_start3A_1540 = tpu.memref_slice %arg7[%dma_start3A_1538, %dma_start3A_1539] : memref<512x16xf32, #tpu.memory_space<vmem>> -> memref<128x16xf32, #tpu.memory_space<vmem>>
    %dma_start3A_1541 = arith.constant 0 : i32
    %dma_start3A_1542 = arith.constant 0 : i32
    %dma_start3A_1543 = tpu.memref_slice %arg6[%dma_start3A_1536, %dma_start3A_1541, %dma_start3A_1542] : memref<2x200x128xi32, #tpu.memory_space<vmem>> -> memref<1x200x128xi32, #tpu.memory_space<vmem>>
    %dma_start3A_1544 = tpu.memref_squeeze %dma_start3A_1543 : memref<1x200x128xi32, #tpu.memory_space<vmem>> -> memref<200x128xi32, #tpu.memory_space<vmem>>
    %dma_start3A_1545 = arith.constant 0 : i32
    %dma_start3A_1546 = tpu.memref_slice %dma_start3A_1544[%dma_start3A_1537, %dma_start3A_1545] : memref<200x128xi32, #tpu.memory_space<vmem>> -> memref<1x128xi32, #tpu.memory_space<vmem>>
    %dma_start3A_1547 = tpu.memref_squeeze %dma_start3A_1546 : memref<1x128xi32, #tpu.memory_space<vmem>> -> memref<128xi32, #tpu.memory_space<vmem>>
    %dma_start3A_1548 = arith.constant 0 : i32
    %dma_start3A_1549 = arith.constant 0 : i32
    %dma_start3A_1550 = tpu.memref_slice %arg2[%dma_start3A_1548, %dma_start3A_1549] : memref<1015808x16xf32, #tpu.memory_space<hbm>> -> memref<1015808x16xf32, #tpu.memory_space<hbm>>
    tpu.enqueue_indirect_dma source(%dma_start3A_1550 : memref<1015808x16xf32, #tpu.memory_space<hbm>>) target(%dma_start3A_1540 : memref<128x16xf32, #tpu.memory_space<vmem>>) offsets(%dma_start3A_1547 : memref<128xi32, #tpu.memory_space<vmem>>) semaphore(%arg10 : memref<!tpu.dma_semaphore, #tpu.memory_space<semaphore_mem>>) {add = true}
    %dma_start3A_1551 = arith.constant 1 : i32
    %dma_start3A_1552 = arith.constant 8 : i32
    %dma_start3A_1553 = arith.constant 384 : i32
    %dma_start3A_1554 = arith.constant 0 : i32
    %dma_start3A_1555 = tpu.memref_slice %arg7[%dma_start3A_1553, %dma_start3A_1554] : memref<512x16xf32, #tpu.memory_space<vmem>> -> memref<128x16xf32, #tpu.memory_space<vmem>>
    %dma_start3A_1556 = arith.constant 0 : i32
    %dma_start3A_1557 = arith.constant 0 : i32
    %dma_start3A_1558 = tpu.memref_slice %arg6[%dma_start3A_1551, %dma_start3A_1556, %dma_start3A_1557] : memref<2x200x128xi32, #tpu.memory_space<vmem>> -> memref<1x200x128xi32, #tpu.memory_space<vmem>>
    %dma_start3A_1559 = tpu.memref_squeeze %dma_start3A_1558 : memref<1x200x128xi32, #tpu.memory_space<vmem>> -> memref<200x128xi32, #tpu.memory_space<vmem>>
    %dma_start3A_1560 = arith.constant 0 : i32
    %dma_start3A_1561 = tpu.memref_slice %dma_start3A_1559[%dma_start3A_1552, %dma_start3A_1560] : memref<200x128xi32, #tpu.memory_space<vmem>> -> memref<1x128xi32, #tpu.memory_space<vmem>>
    %dma_start3A_1562 = tpu.memref_squeeze %dma_start3A_1561 : memref<1x128xi32, #tpu.memory_space<vmem>> -> memref<128xi32, #tpu.memory_space<vmem>>
    %dma_start3A_1563 = arith.constant 0 : i32
    %dma_start3A_1564 = arith.constant 0 : i32
    %dma_start3A_1565 = tpu.memref_slice %arg2[%dma_start3A_1563, %dma_start3A_1564] : memref<1015808x16xf32, #tpu.memory_space<hbm>> -> memref<1015808x16xf32, #tpu.memory_space<hbm>>
    tpu.enqueue_indirect_dma source(%dma_start3A_1565 : memref<1015808x16xf32, #tpu.memory_space<hbm>>) target(%dma_start3A_1555 : memref<128x16xf32, #tpu.memory_space<vmem>>) offsets(%dma_start3A_1562 : memref<128xi32, #tpu.memory_space<vmem>>) semaphore(%arg10 : memref<!tpu.dma_semaphore, #tpu.memory_space<semaphore_mem>>) {add = true}
    %dma_start3A_1566 = arith.constant 1 : i32
    %dma_start3A_1567 = arith.constant 9 : i32
    %dma_start3A_1568 = arith.constant 384 : i32
    %dma_start3A_1569 = arith.constant 0 : i32
    %dma_start3A_1570 = tpu.memref_slice %arg7[%dma_start3A_1568, %dma_start3A_1569] : memref<512x16xf32, #tpu.memory_space<vmem>> -> memref<128x16xf32, #tpu.memory_space<vmem>>
    %dma_start3A_1571 = arith.constant 0 : i32
    %dma_start3A_1572 = arith.constant 0 : i32
    %dma_start3A_1573 = tpu.memref_slice %arg6[%dma_start3A_1566, %dma_start3A_1571, %dma_start3A_1572] : memref<2x200x128xi32, #tpu.memory_space<vmem>> -> memref<1x200x128xi32, #tpu.memory_space<vmem>>
    %dma_start3A_1574 = tpu.memref_squeeze %dma_start3A_1573 : memref<1x200x128xi32, #tpu.memory_space<vmem>> -> memref<200x128xi32, #tpu.memory_space<vmem>>
    %dma_start3A_1575 = arith.constant 0 : i32
    %dma_start3A_1576 = tpu.memref_slice %dma_start3A_1574[%dma_start3A_1567, %dma_start3A_1575] : memref<200x128xi32, #tpu.memory_space<vmem>> -> memref<1x128xi32, #tpu.memory_space<vmem>>
    %dma_start3A_1577 = tpu.memref_squeeze %dma_start3A_1576 : memref<1x128xi32, #tpu.memory_space<vmem>> -> memref<128xi32, #tpu.memory_space<vmem>>
    %dma_start3A_1578 = arith.constant 0 : i32
    %dma_start3A_1579 = arith.constant 0 : i32
    %dma_start3A_1580 = tpu.memref_slice %arg2[%dma_start3A_1578, %dma_start3A_1579] : memref<1015808x16xf32, #tpu.memory_space<hbm>> -> memref<1015808x16xf32, #tpu.memory_space<hbm>>
    tpu.enqueue_indirect_dma source(%dma_start3A_1580 : memref<1015808x16xf32, #tpu.memory_space<hbm>>) target(%dma_start3A_1570 : memref<128x16xf32, #tpu.memory_space<vmem>>) offsets(%dma_start3A_1577 : memref<128xi32, #tpu.memory_space<vmem>>) semaphore(%arg10 : memref<!tpu.dma_semaphore, #tpu.memory_space<semaphore_mem>>) {add = true}
    %dma_start3A_1581 = arith.constant 1 : i32
    %dma_start3A_1582 = arith.constant 10 : i32
    %dma_start3A_1583 = arith.constant 384 : i32
    %dma_start3A_1584 = arith.constant 0 : i32
    %dma_start3A_1585 = tpu.memref_slice %arg7[%dma_start3A_1583, %dma_start3A_1584] : memref<512x16xf32, #tpu.memory_space<vmem>> -> memref<128x16xf32, #tpu.memory_space<vmem>>
    %dma_start3A_1586 = arith.constant 0 : i32
    %dma_start3A_1587 = arith.constant 0 : i32
    %dma_start3A_1588 = tpu.memref_slice %arg6[%dma_start3A_1581, %dma_start3A_1586, %dma_start3A_1587] : memref<2x200x128xi32, #tpu.memory_space<vmem>> -> memref<1x200x128xi32, #tpu.memory_space<vmem>>
    %dma_start3A_1589 = tpu.memref_squeeze %dma_start3A_1588 : memref<1x200x128xi32, #tpu.memory_space<vmem>> -> memref<200x128xi32, #tpu.memory_space<vmem>>
    %dma_start3A_1590 = arith.constant 0 : i32
    %dma_start3A_1591 = tpu.memref_slice %dma_start3A_1589[%dma_start3A_1582, %dma_start3A_1590] : memref<200x128xi32, #tpu.memory_space<vmem>> -> memref<1x128xi32, #tpu.memory_space<vmem>>
    %dma_start3A_1592 = tpu.memref_squeeze %dma_start3A_1591 : memref<1x128xi32, #tpu.memory_space<vmem>> -> memref<128xi32, #tpu.memory_space<vmem>>
    %dma_start3A_1593 = arith.constant 0 : i32
    %dma_start3A_1594 = arith.constant 0 : i32
    %dma_start3A_1595 = tpu.memref_slice %arg2[%dma_start3A_1593, %dma_start3A_1594] : memref<1015808x16xf32, #tpu.memory_space<hbm>> -> memref<1015808x16xf32, #tpu.memory_space<hbm>>
    tpu.enqueue_indirect_dma source(%dma_start3A_1595 : memref<1015808x16xf32, #tpu.memory_space<hbm>>) target(%dma_start3A_1585 : memref<128x16xf32, #tpu.memory_space<vmem>>) offsets(%dma_start3A_1592 : memref<128xi32, #tpu.memory_space<vmem>>) semaphore(%arg10 : memref<!tpu.dma_semaphore, #tpu.memory_space<semaphore_mem>>) {add = true}
    %dma_start3A_1596 = arith.constant 1 : i32
    %dma_start3A_1597 = arith.constant 11 : i32
    %dma_start3A_1598 = arith.constant 384 : i32
    %dma_start3A_1599 = arith.constant 0 : i32
    %dma_start3A_1600 = tpu.memref_slice %arg7[%dma_start3A_1598, %dma_start3A_1599] : memref<512x16xf32, #tpu.memory_space<vmem>> -> memref<128x16xf32, #tpu.memory_space<vmem>>
    %dma_start3A_1601 = arith.constant 0 : i32
    %dma_start3A_1602 = arith.constant 0 : i32
    %dma_start3A_1603 = tpu.memref_slice %arg6[%dma_start3A_1596, %dma_start3A_1601, %dma_start3A_1602] : memref<2x200x128xi32, #tpu.memory_space<vmem>> -> memref<1x200x128xi32, #tpu.memory_space<vmem>>
    %dma_start3A_1604 = tpu.memref_squeeze %dma_start3A_1603 : memref<1x200x128xi32, #tpu.memory_space<vmem>> -> memref<200x128xi32, #tpu.memory_space<vmem>>
    %dma_start3A_1605 = arith.constant 0 : i32
    %dma_start3A_1606 = tpu.memref_slice %dma_start3A_1604[%dma_start3A_1597, %dma_start3A_1605] : memref<200x128xi32, #tpu.memory_space<vmem>> -> memref<1x128xi32, #tpu.memory_space<vmem>>
    %dma_start3A_1607 = tpu.memref_squeeze %dma_start3A_1606 : memref<1x128xi32, #tpu.memory_space<vmem>> -> memref<128xi32, #tpu.memory_space<vmem>>
    %dma_start3A_1608 = arith.constant 0 : i32
    %dma_start3A_1609 = arith.constant 0 : i32
    %dma_start3A_1610 = tpu.memref_slice %arg2[%dma_start3A_1608, %dma_start3A_1609] : memref<1015808x16xf32, #tpu.memory_space<hbm>> -> memref<1015808x16xf32, #tpu.memory_space<hbm>>
    tpu.enqueue_indirect_dma source(%dma_start3A_1610 : memref<1015808x16xf32, #tpu.memory_space<hbm>>) target(%dma_start3A_1600 : memref<128x16xf32, #tpu.memory_space<vmem>>) offsets(%dma_start3A_1607 : memref<128xi32, #tpu.memory_space<vmem>>) semaphore(%arg10 : memref<!tpu.dma_semaphore, #tpu.memory_space<semaphore_mem>>) {add = true}
    %dma_start3A_1611 = arith.constant 1 : i32
    %dma_start3A_1612 = arith.constant 12 : i32
    %dma_start3A_1613 = arith.constant 384 : i32
    %dma_start3A_1614 = arith.constant 0 : i32
    %dma_start3A_1615 = tpu.memref_slice %arg7[%dma_start3A_1613, %dma_start3A_1614] : memref<512x16xf32, #tpu.memory_space<vmem>> -> memref<128x16xf32, #tpu.memory_space<vmem>>
    %dma_start3A_1616 = arith.constant 0 : i32
    %dma_start3A_1617 = arith.constant 0 : i32
    %dma_start3A_1618 = tpu.memref_slice %arg6[%dma_start3A_1611, %dma_start3A_1616, %dma_start3A_1617] : memref<2x200x128xi32, #tpu.memory_space<vmem>> -> memref<1x200x128xi32, #tpu.memory_space<vmem>>
    %dma_start3A_1619 = tpu.memref_squeeze %dma_start3A_1618 : memref<1x200x128xi32, #tpu.memory_space<vmem>> -> memref<200x128xi32, #tpu.memory_space<vmem>>
    %dma_start3A_1620 = arith.constant 0 : i32
    %dma_start3A_1621 = tpu.memref_slice %dma_start3A_1619[%dma_start3A_1612, %dma_start3A_1620] : memref<200x128xi32, #tpu.memory_space<vmem>> -> memref<1x128xi32, #tpu.memory_space<vmem>>
    %dma_start3A_1622 = tpu.memref_squeeze %dma_start3A_1621 : memref<1x128xi32, #tpu.memory_space<vmem>> -> memref<128xi32, #tpu.memory_space<vmem>>
    %dma_start3A_1623 = arith.constant 0 : i32
    %dma_start3A_1624 = arith.constant 0 : i32
    %dma_start3A_1625 = tpu.memref_slice %arg2[%dma_start3A_1623, %dma_start3A_1624] : memref<1015808x16xf32, #tpu.memory_space<hbm>> -> memref<1015808x16xf32, #tpu.memory_space<hbm>>
    tpu.enqueue_indirect_dma source(%dma_start3A_1625 : memref<1015808x16xf32, #tpu.memory_space<hbm>>) target(%dma_start3A_1615 : memref<128x16xf32, #tpu.memory_space<vmem>>) offsets(%dma_start3A_1622 : memref<128xi32, #tpu.memory_space<vmem>>) semaphore(%arg10 : memref<!tpu.dma_semaphore, #tpu.memory_space<semaphore_mem>>) {add = true}
    %dma_start3A_1626 = arith.constant 1 : i32
    %dma_start3A_1627 = arith.constant 13 : i32
    %dma_start3A_1628 = arith.constant 384 : i32
    %dma_start3A_1629 = arith.constant 0 : i32
    %dma_start3A_1630 = tpu.memref_slice %arg7[%dma_start3A_1628, %dma_start3A_1629] : memref<512x16xf32, #tpu.memory_space<vmem>> -> memref<128x16xf32, #tpu.memory_space<vmem>>
    %dma_start3A_1631 = arith.constant 0 : i32
    %dma_start3A_1632 = arith.constant 0 : i32
    %dma_start3A_1633 = tpu.memref_slice %arg6[%dma_start3A_1626, %dma_start3A_1631, %dma_start3A_1632] : memref<2x200x128xi32, #tpu.memory_space<vmem>> -> memref<1x200x128xi32, #tpu.memory_space<vmem>>
    %dma_start3A_1634 = tpu.memref_squeeze %dma_start3A_1633 : memref<1x200x128xi32, #tpu.memory_space<vmem>> -> memref<200x128xi32, #tpu.memory_space<vmem>>
    %dma_start3A_1635 = arith.constant 0 : i32
    %dma_start3A_1636 = tpu.memref_slice %dma_start3A_1634[%dma_start3A_1627, %dma_start3A_1635] : memref<200x128xi32, #tpu.memory_space<vmem>> -> memref<1x128xi32, #tpu.memory_space<vmem>>
    %dma_start3A_1637 = tpu.memref_squeeze %dma_start3A_1636 : memref<1x128xi32, #tpu.memory_space<vmem>> -> memref<128xi32, #tpu.memory_space<vmem>>
    %dma_start3A_1638 = arith.constant 0 : i32
    %dma_start3A_1639 = arith.constant 0 : i32
    %dma_start3A_1640 = tpu.memref_slice %arg2[%dma_start3A_1638, %dma_start3A_1639] : memref<1015808x16xf32, #tpu.memory_space<hbm>> -> memref<1015808x16xf32, #tpu.memory_space<hbm>>
    tpu.enqueue_indirect_dma source(%dma_start3A_1640 : memref<1015808x16xf32, #tpu.memory_space<hbm>>) target(%dma_start3A_1630 : memref<128x16xf32, #tpu.memory_space<vmem>>) offsets(%dma_start3A_1637 : memref<128xi32, #tpu.memory_space<vmem>>) semaphore(%arg10 : memref<!tpu.dma_semaphore, #tpu.memory_space<semaphore_mem>>) {add = true}
    %dma_start3A_1641 = arith.constant 1 : i32
    %dma_start3A_1642 = arith.constant 14 : i32
    %dma_start3A_1643 = arith.constant 384 : i32
    %dma_start3A_1644 = arith.constant 0 : i32
    %dma_start3A_1645 = tpu.memref_slice %arg7[%dma_start3A_1643, %dma_start3A_1644] : memref<512x16xf32, #tpu.memory_space<vmem>> -> memref<128x16xf32, #tpu.memory_space<vmem>>
    %dma_start3A_1646 = arith.constant 0 : i32
    %dma_start3A_1647 = arith.constant 0 : i32
    %dma_start3A_1648 = tpu.memref_slice %arg6[%dma_start3A_1641, %dma_start3A_1646, %dma_start3A_1647] : memref<2x200x128xi32, #tpu.memory_space<vmem>> -> memref<1x200x128xi32, #tpu.memory_space<vmem>>
    %dma_start3A_1649 = tpu.memref_squeeze %dma_start3A_1648 : memref<1x200x128xi32, #tpu.memory_space<vmem>> -> memref<200x128xi32, #tpu.memory_space<vmem>>
    %dma_start3A_1650 = arith.constant 0 : i32
    %dma_start3A_1651 = tpu.memref_slice %dma_start3A_1649[%dma_start3A_1642, %dma_start3A_1650] : memref<200x128xi32, #tpu.memory_space<vmem>> -> memref<1x128xi32, #tpu.memory_space<vmem>>
    %dma_start3A_1652 = tpu.memref_squeeze %dma_start3A_1651 : memref<1x128xi32, #tpu.memory_space<vmem>> -> memref<128xi32, #tpu.memory_space<vmem>>
    %dma_start3A_1653 = arith.constant 0 : i32
    %dma_start3A_1654 = arith.constant 0 : i32
    %dma_start3A_1655 = tpu.memref_slice %arg2[%dma_start3A_1653, %dma_start3A_1654] : memref<1015808x16xf32, #tpu.memory_space<hbm>> -> memref<1015808x16xf32, #tpu.memory_space<hbm>>
    tpu.enqueue_indirect_dma source(%dma_start3A_1655 : memref<1015808x16xf32, #tpu.memory_space<hbm>>) target(%dma_start3A_1645 : memref<128x16xf32, #tpu.memory_space<vmem>>) offsets(%dma_start3A_1652 : memref<128xi32, #tpu.memory_space<vmem>>) semaphore(%arg10 : memref<!tpu.dma_semaphore, #tpu.memory_space<semaphore_mem>>) {add = true}
    %dma_start3A_1656 = arith.constant 1 : i32
    %dma_start3A_1657 = arith.constant 15 : i32
    %dma_start3A_1658 = arith.constant 384 : i32
    %dma_start3A_1659 = arith.constant 0 : i32
    %dma_start3A_1660 = tpu.memref_slice %arg7[%dma_start3A_1658, %dma_start3A_1659] : memref<512x16xf32, #tpu.memory_space<vmem>> -> memref<128x16xf32, #tpu.memory_space<vmem>>
    %dma_start3A_1661 = arith.constant 0 : i32
    %dma_start3A_1662 = arith.constant 0 : i32
    %dma_start3A_1663 = tpu.memref_slice %arg6[%dma_start3A_1656, %dma_start3A_1661, %dma_start3A_1662] : memref<2x200x128xi32, #tpu.memory_space<vmem>> -> memref<1x200x128xi32, #tpu.memory_space<vmem>>
    %dma_start3A_1664 = tpu.memref_squeeze %dma_start3A_1663 : memref<1x200x128xi32, #tpu.memory_space<vmem>> -> memref<200x128xi32, #tpu.memory_space<vmem>>
    %dma_start3A_1665 = arith.constant 0 : i32
    %dma_start3A_1666 = tpu.memref_slice %dma_start3A_1664[%dma_start3A_1657, %dma_start3A_1665] : memref<200x128xi32, #tpu.memory_space<vmem>> -> memref<1x128xi32, #tpu.memory_space<vmem>>
    %dma_start3A_1667 = tpu.memref_squeeze %dma_start3A_1666 : memref<1x128xi32, #tpu.memory_space<vmem>> -> memref<128xi32, #tpu.memory_space<vmem>>
    %dma_start3A_1668 = arith.constant 0 : i32
    %dma_start3A_1669 = arith.constant 0 : i32
    %dma_start3A_1670 = tpu.memref_slice %arg2[%dma_start3A_1668, %dma_start3A_1669] : memref<1015808x16xf32, #tpu.memory_space<hbm>> -> memref<1015808x16xf32, #tpu.memory_space<hbm>>
    tpu.enqueue_indirect_dma source(%dma_start3A_1670 : memref<1015808x16xf32, #tpu.memory_space<hbm>>) target(%dma_start3A_1660 : memref<128x16xf32, #tpu.memory_space<vmem>>) offsets(%dma_start3A_1667 : memref<128xi32, #tpu.memory_space<vmem>>) semaphore(%arg10 : memref<!tpu.dma_semaphore, #tpu.memory_space<semaphore_mem>>) {add = true}
    %scan3A_1671 = arith.constant 0 : i32
    %scan3A_1672 = arith.constant 1 : i32
    %scan3A_1673 = arith.constant 16 : i32
    %scan3A_1674 = arith.constant 184 : i32
    %scan3A_1675 = arith.addi %scan3A_1673, %scan3A_1674 : i32
    %scan3A_1676 = arith.constant 1 : i32
    scf.for %scan3A_1869 = %scan3A_1673 to %scan3A_1675 step %scan3A_1676  : i32 {
      %dma_wait3A_1870 = arith.constant 0 : i32
      %dma_wait3A_1871 = arith.constant 0 : i32
      %dma_wait3A_1872 = arith.constant 0 : i32
      %dma_wait3A_1873 = arith.constant 0 : i32
      %dma_wait3A_1874 = tpu.memref_slice %arg7[%dma_wait3A_1872, %dma_wait3A_1873] : memref<512x16xf32, #tpu.memory_space<vmem>> -> memref<128x16xf32, #tpu.memory_space<vmem>>
      %dma_wait3A_1875 = arith.constant 0 : i32
      %dma_wait3A_1876 = tpu.memref_slice %arg6[%dma_wait3A_1870, %dma_wait3A_1871, %dma_wait3A_1875] : memref<2x200x128xi32, #tpu.memory_space<vmem>> -> memref<1x1x128xi32, #tpu.memory_space<vmem>>
      %dma_wait3A_1877 = tpu.memref_squeeze %dma_wait3A_1876 : memref<1x1x128xi32, #tpu.memory_space<vmem>> -> memref<128xi32, #tpu.memory_space<vmem>>
      %dma_wait3A_1878 = arith.constant 0 : i32
      %dma_wait3A_1879 = arith.constant 0 : i32
      %dma_wait3A_1880 = tpu.memref_slice %arg2[%dma_wait3A_1878, %dma_wait3A_1879] : memref<1015808x16xf32, #tpu.memory_space<hbm>> -> memref<1015808x16xf32, #tpu.memory_space<hbm>>
      tpu.wait_indirect_dma semaphore(%arg10 : memref<!tpu.dma_semaphore, #tpu.memory_space<semaphore_mem>>) src(%dma_wait3A_1880 : memref<1015808x16xf32, #tpu.memory_space<hbm>>) dst(%dma_wait3A_1874 : memref<128x16xf32, #tpu.memory_space<vmem>>)
      %dma_start3A_1881 = arith.constant 384 : i32
      %dma_start3A_1882 = arith.constant 0 : i32
      %dma_start3A_1883 = tpu.memref_slice %arg7[%dma_start3A_1881, %dma_start3A_1882] : memref<512x16xf32, #tpu.memory_space<vmem>> -> memref<128x16xf32, #tpu.memory_space<vmem>>
      %dma_start3A_1884 = arith.constant 0 : i32
      %dma_start3A_1885 = arith.constant 0 : i32
      %dma_start3A_1886 = tpu.memref_slice %arg6[%scan3A_1672, %dma_start3A_1884, %dma_start3A_1885] : memref<2x200x128xi32, #tpu.memory_space<vmem>> -> memref<1x200x128xi32, #tpu.memory_space<vmem>>
      %dma_start3A_1887 = tpu.memref_squeeze %dma_start3A_1886 : memref<1x200x128xi32, #tpu.memory_space<vmem>> -> memref<200x128xi32, #tpu.memory_space<vmem>>
      %dma_start3A_1888 = arith.constant 0 : i32
      %dma_start3A_1889 = tpu.memref_slice %dma_start3A_1887[%scan3A_1869, %dma_start3A_1888] : memref<200x128xi32, #tpu.memory_space<vmem>> -> memref<1x128xi32, #tpu.memory_space<vmem>>
      %dma_start3A_1890 = tpu.memref_squeeze %dma_start3A_1889 : memref<1x128xi32, #tpu.memory_space<vmem>> -> memref<128xi32, #tpu.memory_space<vmem>>
      %dma_start3A_1891 = arith.constant 0 : i32
      %dma_start3A_1892 = arith.constant 0 : i32
      %dma_start3A_1893 = tpu.memref_slice %arg2[%dma_start3A_1891, %dma_start3A_1892] : memref<1015808x16xf32, #tpu.memory_space<hbm>> -> memref<1015808x16xf32, #tpu.memory_space<hbm>>
      tpu.enqueue_indirect_dma source(%dma_start3A_1893 : memref<1015808x16xf32, #tpu.memory_space<hbm>>) target(%dma_start3A_1883 : memref<128x16xf32, #tpu.memory_space<vmem>>) offsets(%dma_start3A_1890 : memref<128xi32, #tpu.memory_space<vmem>>) semaphore(%arg10 : memref<!tpu.dma_semaphore, #tpu.memory_space<semaphore_mem>>) {add = true}
    }
    %scan3A_1677 = arith.constant 184 : i32
    %dma_wait3A_1678 = arith.constant 0 : i32
    %dma_wait3A_1679 = arith.constant 0 : i32
    %dma_wait3A_1680 = arith.constant 0 : i32
    %dma_wait3A_1681 = arith.constant 0 : i32
    %dma_wait3A_1682 = tpu.memref_slice %arg7[%dma_wait3A_1680, %dma_wait3A_1681] : memref<512x16xf32, #tpu.memory_space<vmem>> -> memref<128x16xf32, #tpu.memory_space<vmem>>
    %dma_wait3A_1683 = arith.constant 0 : i32
    %dma_wait3A_1684 = tpu.memref_slice %arg6[%dma_wait3A_1678, %dma_wait3A_1679, %dma_wait3A_1683] : memref<2x200x128xi32, #tpu.memory_space<vmem>> -> memref<1x1x128xi32, #tpu.memory_space<vmem>>
    %dma_wait3A_1685 = tpu.memref_squeeze %dma_wait3A_1684 : memref<1x1x128xi32, #tpu.memory_space<vmem>> -> memref<128xi32, #tpu.memory_space<vmem>>
    %dma_wait3A_1686 = arith.constant 0 : i32
    %dma_wait3A_1687 = arith.constant 0 : i32
    %dma_wait3A_1688 = tpu.memref_slice %arg2[%dma_wait3A_1686, %dma_wait3A_1687] : memref<1015808x16xf32, #tpu.memory_space<hbm>> -> memref<1015808x16xf32, #tpu.memory_space<hbm>>
    tpu.wait_indirect_dma semaphore(%arg10 : memref<!tpu.dma_semaphore, #tpu.memory_space<semaphore_mem>>) src(%dma_wait3A_1688 : memref<1015808x16xf32, #tpu.memory_space<hbm>>) dst(%dma_wait3A_1682 : memref<128x16xf32, #tpu.memory_space<vmem>>)
    %dma_wait3A_1689 = arith.constant 0 : i32
    %dma_wait3A_1690 = arith.constant 0 : i32
    %dma_wait3A_1691 = arith.constant 0 : i32
    %dma_wait3A_1692 = arith.constant 0 : i32
    %dma_wait3A_1693 = tpu.memref_slice %arg7[%dma_wait3A_1691, %dma_wait3A_1692] : memref<512x16xf32, #tpu.memory_space<vmem>> -> memref<128x16xf32, #tpu.memory_space<vmem>>
    %dma_wait3A_1694 = arith.constant 0 : i32
    %dma_wait3A_1695 = tpu.memref_slice %arg6[%dma_wait3A_1689, %dma_wait3A_1690, %dma_wait3A_1694] : memref<2x200x128xi32, #tpu.memory_space<vmem>> -> memref<1x1x128xi32, #tpu.memory_space<vmem>>
    %dma_wait3A_1696 = tpu.memref_squeeze %dma_wait3A_1695 : memref<1x1x128xi32, #tpu.memory_space<vmem>> -> memref<128xi32, #tpu.memory_space<vmem>>
    %dma_wait3A_1697 = arith.constant 0 : i32
    %dma_wait3A_1698 = arith.constant 0 : i32
    %dma_wait3A_1699 = tpu.memref_slice %arg2[%dma_wait3A_1697, %dma_wait3A_1698] : memref<1015808x16xf32, #tpu.memory_space<hbm>> -> memref<1015808x16xf32, #tpu.memory_space<hbm>>
    tpu.wait_indirect_dma semaphore(%arg10 : memref<!tpu.dma_semaphore, #tpu.memory_space<semaphore_mem>>) src(%dma_wait3A_1699 : memref<1015808x16xf32, #tpu.memory_space<hbm>>) dst(%dma_wait3A_1693 : memref<128x16xf32, #tpu.memory_space<vmem>>)
    %dma_wait3A_1700 = arith.constant 0 : i32
    %dma_wait3A_1701 = arith.constant 0 : i32
    %dma_wait3A_1702 = arith.constant 0 : i32
    %dma_wait3A_1703 = arith.constant 0 : i32
    %dma_wait3A_1704 = tpu.memref_slice %arg7[%dma_wait3A_1702, %dma_wait3A_1703] : memref<512x16xf32, #tpu.memory_space<vmem>> -> memref<128x16xf32, #tpu.memory_space<vmem>>
    %dma_wait3A_1705 = arith.constant 0 : i32
    %dma_wait3A_1706 = tpu.memref_slice %arg6[%dma_wait3A_1700, %dma_wait3A_1701, %dma_wait3A_1705] : memref<2x200x128xi32, #tpu.memory_space<vmem>> -> memref<1x1x128xi32, #tpu.memory_space<vmem>>
    %dma_wait3A_1707 = tpu.memref_squeeze %dma_wait3A_1706 : memref<1x1x128xi32, #tpu.memory_space<vmem>> -> memref<128xi32, #tpu.memory_space<vmem>>
    %dma_wait3A_1708 = arith.constant 0 : i32
    %dma_wait3A_1709 = arith.constant 0 : i32
    %dma_wait3A_1710 = tpu.memref_slice %arg2[%dma_wait3A_1708, %dma_wait3A_1709] : memref<1015808x16xf32, #tpu.memory_space<hbm>> -> memref<1015808x16xf32, #tpu.memory_space<hbm>>
    tpu.wait_indirect_dma semaphore(%arg10 : memref<!tpu.dma_semaphore, #tpu.memory_space<semaphore_mem>>) src(%dma_wait3A_1710 : memref<1015808x16xf32, #tpu.memory_space<hbm>>) dst(%dma_wait3A_1704 : memref<128x16xf32, #tpu.memory_space<vmem>>)
    %dma_wait3A_1711 = arith.constant 0 : i32
    %dma_wait3A_1712 = arith.constant 0 : i32
    %dma_wait3A_1713 = arith.constant 0 : i32
    %dma_wait3A_1714 = arith.constant 0 : i32
    %dma_wait3A_1715 = tpu.memref_slice %arg7[%dma_wait3A_1713, %dma_wait3A_1714] : memref<512x16xf32, #tpu.memory_space<vmem>> -> memref<128x16xf32, #tpu.memory_space<vmem>>
    %dma_wait3A_1716 = arith.constant 0 : i32
    %dma_wait3A_1717 = tpu.memref_slice %arg6[%dma_wait3A_1711, %dma_wait3A_1712, %dma_wait3A_1716] : memref<2x200x128xi32, #tpu.memory_space<vmem>> -> memref<1x1x128xi32, #tpu.memory_space<vmem>>
    %dma_wait3A_1718 = tpu.memref_squeeze %dma_wait3A_1717 : memref<1x1x128xi32, #tpu.memory_space<vmem>> -> memref<128xi32, #tpu.memory_space<vmem>>
    %dma_wait3A_1719 = arith.constant 0 : i32
    %dma_wait3A_1720 = arith.constant 0 : i32
    %dma_wait3A_1721 = tpu.memref_slice %arg2[%dma_wait3A_1719, %dma_wait3A_1720] : memref<1015808x16xf32, #tpu.memory_space<hbm>> -> memref<1015808x16xf32, #tpu.memory_space<hbm>>
    tpu.wait_indirect_dma semaphore(%arg10 : memref<!tpu.dma_semaphore, #tpu.memory_space<semaphore_mem>>) src(%dma_wait3A_1721 : memref<1015808x16xf32, #tpu.memory_space<hbm>>) dst(%dma_wait3A_1715 : memref<128x16xf32, #tpu.memory_space<vmem>>)
    %dma_wait3A_1722 = arith.constant 0 : i32
    %dma_wait3A_1723 = arith.constant 0 : i32
    %dma_wait3A_1724 = arith.constant 0 : i32
    %dma_wait3A_1725 = arith.constant 0 : i32
    %dma_wait3A_1726 = tpu.memref_slice %arg7[%dma_wait3A_1724, %dma_wait3A_1725] : memref<512x16xf32, #tpu.memory_space<vmem>> -> memref<128x16xf32, #tpu.memory_space<vmem>>
    %dma_wait3A_1727 = arith.constant 0 : i32
    %dma_wait3A_1728 = tpu.memref_slice %arg6[%dma_wait3A_1722, %dma_wait3A_1723, %dma_wait3A_1727] : memref<2x200x128xi32, #tpu.memory_space<vmem>> -> memref<1x1x128xi32, #tpu.memory_space<vmem>>
    %dma_wait3A_1729 = tpu.memref_squeeze %dma_wait3A_1728 : memref<1x1x128xi32, #tpu.memory_space<vmem>> -> memref<128xi32, #tpu.memory_space<vmem>>
    %dma_wait3A_1730 = arith.constant 0 : i32
    %dma_wait3A_1731 = arith.constant 0 : i32
    %dma_wait3A_1732 = tpu.memref_slice %arg2[%dma_wait3A_1730, %dma_wait3A_1731] : memref<1015808x16xf32, #tpu.memory_space<hbm>> -> memref<1015808x16xf32, #tpu.memory_space<hbm>>
    tpu.wait_indirect_dma semaphore(%arg10 : memref<!tpu.dma_semaphore, #tpu.memory_space<semaphore_mem>>) src(%dma_wait3A_1732 : memref<1015808x16xf32, #tpu.memory_space<hbm>>) dst(%dma_wait3A_1726 : memref<128x16xf32, #tpu.memory_space<vmem>>)
    %dma_wait3A_1733 = arith.constant 0 : i32
    %dma_wait3A_1734 = arith.constant 0 : i32
    %dma_wait3A_1735 = arith.constant 0 : i32
    %dma_wait3A_1736 = arith.constant 0 : i32
    %dma_wait3A_1737 = tpu.memref_slice %arg7[%dma_wait3A_1735, %dma_wait3A_1736] : memref<512x16xf32, #tpu.memory_space<vmem>> -> memref<128x16xf32, #tpu.memory_space<vmem>>
    %dma_wait3A_1738 = arith.constant 0 : i32
    %dma_wait3A_1739 = tpu.memref_slice %arg6[%dma_wait3A_1733, %dma_wait3A_1734, %dma_wait3A_1738] : memref<2x200x128xi32, #tpu.memory_space<vmem>> -> memref<1x1x128xi32, #tpu.memory_space<vmem>>
    %dma_wait3A_1740 = tpu.memref_squeeze %dma_wait3A_1739 : memref<1x1x128xi32, #tpu.memory_space<vmem>> -> memref<128xi32, #tpu.memory_space<vmem>>
    %dma_wait3A_1741 = arith.constant 0 : i32
    %dma_wait3A_1742 = arith.constant 0 : i32
    %dma_wait3A_1743 = tpu.memref_slice %arg2[%dma_wait3A_1741, %dma_wait3A_1742] : memref<1015808x16xf32, #tpu.memory_space<hbm>> -> memref<1015808x16xf32, #tpu.memory_space<hbm>>
    tpu.wait_indirect_dma semaphore(%arg10 : memref<!tpu.dma_semaphore, #tpu.memory_space<semaphore_mem>>) src(%dma_wait3A_1743 : memref<1015808x16xf32, #tpu.memory_space<hbm>>) dst(%dma_wait3A_1737 : memref<128x16xf32, #tpu.memory_space<vmem>>)
    %dma_wait3A_1744 = arith.constant 0 : i32
    %dma_wait3A_1745 = arith.constant 0 : i32
    %dma_wait3A_1746 = arith.constant 0 : i32
    %dma_wait3A_1747 = arith.constant 0 : i32
    %dma_wait3A_1748 = tpu.memref_slice %arg7[%dma_wait3A_1746, %dma_wait3A_1747] : memref<512x16xf32, #tpu.memory_space<vmem>> -> memref<128x16xf32, #tpu.memory_space<vmem>>
    %dma_wait3A_1749 = arith.constant 0 : i32
    %dma_wait3A_1750 = tpu.memref_slice %arg6[%dma_wait3A_1744, %dma_wait3A_1745, %dma_wait3A_1749] : memref<2x200x128xi32, #tpu.memory_space<vmem>> -> memref<1x1x128xi32, #tpu.memory_space<vmem>>
    %dma_wait3A_1751 = tpu.memref_squeeze %dma_wait3A_1750 : memref<1x1x128xi32, #tpu.memory_space<vmem>> -> memref<128xi32, #tpu.memory_space<vmem>>
    %dma_wait3A_1752 = arith.constant 0 : i32
    %dma_wait3A_1753 = arith.constant 0 : i32
    %dma_wait3A_1754 = tpu.memref_slice %arg2[%dma_wait3A_1752, %dma_wait3A_1753] : memref<1015808x16xf32, #tpu.memory_space<hbm>> -> memref<1015808x16xf32, #tpu.memory_space<hbm>>
    tpu.wait_indirect_dma semaphore(%arg10 : memref<!tpu.dma_semaphore, #tpu.memory_space<semaphore_mem>>) src(%dma_wait3A_1754 : memref<1015808x16xf32, #tpu.memory_space<hbm>>) dst(%dma_wait3A_1748 : memref<128x16xf32, #tpu.memory_space<vmem>>)
    %dma_wait3A_1755 = arith.constant 0 : i32
    %dma_wait3A_1756 = arith.constant 0 : i32
    %dma_wait3A_1757 = arith.constant 0 : i32
    %dma_wait3A_1758 = arith.constant 0 : i32
    %dma_wait3A_1759 = tpu.memref_slice %arg7[%dma_wait3A_1757, %dma_wait3A_1758] : memref<512x16xf32, #tpu.memory_space<vmem>> -> memref<128x16xf32, #tpu.memory_space<vmem>>
    %dma_wait3A_1760 = arith.constant 0 : i32
    %dma_wait3A_1761 = tpu.memref_slice %arg6[%dma_wait3A_1755, %dma_wait3A_1756, %dma_wait3A_1760] : memref<2x200x128xi32, #tpu.memory_space<vmem>> -> memref<1x1x128xi32, #tpu.memory_space<vmem>>
    %dma_wait3A_1762 = tpu.memref_squeeze %dma_wait3A_1761 : memref<1x1x128xi32, #tpu.memory_space<vmem>> -> memref<128xi32, #tpu.memory_space<vmem>>
    %dma_wait3A_1763 = arith.constant 0 : i32
    %dma_wait3A_1764 = arith.constant 0 : i32
    %dma_wait3A_1765 = tpu.memref_slice %arg2[%dma_wait3A_1763, %dma_wait3A_1764] : memref<1015808x16xf32, #tpu.memory_space<hbm>> -> memref<1015808x16xf32, #tpu.memory_space<hbm>>
    tpu.wait_indirect_dma semaphore(%arg10 : memref<!tpu.dma_semaphore, #tpu.memory_space<semaphore_mem>>) src(%dma_wait3A_1765 : memref<1015808x16xf32, #tpu.memory_space<hbm>>) dst(%dma_wait3A_1759 : memref<128x16xf32, #tpu.memory_space<vmem>>)
    %dma_wait3A_1766 = arith.constant 0 : i32
    %dma_wait3A_1767 = arith.constant 0 : i32
    %dma_wait3A_1768 = arith.constant 0 : i32
    %dma_wait3A_1769 = arith.constant 0 : i32
    %dma_wait3A_1770 = tpu.memref_slice %arg7[%dma_wait3A_1768, %dma_wait3A_1769] : memref<512x16xf32, #tpu.memory_space<vmem>> -> memref<128x16xf32, #tpu.memory_space<vmem>>
    %dma_wait3A_1771 = arith.constant 0 : i32
    %dma_wait3A_1772 = tpu.memref_slice %arg6[%dma_wait3A_1766, %dma_wait3A_1767, %dma_wait3A_1771] : memref<2x200x128xi32, #tpu.memory_space<vmem>> -> memref<1x1x128xi32, #tpu.memory_space<vmem>>
    %dma_wait3A_1773 = tpu.memref_squeeze %dma_wait3A_1772 : memref<1x1x128xi32, #tpu.memory_space<vmem>> -> memref<128xi32, #tpu.memory_space<vmem>>
    %dma_wait3A_1774 = arith.constant 0 : i32
    %dma_wait3A_1775 = arith.constant 0 : i32
    %dma_wait3A_1776 = tpu.memref_slice %arg2[%dma_wait3A_1774, %dma_wait3A_1775] : memref<1015808x16xf32, #tpu.memory_space<hbm>> -> memref<1015808x16xf32, #tpu.memory_space<hbm>>
    tpu.wait_indirect_dma semaphore(%arg10 : memref<!tpu.dma_semaphore, #tpu.memory_space<semaphore_mem>>) src(%dma_wait3A_1776 : memref<1015808x16xf32, #tpu.memory_space<hbm>>) dst(%dma_wait3A_1770 : memref<128x16xf32, #tpu.memory_space<vmem>>)
    %dma_wait3A_1777 = arith.constant 0 : i32
    %dma_wait3A_1778 = arith.constant 0 : i32
    %dma_wait3A_1779 = arith.constant 0 : i32
    %dma_wait3A_1780 = arith.constant 0 : i32
    %dma_wait3A_1781 = tpu.memref_slice %arg7[%dma_wait3A_1779, %dma_wait3A_1780] : memref<512x16xf32, #tpu.memory_space<vmem>> -> memref<128x16xf32, #tpu.memory_space<vmem>>
    %dma_wait3A_1782 = arith.constant 0 : i32
    %dma_wait3A_1783 = tpu.memref_slice %arg6[%dma_wait3A_1777, %dma_wait3A_1778, %dma_wait3A_1782] : memref<2x200x128xi32, #tpu.memory_space<vmem>> -> memref<1x1x128xi32, #tpu.memory_space<vmem>>
    %dma_wait3A_1784 = tpu.memref_squeeze %dma_wait3A_1783 : memref<1x1x128xi32, #tpu.memory_space<vmem>> -> memref<128xi32, #tpu.memory_space<vmem>>
    %dma_wait3A_1785 = arith.constant 0 : i32
    %dma_wait3A_1786 = arith.constant 0 : i32
    %dma_wait3A_1787 = tpu.memref_slice %arg2[%dma_wait3A_1785, %dma_wait3A_1786] : memref<1015808x16xf32, #tpu.memory_space<hbm>> -> memref<1015808x16xf32, #tpu.memory_space<hbm>>
    tpu.wait_indirect_dma semaphore(%arg10 : memref<!tpu.dma_semaphore, #tpu.memory_space<semaphore_mem>>) src(%dma_wait3A_1787 : memref<1015808x16xf32, #tpu.memory_space<hbm>>) dst(%dma_wait3A_1781 : memref<128x16xf32, #tpu.memory_space<vmem>>)
    %dma_wait3A_1788 = arith.constant 0 : i32
    %dma_wait3A_1789 = arith.constant 0 : i32
    %dma_wait3A_1790 = arith.constant 0 : i32
    %dma_wait3A_1791 = arith.constant 0 : i32
    %dma_wait3A_1792 = tpu.memref_slice %arg7[%dma_wait3A_1790, %dma_wait3A_1791] : memref<512x16xf32, #tpu.memory_space<vmem>> -> memref<128x16xf32, #tpu.memory_space<vmem>>
    %dma_wait3A_1793 = arith.constant 0 : i32
    %dma_wait3A_1794 = tpu.memref_slice %arg6[%dma_wait3A_1788, %dma_wait3A_1789, %dma_wait3A_1793] : memref<2x200x128xi32, #tpu.memory_space<vmem>> -> memref<1x1x128xi32, #tpu.memory_space<vmem>>
    %dma_wait3A_1795 = tpu.memref_squeeze %dma_wait3A_1794 : memref<1x1x128xi32, #tpu.memory_space<vmem>> -> memref<128xi32, #tpu.memory_space<vmem>>
    %dma_wait3A_1796 = arith.constant 0 : i32
    %dma_wait3A_1797 = arith.constant 0 : i32
    %dma_wait3A_1798 = tpu.memref_slice %arg2[%dma_wait3A_1796, %dma_wait3A_1797] : memref<1015808x16xf32, #tpu.memory_space<hbm>> -> memref<1015808x16xf32, #tpu.memory_space<hbm>>
    tpu.wait_indirect_dma semaphore(%arg10 : memref<!tpu.dma_semaphore, #tpu.memory_space<semaphore_mem>>) src(%dma_wait3A_1798 : memref<1015808x16xf32, #tpu.memory_space<hbm>>) dst(%dma_wait3A_1792 : memref<128x16xf32, #tpu.memory_space<vmem>>)
    %dma_wait3A_1799 = arith.constant 0 : i32
    %dma_wait3A_1800 = arith.constant 0 : i32
    %dma_wait3A_1801 = arith.constant 0 : i32
    %dma_wait3A_1802 = arith.constant 0 : i32
    %dma_wait3A_1803 = tpu.memref_slice %arg7[%dma_wait3A_1801, %dma_wait3A_1802] : memref<512x16xf32, #tpu.memory_space<vmem>> -> memref<128x16xf32, #tpu.memory_space<vmem>>
    %dma_wait3A_1804 = arith.constant 0 : i32
    %dma_wait3A_1805 = tpu.memref_slice %arg6[%dma_wait3A_1799, %dma_wait3A_1800, %dma_wait3A_1804] : memref<2x200x128xi32, #tpu.memory_space<vmem>> -> memref<1x1x128xi32, #tpu.memory_space<vmem>>
    %dma_wait3A_1806 = tpu.memref_squeeze %dma_wait3A_1805 : memref<1x1x128xi32, #tpu.memory_space<vmem>> -> memref<128xi32, #tpu.memory_space<vmem>>
    %dma_wait3A_1807 = arith.constant 0 : i32
    %dma_wait3A_1808 = arith.constant 0 : i32
    %dma_wait3A_1809 = tpu.memref_slice %arg2[%dma_wait3A_1807, %dma_wait3A_1808] : memref<1015808x16xf32, #tpu.memory_space<hbm>> -> memref<1015808x16xf32, #tpu.memory_space<hbm>>
    tpu.wait_indirect_dma semaphore(%arg10 : memref<!tpu.dma_semaphore, #tpu.memory_space<semaphore_mem>>) src(%dma_wait3A_1809 : memref<1015808x16xf32, #tpu.memory_space<hbm>>) dst(%dma_wait3A_1803 : memref<128x16xf32, #tpu.memory_space<vmem>>)
    %dma_wait3A_1810 = arith.constant 0 : i32
    %dma_wait3A_1811 = arith.constant 0 : i32
    %dma_wait3A_1812 = arith.constant 0 : i32
    %dma_wait3A_1813 = arith.constant 0 : i32
    %dma_wait3A_1814 = tpu.memref_slice %arg7[%dma_wait3A_1812, %dma_wait3A_1813] : memref<512x16xf32, #tpu.memory_space<vmem>> -> memref<128x16xf32, #tpu.memory_space<vmem>>
    %dma_wait3A_1815 = arith.constant 0 : i32
    %dma_wait3A_1816 = tpu.memref_slice %arg6[%dma_wait3A_1810, %dma_wait3A_1811, %dma_wait3A_1815] : memref<2x200x128xi32, #tpu.memory_space<vmem>> -> memref<1x1x128xi32, #tpu.memory_space<vmem>>
    %dma_wait3A_1817 = tpu.memref_squeeze %dma_wait3A_1816 : memref<1x1x128xi32, #tpu.memory_space<vmem>> -> memref<128xi32, #tpu.memory_space<vmem>>
    %dma_wait3A_1818 = arith.constant 0 : i32
    %dma_wait3A_1819 = arith.constant 0 : i32
    %dma_wait3A_1820 = tpu.memref_slice %arg2[%dma_wait3A_1818, %dma_wait3A_1819] : memref<1015808x16xf32, #tpu.memory_space<hbm>> -> memref<1015808x16xf32, #tpu.memory_space<hbm>>
    tpu.wait_indirect_dma semaphore(%arg10 : memref<!tpu.dma_semaphore, #tpu.memory_space<semaphore_mem>>) src(%dma_wait3A_1820 : memref<1015808x16xf32, #tpu.memory_space<hbm>>) dst(%dma_wait3A_1814 : memref<128x16xf32, #tpu.memory_space<vmem>>)
    %dma_wait3A_1821 = arith.constant 0 : i32
    %dma_wait3A_1822 = arith.constant 0 : i32
    %dma_wait3A_1823 = arith.constant 0 : i32
    %dma_wait3A_1824 = arith.constant 0 : i32
    %dma_wait3A_1825 = tpu.memref_slice %arg7[%dma_wait3A_1823, %dma_wait3A_1824] : memref<512x16xf32, #tpu.memory_space<vmem>> -> memref<128x16xf32, #tpu.memory_space<vmem>>
    %dma_wait3A_1826 = arith.constant 0 : i32
    %dma_wait3A_1827 = tpu.memref_slice %arg6[%dma_wait3A_1821, %dma_wait3A_1822, %dma_wait3A_1826] : memref<2x200x128xi32, #tpu.memory_space<vmem>> -> memref<1x1x128xi32, #tpu.memory_space<vmem>>
    %dma_wait3A_1828 = tpu.memref_squeeze %dma_wait3A_1827 : memref<1x1x128xi32, #tpu.memory_space<vmem>> -> memref<128xi32, #tpu.memory_space<vmem>>
    %dma_wait3A_1829 = arith.constant 0 : i32
    %dma_wait3A_1830 = arith.constant 0 : i32
    %dma_wait3A_1831 = tpu.memref_slice %arg2[%dma_wait3A_1829, %dma_wait3A_1830] : memref<1015808x16xf32, #tpu.memory_space<hbm>> -> memref<1015808x16xf32, #tpu.memory_space<hbm>>
    tpu.wait_indirect_dma semaphore(%arg10 : memref<!tpu.dma_semaphore, #tpu.memory_space<semaphore_mem>>) src(%dma_wait3A_1831 : memref<1015808x16xf32, #tpu.memory_space<hbm>>) dst(%dma_wait3A_1825 : memref<128x16xf32, #tpu.memory_space<vmem>>)
    %dma_wait3A_1832 = arith.constant 0 : i32
    %dma_wait3A_1833 = arith.constant 0 : i32
    %dma_wait3A_1834 = arith.constant 0 : i32
    %dma_wait3A_1835 = arith.constant 0 : i32
    %dma_wait3A_1836 = tpu.memref_slice %arg7[%dma_wait3A_1834, %dma_wait3A_1835] : memref<512x16xf32, #tpu.memory_space<vmem>> -> memref<128x16xf32, #tpu.memory_space<vmem>>
    %dma_wait3A_1837 = arith.constant 0 : i32
    %dma_wait3A_1838 = tpu.memref_slice %arg6[%dma_wait3A_1832, %dma_wait3A_1833, %dma_wait3A_1837] : memref<2x200x128xi32, #tpu.memory_space<vmem>> -> memref<1x1x128xi32, #tpu.memory_space<vmem>>
    %dma_wait3A_1839 = tpu.memref_squeeze %dma_wait3A_1838 : memref<1x1x128xi32, #tpu.memory_space<vmem>> -> memref<128xi32, #tpu.memory_space<vmem>>
    %dma_wait3A_1840 = arith.constant 0 : i32
    %dma_wait3A_1841 = arith.constant 0 : i32
    %dma_wait3A_1842 = tpu.memref_slice %arg2[%dma_wait3A_1840, %dma_wait3A_1841] : memref<1015808x16xf32, #tpu.memory_space<hbm>> -> memref<1015808x16xf32, #tpu.memory_space<hbm>>
    tpu.wait_indirect_dma semaphore(%arg10 : memref<!tpu.dma_semaphore, #tpu.memory_space<semaphore_mem>>) src(%dma_wait3A_1842 : memref<1015808x16xf32, #tpu.memory_space<hbm>>) dst(%dma_wait3A_1836 : memref<128x16xf32, #tpu.memory_space<vmem>>)
    %dma_wait3A_1843 = arith.constant 0 : i32
    %dma_wait3A_1844 = arith.constant 0 : i32
    %dma_wait3A_1845 = arith.constant 0 : i32
    %dma_wait3A_1846 = arith.constant 0 : i32
    %dma_wait3A_1847 = tpu.memref_slice %arg7[%dma_wait3A_1845, %dma_wait3A_1846] : memref<512x16xf32, #tpu.memory_space<vmem>> -> memref<128x16xf32, #tpu.memory_space<vmem>>
    %dma_wait3A_1848 = arith.constant 0 : i32
    %dma_wait3A_1849 = tpu.memref_slice %arg6[%dma_wait3A_1843, %dma_wait3A_1844, %dma_wait3A_1848] : memref<2x200x128xi32, #tpu.memory_space<vmem>> -> memref<1x1x128xi32, #tpu.memory_space<vmem>>
    %dma_wait3A_1850 = tpu.memref_squeeze %dma_wait3A_1849 : memref<1x1x128xi32, #tpu.memory_space<vmem>> -> memref<128xi32, #tpu.memory_space<vmem>>
    %dma_wait3A_1851 = arith.constant 0 : i32
    %dma_wait3A_1852 = arith.constant 0 : i32
    %dma_wait3A_1853 = tpu.memref_slice %arg2[%dma_wait3A_1851, %dma_wait3A_1852] : memref<1015808x16xf32, #tpu.memory_space<hbm>> -> memref<1015808x16xf32, #tpu.memory_space<hbm>>
    tpu.wait_indirect_dma semaphore(%arg10 : memref<!tpu.dma_semaphore, #tpu.memory_space<semaphore_mem>>) src(%dma_wait3A_1853 : memref<1015808x16xf32, #tpu.memory_space<hbm>>) dst(%dma_wait3A_1847 : memref<128x16xf32, #tpu.memory_space<vmem>>)
    %get3A = arith.constant 0 : index
    %get3A_1854 = tpu.vector_load %arg8[%get3A] {strides = array<i32>} : memref<16xf32, #tpu.memory_space<vmem>>, vector<16xf32>,
    %scan3A_1855 = arith.constant 0 : i32
    %scan3A_1856 = arith.constant 0 : i32
    %scan3A_1857 = arith.constant 512 : i32
    %scan3A_1858 = arith.addi %scan3A_1856, %scan3A_1857 : i32
    %scan3A_1859 = arith.constant 8 : i32
    scf.for %scan3A_1869 = %scan3A_1856 to %scan3A_1858 step %scan3A_1859  : i32 {
      %get3A_1870 = arith.index_cast %scan3A_1869 : i32 to index
      %get3A_1871 = arith.constant 0 : index
      %get3A_1872 = tpu.vector_load %arg7[%get3A_1870, %get3A_1871] {strides = array<i32>} : memref<512x16xf32, #tpu.memory_space<vmem>>, vector<16xf32>,
      %add3A_1873 = arith.addf %get3A_1872, %get3A_1854 : vector<16xf32>
      %swap3A = arith.index_cast %scan3A_1869 : i32 to index
      %swap3A_1874 = arith.constant 0 : index
      %swap3A_1875 = tpu.vector_load %arg7[%swap3A, %swap3A_1874] {strides = array<i32>} : memref<512x16xf32, #tpu.memory_space<vmem>>, vector<16xf32>,
      tpu.vector_store %arg7[%swap3A, %swap3A_1874], %add3A_1873 {strides = array<i32>} : memref<512x16xf32, #tpu.memory_space<vmem>>, vector<16xf32>,
      %scan3A_1876 = arith.constant 1 : i32
      %scan3A_1877 = arith.addi %scan3A_1869, %scan3A_1876 : i32
      %get3A_1878 = arith.index_cast %scan3A_1877 : i32 to index
      %get3A_1879 = arith.constant 0 : index
      %get3A_1880 = tpu.vector_load %arg7[%get3A_1878, %get3A_1879] {strides = array<i32>} : memref<512x16xf32, #tpu.memory_space<vmem>>, vector<16xf32>,
      %add3A_1881 = arith.addf %get3A_1880, %get3A_1854 : vector<16xf32>
      %swap3A_1882 = arith.index_cast %scan3A_1877 : i32 to index
      %swap3A_1883 = arith.constant 0 : index
      %swap3A_1884 = tpu.vector_load %arg7[%swap3A_1882, %swap3A_1883] {strides = array<i32>} : memref<512x16xf32, #tpu.memory_space<vmem>>, vector<16xf32>,
      tpu.vector_store %arg7[%swap3A_1882, %swap3A_1883], %add3A_1881 {strides = array<i32>} : memref<512x16xf32, #tpu.memory_space<vmem>>, vector<16xf32>,
      %scan3A_1885 = arith.constant 2 : i32
      %scan3A_1886 = arith.addi %scan3A_1869, %scan3A_1885 : i32
      %get3A_1887 = arith.index_cast %scan3A_1886 : i32 to index
      %get3A_1888 = arith.constant 0 : index
      %get3A_1889 = tpu.vector_load %arg7[%get3A_1887, %get3A_1888] {strides = array<i32>} : memref<512x16xf32, #tpu.memory_space<vmem>>, vector<16xf32>,
      %add3A_1890 = arith.addf %get3A_1889, %get3A_1854 : vector<16xf32>
      %swap3A_1891 = arith.index_cast %scan3A_1886 : i32 to index
      %swap3A_1892 = arith.constant 0 : index
      %swap3A_1893 = tpu.vector_load %arg7[%swap3A_1891, %swap3A_1892] {strides = array<i32>} : memref<512x16xf32, #tpu.memory_space<vmem>>, vector<16xf32>,
      tpu.vector_store %arg7[%swap3A_1891, %swap3A_1892], %add3A_1890 {strides = array<i32>} : memref<512x16xf32, #tpu.memory_space<vmem>>, vector<16xf32>,
      %scan3A_1894 = arith.constant 3 : i32
      %scan3A_1895 = arith.addi %scan3A_1869, %scan3A_1894 : i32
      %get3A_1896 = arith.index_cast %scan3A_1895 : i32 to index
      %get3A_1897 = arith.constant 0 : index
      %get3A_1898 = tpu.vector_load %arg7[%get3A_1896, %get3A_1897] {strides = array<i32>} : memref<512x16xf32, #tpu.memory_space<vmem>>, vector<16xf32>,
      %add3A_1899 = arith.addf %get3A_1898, %get3A_1854 : vector<16xf32>
      %swap3A_1900 = arith.index_cast %scan3A_1895 : i32 to index
      %swap3A_1901 = arith.constant 0 : index
      %swap3A_1902 = tpu.vector_load %arg7[%swap3A_1900, %swap3A_1901] {strides = array<i32>} : memref<512x16xf32, #tpu.memory_space<vmem>>, vector<16xf32>,
      tpu.vector_store %arg7[%swap3A_1900, %swap3A_1901], %add3A_1899 {strides = array<i32>} : memref<512x16xf32, #tpu.memory_space<vmem>>, vector<16xf32>,
      %scan3A_1903 = arith.constant 4 : i32
      %scan3A_1904 = arith.addi %scan3A_1869, %scan3A_1903 : i32
      %get3A_1905 = arith.index_cast %scan3A_1904 : i32 to index
      %get3A_1906 = arith.constant 0 : index
      %get3A_1907 = tpu.vector_load %arg7[%get3A_1905, %get3A_1906] {strides = array<i32>} : memref<512x16xf32, #tpu.memory_space<vmem>>, vector<16xf32>,
      %add3A_1908 = arith.addf %get3A_1907, %get3A_1854 : vector<16xf32>
      %swap3A_1909 = arith.index_cast %scan3A_1904 : i32 to index
      %swap3A_1910 = arith.constant 0 : index
      %swap3A_1911 = tpu.vector_load %arg7[%swap3A_1909, %swap3A_1910] {strides = array<i32>} : memref<512x16xf32, #tpu.memory_space<vmem>>, vector<16xf32>,
      tpu.vector_store %arg7[%swap3A_1909, %swap3A_1910], %add3A_1908 {strides = array<i32>} : memref<512x16xf32, #tpu.memory_space<vmem>>, vector<16xf32>,
      %scan3A_1912 = arith.constant 5 : i32
      %scan3A_1913 = arith.addi %scan3A_1869, %scan3A_1912 : i32
      %get3A_1914 = arith.index_cast %scan3A_1913 : i32 to index
      %get3A_1915 = arith.constant 0 : index
      %get3A_1916 = tpu.vector_load %arg7[%get3A_1914, %get3A_1915] {strides = array<i32>} : memref<512x16xf32, #tpu.memory_space<vmem>>, vector<16xf32>,
      %add3A_1917 = arith.addf %get3A_1916, %get3A_1854 : vector<16xf32>
      %swap3A_1918 = arith.index_cast %scan3A_1913 : i32 to index
      %swap3A_1919 = arith.constant 0 : index
      %swap3A_1920 = tpu.vector_load %arg7[%swap3A_1918, %swap3A_1919] {strides = array<i32>} : memref<512x16xf32, #tpu.memory_space<vmem>>, vector<16xf32>,
      tpu.vector_store %arg7[%swap3A_1918, %swap3A_1919], %add3A_1917 {strides = array<i32>} : memref<512x16xf32, #tpu.memory_space<vmem>>, vector<16xf32>,
      %scan3A_1921 = arith.constant 6 : i32
      %scan3A_1922 = arith.addi %scan3A_1869, %scan3A_1921 : i32
      %get3A_1923 = arith.index_cast %scan3A_1922 : i32 to index
      %get3A_1924 = arith.constant 0 : index
      %get3A_1925 = tpu.vector_load %arg7[%get3A_1923, %get3A_1924] {strides = array<i32>} : memref<512x16xf32, #tpu.memory_space<vmem>>, vector<16xf32>,
      %add3A_1926 = arith.addf %get3A_1925, %get3A_1854 : vector<16xf32>
      %swap3A_1927 = arith.index_cast %scan3A_1922 : i32 to index
      %swap3A_1928 = arith.constant 0 : index
      %swap3A_1929 = tpu.vector_load %arg7[%swap3A_1927, %swap3A_1928] {strides = array<i32>} : memref<512x16xf32, #tpu.memory_space<vmem>>, vector<16xf32>,
      tpu.vector_store %arg7[%swap3A_1927, %swap3A_1928], %add3A_1926 {strides = array<i32>} : memref<512x16xf32, #tpu.memory_space<vmem>>, vector<16xf32>,
      %scan3A_1930 = arith.constant 7 : i32
      %scan3A_1931 = arith.addi %scan3A_1869, %scan3A_1930 : i32
      %get3A_1932 = arith.index_cast %scan3A_1931 : i32 to index
      %get3A_1933 = arith.constant 0 : index
      %get3A_1934 = tpu.vector_load %arg7[%get3A_1932, %get3A_1933] {strides = array<i32>} : memref<512x16xf32, #tpu.memory_space<vmem>>, vector<16xf32>,
      %add3A_1935 = arith.addf %get3A_1934, %get3A_1854 : vector<16xf32>
      %swap3A_1936 = arith.index_cast %scan3A_1931 : i32 to index
      %swap3A_1937 = arith.constant 0 : index
      %swap3A_1938 = tpu.vector_load %arg7[%swap3A_1936, %swap3A_1937] {strides = array<i32>} : memref<512x16xf32, #tpu.memory_space<vmem>>, vector<16xf32>,
      tpu.vector_store %arg7[%swap3A_1936, %swap3A_1937], %add3A_1935 {strides = array<i32>} : memref<512x16xf32, #tpu.memory_space<vmem>>, vector<16xf32>,
    }
    %scan3A_1860 = arith.constant 512 : i32
    %dma_start3A_1861 = arith.constant 0 : i32
    %dma_start3A_1862 = tpu.memref_slice %arg5[%mul3A_2, %dma_start3A_1861] : memref<16384x16xf32, #tpu.memory_space<hbm>> -> memref<512x16xf32, #tpu.memory_space<hbm>>
    %dma_start3A_1863 = arith.constant 0 : i32
    %dma_start3A_1864 = tpu.memref_slice %arg5[%mul3A_2, %dma_start3A_1863] : memref<16384x16xf32, #tpu.memory_space<hbm>> -> memref<512x16xf32, #tpu.memory_space<hbm>>
    tpu.enqueue_dma source(%arg7 : memref<512x16xf32, #tpu.memory_space<vmem>>) target(%dma_start3A_1864 : memref<512x16xf32, #tpu.memory_space<hbm>>) target_semaphore(%arg9 : memref<!tpu.dma_semaphore, #tpu.memory_space<semaphore_mem>>)
    %dma_wait3A_1865 = arith.constant 0 : i32
    %dma_wait3A_1866 = tpu.memref_slice %arg5[%mul3A_2, %dma_wait3A_1865] : memref<16384x16xf32, #tpu.memory_space<hbm>> -> memref<512x16xf32, #tpu.memory_space<hbm>>
    %dma_wait3A_1867 = arith.constant 0 : i32
    %dma_wait3A_1868 = tpu.memref_slice %arg5[%mul3A_2, %dma_wait3A_1867] : memref<16384x16xf32, #tpu.memory_space<hbm>> -> memref<512x16xf32, #tpu.memory_space<hbm>>
    tpu.wait_dma2 semaphore(%arg9 : memref<!tpu.dma_semaphore, #tpu.memory_space<semaphore_mem>>) src(%arg7 : memref<512x16xf32, #tpu.memory_space<vmem>>) dst(%dma_wait3A_1868 : memref<512x16xf32, #tpu.memory_space<hbm>>)
    return
  }
}

module attributes {stable_mosaic.version = 14 : i64} {
  func.func @body(%arg0: i32, %arg1: memref<40x16384xi32, #tpu.memory_space<vmem>>, %arg2: memref<5120x128xi32, #tpu.memory_space<vmem>>) attributes {dimension_semantics = [#tpu.dimension_semantics<arbitrary>], iteration_bounds = array<i64: 5>, scalar_prefetch = 0 : i64, scratch_operands = 0 : i64, tpu.core_type = #tpu.core_type<tc>, window_params = [{transform_indices = @transform_0, window_bounds = array<i64: 40, 16384>}, {transform_indices = @transform_1, window_bounds = array<i64: 5120, 128>}]} {
    %get3A = arith.constant 0 : index
    %get3A_0 = arith.constant 0 : index
    %get3A_1 = vector.load %arg1[%get3A, %get3A_0] : memref<40x16384xi32, #tpu.memory_space<vmem>>, vector<40x16384xi32>
    %and3A = arith.constant 16383 : i32
    %and3A_2 = vector.broadcast %and3A : i32 to vector<40x16384xi32>
    %and3A_3 = arith.andi %get3A_1, %and3A_2 : vector<40x16384xi32>
    %shift_right_arithmetic3A = arith.constant 14 : i32
    %shift_right_arithmetic3A_4 = vector.broadcast %shift_right_arithmetic3A : i32 to vector<40x16384xi32>
    %shift_right_arithmetic3A_5 = arith.shrsi %get3A_1, %shift_right_arithmetic3A_4 : vector<40x16384xi32>
    %shift_left3A = arith.constant 14 : i32
    %shift_left3A_6 = vector.broadcast %shift_left3A : i32 to vector<40x16384xi32>
    %shift_left3A_7 = arith.shli %shift_right_arithmetic3A_5, %shift_left3A_6 : vector<40x16384xi32>
    %and3A_8 = arith.constant 2047 : i32
    %and3A_9 = vector.broadcast %and3A_8 : i32 to vector<40x16384xi32>
    %and3A_10 = arith.andi %and3A_3, %and3A_9 : vector<40x16384xi32>
    %shift_left3A_11 = arith.constant 3 : i32
    %shift_left3A_12 = vector.broadcast %shift_left3A_11 : i32 to vector<40x16384xi32>
    %shift_left3A_13 = arith.shli %and3A_10, %shift_left3A_12 : vector<40x16384xi32>
    %add3A = arith.addi %shift_left3A_7, %shift_left3A_13 : vector<40x16384xi32>
    %shift_right_arithmetic3A_14 = arith.constant 11 : i32
    %shift_right_arithmetic3A_15 = vector.broadcast %shift_right_arithmetic3A_14 : i32 to vector<40x16384xi32>
    %shift_right_arithmetic3A_16 = arith.shrsi %and3A_3, %shift_right_arithmetic3A_15 : vector<40x16384xi32>
    %add3A_17 = arith.addi %add3A, %shift_right_arithmetic3A_16 : vector<40x16384xi32>
    %reshape3A = vector.shape_cast %add3A_17 : vector<40x16384xi32> to vector<5120x128xi32>
    %swap3A = arith.constant 0 : index
    %swap3A_18 = arith.constant 0 : index
    %swap3A_19 = vector.load %arg2[%swap3A, %swap3A_18] : memref<5120x128xi32, #tpu.memory_space<vmem>>, vector<5120x128xi32>
    tpu.vector_store %arg2[%swap3A, %swap3A_18], %reshape3A {strides = array<i32>} : memref<5120x128xi32, #tpu.memory_space<vmem>>, vector<5120x128xi32>,
    return
  }
  func.func @transform_0(%arg0: i32) -> (i32, i32) {
    %c0_i32 = arith.constant 0 : i32
    %c0_i32_0 = arith.constant 0 : i32
    return %arg0, %c0_i32 : i32, i32
  }
  func.func @transform_1(%arg0: i32) -> (i32, i32) {
    %c0_i32 = arith.constant 0 : i32
    %c0_i32_0 = arith.constant 0 : i32
    return %arg0, %c0_i32 : i32, i32
  }
}

module attributes {stable_mosaic.version = 14 : i64} {
  func.func @body(%arg0: i32, %arg1: memref<32x16384xf32, #tpu.memory_space<vmem>>, %arg2: memref<16x32xf32, #tpu.memory_space<vmem>>, %arg3: memref<2048x128xf32, #tpu.memory_space<vmem>>) attributes {dimension_semantics = [#tpu.dimension_semantics<arbitrary>], iteration_bounds = array<i64: 62>, scalar_prefetch = 0 : i64, scratch_operands = 0 : i64, tpu.core_type = #tpu.core_type<tc>, window_params = [{transform_indices = @transform_0, window_bounds = array<i64: 32, 16384>}, {pipeline_mode = #tpu.pipeline_mode<synchronous>, transform_indices = @transform_1, window_bounds = array<i64: 16, 32>}, {transform_indices = @transform_2, window_bounds = array<i64: 2048, 128>}]} {
    %get3A = arith.constant 0 : index
    %get3A_0 = arith.constant 0 : index
    %get3A_1 = vector.load %arg1[%get3A, %get3A_0] : memref<32x16384xf32, #tpu.memory_space<vmem>>, vector<32x16384xf32>
    %get3A_2 = arith.constant 0 : index
    %get3A_3 = arith.constant 0 : index
    %get3A_4 = vector.load %arg2[%get3A_2, %get3A_3] : memref<16x32xf32, #tpu.memory_space<vmem>>, vector<16x32xf32>
    %dot_general3A = arith.constant dense<0.000000e+00> : vector<16x16384xf32>
    %dot_general3A_5 = tpu.matmul %get3A_4, %get3A_1, %dot_general3A {dimension_numbers = #tpu.dot_dimension_numbers<[1], [0], [0], [1], [0, 0, 1, 1], [], []>, transpose_lhs_hint = false} : vector<16x32xf32>, vector<32x16384xf32>, vector<16x16384xf32> -> vector<16x16384xf32>
    %slice3A = vector.extract_strided_slice %dot_general3A_5 {offsets = [0, 0], sizes = [16, 2048], strides = [1, 1]} : vector<16x16384xf32> to vector<16x2048xf32>
    %slice3A_6 = vector.extract_strided_slice %dot_general3A_5 {offsets = [0, 2048], sizes = [16, 2048], strides = [1, 1]} : vector<16x16384xf32> to vector<16x2048xf32>
    %slice3A_7 = vector.extract_strided_slice %dot_general3A_5 {offsets = [0, 4096], sizes = [16, 2048], strides = [1, 1]} : vector<16x16384xf32> to vector<16x2048xf32>
    %slice3A_8 = vector.extract_strided_slice %dot_general3A_5 {offsets = [0, 6144], sizes = [16, 2048], strides = [1, 1]} : vector<16x16384xf32> to vector<16x2048xf32>
    %slice3A_9 = vector.extract_strided_slice %dot_general3A_5 {offsets = [0, 8192], sizes = [16, 2048], strides = [1, 1]} : vector<16x16384xf32> to vector<16x2048xf32>
    %slice3A_10 = vector.extract_strided_slice %dot_general3A_5 {offsets = [0, 10240], sizes = [16, 2048], strides = [1, 1]} : vector<16x16384xf32> to vector<16x2048xf32>
    %slice3A_11 = vector.extract_strided_slice %dot_general3A_5 {offsets = [0, 12288], sizes = [16, 2048], strides = [1, 1]} : vector<16x16384xf32> to vector<16x2048xf32>
    %slice3A_12 = vector.extract_strided_slice %dot_general3A_5 {offsets = [0, 14336], sizes = [16, 2048], strides = [1, 1]} : vector<16x16384xf32> to vector<16x2048xf32>
    %concatenate3A = tpu.concatenate %slice3A, %slice3A_6, %slice3A_7, %slice3A_8, %slice3A_9, %slice3A_10, %slice3A_11, %slice3A_12 in 0 : vector<16x2048xf32>, vector<16x2048xf32>, vector<16x2048xf32>, vector<16x2048xf32>, vector<16x2048xf32>, vector<16x2048xf32>, vector<16x2048xf32>, vector<16x2048xf32> -> vector<128x2048xf32>
    %transpose3A = tpu.transpose %concatenate3A, [1, 0] : vector<128x2048xf32> -> vector<2048x128xf32>
    %swap3A = arith.constant 0 : index
    %swap3A_13 = arith.constant 0 : index
    %swap3A_14 = vector.load %arg3[%swap3A, %swap3A_13] : memref<2048x128xf32, #tpu.memory_space<vmem>>, vector<2048x128xf32>
    tpu.vector_store %arg3[%swap3A, %swap3A_13], %transpose3A {strides = array<i32>} : memref<2048x128xf32, #tpu.memory_space<vmem>>, vector<2048x128xf32>,
    return
  }
  func.func @transform_0(%arg0: i32) -> (i32, i32) {
    %c0_i32 = arith.constant 0 : i32
    %c0_i32_0 = arith.constant 0 : i32
    return %c0_i32, %arg0 : i32, i32
  }
  func.func @transform_1(%arg0: i32) -> (i32, i32) {
    %c0_i32 = arith.constant 0 : i32
    %c0_i32_0 = arith.constant 0 : i32
    %c0_i32_1 = arith.constant 0 : i32
    return %c0_i32, %c0_i32_0 : i32, i32
  }
  func.func @transform_2(%arg0: i32) -> (i32, i32) {
    %c0_i32 = arith.constant 0 : i32
    %c0_i32_0 = arith.constant 0 : i32
    return %arg0, %c0_i32 : i32, i32
  }
}

</mosaic_0001>

<sc_bundles>
// kernel: kernel.5.cloned.1.call-start
scs
__scs_entry_jumppad:
0x0: {  	(pc) =	sbr.rel $0x88, $3  }
0x1: {  	(tag) =	ssettag $0x0;
	lr =	simm.s32 $0x1  }
0x2: {  	[smem:$0x3F9D] =	sst lr;
	_ =	strace $0xD0000000  }
0x3: {  	_ = 	snop  }
0x4: {  	_ = 	snop  }
0x5: {  	_ = 	snop  }
0x6: {  	_ = 	snop  }
0x7: {  	_ = 	snop  }
__scs_overlays_trampoline_lowered:
0x8: {  	[smem:$0x3FAC] =	sst s0  }
0x9: {  	[smem:$0x3FAD] =	sst s1  }
0xa: {  	[smem:$0x3FAE] =	sst s2  }
0xb: {  	[smem:$0x3FAF] =	sst s3  }
0xc: {  	[smem:$0x3FB0] =	sst s4  }
0xd: {  	[smem:$0x3FB1] =	sst s5  }
0xe: {  	[smem:$0x3FB2] =	sst s6  }
0xf: {  	[smem:$0x3FB3] =	sst s7  }
0x10: {  	[smem:$0x3FB4] =	sst s8  }
0x11: {  	[smem:$0x3FB5] =	sst s9;
	s0 =	simm.s32 @!p0 $0x0  }
0x12: {  	s1 =	sld [smem:$0x3F9B];
	s0 =	simm.s32 @p0 $0x1  }
0x13: {  	[smem:$0x3FB6] =	sst s0;
	s0 =	simm.s32 @!p1 $0x0  }
0x14: {  	s2 =	sld [smem:$0x3F9A];
	s0 =	simm.s32 @p1 $0x1  }
0x15: {  	[smem:$0x3FB7] =	sst s0;
	s0 =	simm.s32 @!p2 $0x0  }
0x16: {  	s3 =	sld [smem:$0x3FDB];
	s0 =	simm.s32 @p2 $0x1  }
0x17: {  	s4 =	simm.s32 $0x1BF5;
	[smem:$0x3FB9] =	sst s0  }
0x18: {  	s0 =	sld [smem:$0x3F9C];
	_ =	swait.ge [sflag:s4], $0x0  }
0x19: {  	s7 =	sld [smem:$0x3F9D]  }
0x1a: {  	s8 =	sadd.s32 $0xFFFFE003, lr  }
0x1b: {  	s9 =	sadd.s32 $0xFFFFFEF7, lr;
	s5 =	simm.s32 $0xFFFFFFFF;
	p2 =	slt.u32 s8, $0xFFFFF086  }
0x1c: {  	p1 =	slt.u32 s9, $0xF7A;
	s5 =	simm.s32 @!p2 $0x0  }
0x1d: {  	s5 =	simm.s32 @p1 $0x1;
	p0 =	seq.s32 s7, s2  }
0x1e: {  	s7 =	smul.u32 @!p0 $0xF7A, s2;
	p2 =	seq.s32 @!p0 s5, $0x0  }
0x1f: {  	s9 =	smul.u32 $0xF7A, s1;
	s8 =	simm.s32 @!p0 $0x1BF5;
	p2 =	por !p2, p0  }
0x20: {  	[sflag:s8] =	ssyncset.s32 @!p0 $0xFFFFF086;
	s6 =	sadd.s32 @!p0 s3, s7;
	s7 =	simm.s32 @!p0 $0x108  }
0x21: {  	s3 =	sadd.s32 s3, s9;
	s6 =	sadd.s32 @!p0 $0x88, s6;
	s7 =	simm.s32 @p2 $0x1082  }
0x22: {  	[simem:s7], [sflag:s8] =	dma.local @!p0 [hbm:s6], $0xF7A  }
0x23: {  	s9 =	sor.u32 $0xD0000000, s2;
	s6 =	simm.s32 $0x108;
	_ =	swait.ge @!p0 [sflag:s8], $0x0  }
0x24: {  	s3 =	sadd.s32 $0x88, s3;
	s6 =	simm.s32 @!p1 $0x1082;
	[sflag:s4] =	ssyncset.s32 $0xFFFFF086  }
0x25: {  	[simem:s6], [sflag:s4] =	dma.local [hbm:s3], $0xF7A  }
0x26: {  	[smem:$0x3F9D] =	sst s1;
	(tag) =	ssettag s2;
	_ =	strace s9  }
0x27: {  	s1 =	sld [smem:$0x3FAD]  }
0x28: {  	s2 =	sld [smem:$0x3FAE]  }
0x29: {  	s4 =	sld [smem:$0x3FB0]  }
0x2a: {  	p0 =	seq.s32 s5, $0x0;
	s5 =	sld [smem:$0x3FB1]  }
0x2b: {  	s6 =	sld [smem:$0x3FB2]  }
0x2c: {  	s7 =	sld [smem:$0x3FB3]  }
0x2d: {  	s3 =	simm.s32 $0x108;
	s8 =	sld [smem:$0x3FB4]  }
0x2e: {  	s3 =	simm.s32 @!p0 $0x1082;
	s9 =	sld [smem:$0x3FB5]  }
0x2f: {  	lr =	sadd.s32 s0, s3;
	s0 =	sld [smem:$0x3FAC]  }
0x30: {  	s3 =	sld [smem:$0x3FAF]  }
0x31: {  	[smem:$0x3FB8] =	sst s10  }
0x32: {  	s10 =	sld [smem:$0x3FB6];
	_ =	sdelay $0x3  }
0x33: {  	p0 =	seq.s32 s10, $0x1;
	s10 =	sld [smem:$0x3FB8];
	_ =	sdelay $0x3  }
0x34: {  	[smem:$0x3FB8] =	sst s10  }
0x35: {  	s10 =	sld [smem:$0x3FB7];
	_ =	sdelay $0x3  }
0x36: {  	p1 =	seq.s32 s10, $0x1;
	s10 =	sld [smem:$0x3FB8];
	_ =	sdelay $0x3  }
0x37: {  	[smem:$0x3FB8] =	sst s10  }
0x38: {  	s10 =	sld [smem:$0x3FB9]  }
0x39: {  	_ = 	snop;
	(pc) =	sbr.ind lr, $3  }
0x3a: {  	_ = 	snop  }
0x3b: {  	_ = 	snop  }
0x3c: {  	p2 =	seq.s32 s10, $0x1;
	s10 =	sld [smem:$0x3FB8]  }
0x3d: {  	_ =	shalt  }
0x3e: {  	_ =	shalt  }
0x3f: {  	_ =	shalt  }
0x40: {  	_ =	shalt  }
0x41: {  	_ =	shalt  }
0x42: {  	_ =	shalt  }
0x43: {  	_ =	shalt  }
0x44: {  	_ =	shalt  }
0x45: {  	_ =	shalt  }
0x46: {  	_ =	shalt  }
0x47: {  	_ =	shalt  }
0x48: {  	_ =	shalt  }
0x49: {  	_ =	shalt  }
0x4a: {  	_ =	shalt  }
0x4b: {  	_ =	shalt  }
0x4c: {  	_ =	shalt  }
0x4d: {  	_ =	shalt  }
0x4e: {  	_ =	shalt  }
0x4f: {  	_ =	shalt  }
0x50: {  	_ =	shalt  }
0x51: {  	_ =	shalt  }
0x52: {  	_ =	shalt  }
0x53: {  	_ =	shalt  }
0x54: {  	_ =	shalt  }
0x55: {  	_ =	shalt  }
0x56: {  	_ =	shalt  }
0x57: {  	_ =	shalt  }
0x58: {  	_ =	shalt  }
0x59: {  	_ =	shalt  }
0x5a: {  	_ =	shalt  }
0x5b: {  	_ =	shalt  }
0x5c: {  	_ =	shalt  }
0x5d: {  	_ =	shalt  }
0x5e: {  	_ =	shalt  }
0x5f: {  	_ =	shalt  }
0x60: {  	_ =	shalt  }
0x61: {  	_ =	shalt  }
0x62: {  	_ =	shalt  }
0x63: {  	_ =	shalt  }
0x64: {  	_ =	shalt  }
0x65: {  	_ =	shalt  }
0x66: {  	_ =	shalt  }
0x67: {  	_ =	shalt  }
0x68: {  	_ =	shalt  }
0x69: {  	_ =	shalt  }
0x6a: {  	_ =	shalt  }
0x6b: {  	_ =	shalt  }
0x6c: {  	_ =	shalt  }
0x6d: {  	_ =	shalt  }
0x6e: {  	_ =	shalt  }
0x6f: {  	_ =	shalt  }
0x70: {  	_ =	shalt  }
0x71: {  	_ =	shalt  }
0x72: {  	_ =	shalt  }
0x73: {  	_ =	shalt  }
0x74: {  	_ =	shalt  }
0x75: {  	_ =	shalt  }
0x76: {  	_ =	shalt  }
0x77: {  	_ =	shalt  }
0x78: {  	_ =	shalt  }
0x79: {  	_ =	shalt  }
0x7a: {  	_ =	shalt  }
0x7b: {  	_ =	shalt  }
0x7c: {  	_ =	shalt  }
0x7d: {  	_ =	shalt  }
0x7e: {  	_ =	shalt  }
0x7f: {  	_ =	shalt  }
0x80: {  	_ =	shalt  }
0x81: {  	_ =	shalt  }
0x82: {  	_ =	shalt  }
0x83: {  	_ =	shalt  }
0x84: {  	_ =	shalt  }
0x85: {  	_ =	shalt  }
0x86: {  	_ =	shalt  }
0x87: {  	_ =	shalt  }
.Lfunc_end0:
.L_simem_size_0:
called_computation_lowered:
.L_overlay_start_0:
0x88: {  	s2 =	sld [smem:$0x3FD9]  }
0x89: {  	s3 =	sld [smem:$0x3FFE];
	_ =	sdelay $0x1  }
0x8a: {  	s1 =	srdreg.scid  }
0x8b: {  	s0 =	sand.u32 $0x1, s1  }
0x8c: {  	s17 =	sshll.u32 s0, $0xA;
	s2 =	sadd.s32 s3, s2  }
0x8d: {  	s2 =	sadd.s32 s2, s17  }
0x8e: {  	[smem:$0x3FC4] =	sst s2  }
0x8f: {  	_ = 	snop  }
0x90: {  	s2 =	sld [smem:$0x3FD0];
	(tm) =	ssettm $0x1  }
0x91: {  	s18 =	sld [smem:$0x3FFB];
	_ =	sdelay $0x3  }
0x92: {  	_ =	strace s18  }
0x93: {  	s3 =	sld [smem:$0x3FFC];
	_ =	sdelay $0x3  }
0x94: {  	_ =	strace s3  }
0x95: {  	s3 =	sld [smem:$0x3FFD];
	_ =	sdelay $0x3  }
0x96: {  	_ =	strace s3  }
0x97: {  	_ =	strace $0x8FFFFFFF  }
0x98: {  	s19 =	sld [smem:$0x3FDB];
	_ =	sdelay $0x1  }
0x99: {  	s4 =	simm.s32 $_scs_section_size  }
0x9a: {  	s5 =	simm.s32 $_size__tile_overlayer_lowered;
	s6 =	simm.s32 $_tile_overlayer_lowered  }
0x9b: {  	s22 =	simm.s32 $0x1BFF;
	s21 =	sshll.u32 s6, $0x1;
	s3 =	sadd.s32 s4, s19  }
0x9c: {  	s7 =	simm.s32 $0x0;
	s20 =	sshll.u32 s5, $0x1;
	s5 =	sadd.s32 s21, s3  }
0x9d: {  	[timem:s7], [sflag:s22] =	dma.local [hbm:s5], s20  }
0x9e: {  	_ =	swait.ge [sflag:s22], s20  }
0x9f: {  	s4 =	ssub.s32 $0x0, s20;
	[sflag:s22] =	ssyncset.done $0x0  }
0xa0: {  	[sflag:s22] =	ssyncadd.s32 s4;
	_ =	sdelay $0x1  }
0xa1: {  	s23 =	simm.s32 $0x1B8B  }
0xa2: {  	_ =	swait.ge [sflag:s23], $0x1  }
0xa3: {  	[sflag:s23] =	ssyncset.done $0x0  }
0xa4: {  	s25 =	simm.s32 $0x1B8E;
	s24 =	sld [smem:$0x3FFE];
	[sflag:s23] =	ssyncadd.s32 $0xFFFFFFFF  }
0xa5: {  	s26 =	simm.s32 $execute0_lowered;
	[smem:$0x3FD2] =	sst s25  }
0xa6: {  	s5 =	sshll.u32 s26, $0x1;
	_ =	strace $0x80000046;
	[dreg:$0x1] =	wrdreg $0xFFFFFFFF  }
0xa7: {  	s28 =	simm.s32 $_size_execute0_lowered;
	s3 =	sadd.s32 s3, s5;
	[dreg:$0x0] =	wrdreg $0x0  }
0xa8: {  	s5 =	sshll.u32 s28, $0x1;
	[dreg:$0x2] =	wrdreg s3  }
0xa9: {  	[dreg:$0x3] =	wrdreg s5  }
0xaa: {  	[dreg:$0x4] =	wrdreg $0xC0  }
0xab: {  	_ =	task [dreg:s7], $0x5FFFF  }
0xac: {  	[dreg:$0x1] =	wrdreg $0xFFFFFFFF  }
0xad: {  	[dreg:$0x0] =	wrdreg $0x60  }
0xae: {  	[dreg:$0x2] =	wrdreg s24  }
0xaf: {  	[dreg:$0x3] =	wrdreg s2  }
0xb0: {  	[dreg:$0x4] =	wrdreg $0x9  }
0xb1: {  	_ =	task.clear_ibuf [dreg:s7], $0x5FFFF;
	_ =	strace $0x90000046  }
0xb2: {  	s29 =	simm.s32 $0x9;
	_ =	strace $0x80000048  }
0xb3: {  	_ =	swait.ge [sflag:s29], $0x1  }
0xb4: {  	[sflag:s29] =	ssyncadd.s32 $0xFFFFFFFF  }
0xb5: {  	_ =	strace $0x90000048  }
0xb6: {  	_ =	sfence  }
0xb7: {  	s30 =	sld [smem:$0x0];
	_ =	sdelay $0x2  }
0xb8: {  	s31 =	sshll.u32 s1, $0xD;
	s1 =	sshrl.u32 s1, $0x2  }
0xb9: {  	s3 =	sand.u32 $0x4000, s31;
	s1 =	sadd.s32 s1, s30  }
0xba: {  	s0 =	sor.u32 s3, s0;
	s1 =	sshll.u32 s1, $0x11  }
0xbb: {  	s0 =	sor.u32 s1, s0  }
0xbc: {  	s0 =	sadd.s32 $0x8F2B, s0  }
0xbd: {  	[sflag:s0] =	ssyncadd.remote.s32 $0x1  }
0xbe: {  	_ =	sfence.sel $0xFFFF  }
0xbf: {  	[dreg:$0x0] =	wrdreg $0xFFFFFFFF;
	(pc) =	sbr.abs _section_cstart, $3  }
0xc0: {  	[dreg:$0x1] =	wrdreg $0xFFFFFFFF  }
0xc1: {  	_ =	task.clear_ibuf [dreg:s7], $0x2FFFF;
	_ =	strace $0x9FFFFFFF  }
0xc2: {  	(tm) =	ssettm $0x7FFFFFFF  }
0xc3: {  	_ =	shalt  }
tec
execute0_lowered:
.L_overlay_start_1:
0x0: {  	(tag) =	ssettag $0x1  }
0x1: {  	s0 =	rddreg [dreg:$0x0]  }
0x2: {  	s1 =	rddreg [dreg:$0x1];
	s2 =	simm.s32 $0x0;
	s3 =	srdreg.scid  }
0x3: {  	s5 =	stileid.u32;
	s12 =	simm.s32 $0x1;
	s13 =	simm.s32 $0x80  }
0x4: {  	s14 =	simm.s32 $0x4000;
	s15 =	simm.s32 $0x6400;
	s16 =	simm.s32 $0xC800  }
0x5: {  	s30 =	simm.s32 $0x100;
	s31 =	simm.s32 $0x780;
	s11 =	simm.s32 $0x6480  }
0x6: {  	s7 =	simm.s32 $0x6680;
	s8 =	simm.s32 $0x6700;
	s17 =	simm.s32 $0x6780  }
0x7: {  	s9 =	simm.s32 $0x6800;
	s18 =	simm.s32 $0x6880;
	s10 =	simm.s32 $0x6900  }
0x8: {  	s19 =	simm.s32 $0x6980;
	s20 =	simm.s32 $0x6A00;
	s21 =	simm.s32 $0x6A80  }
0x9: {  	[smem:$0x7FF] =	sst s2;
	s4 =	sand.u32 $0x1, s3;
	s22 =	sshll.u32 s5, $0x1  }
0xa: {  	s3 =	sadd.s32 $0x64800, s0;
	_ =	strace $0x80000047;
	s5 =	sor.u32 s4, s22  }
0xb: {  	s4 =	ssub.s32 $0x2, s4;
	s22 =	simm.s32 $0x6B00;
	s6 =	sshll.u32 s5, $0x6  }
0xc: {  	s29 =	sshll.u32 s5, $0xA;
	s6 =	sadd.s32 s6, s0;
	s0 =	sadd.s32 $0x600, s0  }
0xd: {  	s23 =	sshrl.u32 s4, $0x1;
	s1 =	sadd.s32 s1, s29;
	[dreg:$0x3] =	wrdreg s0  }
0xe: {  	s5 =	simm.s32 $0x6580;
	s24 =	sadd.s32 $0x800, s6;
	[dreg:$0x8] =	wrdreg s1  }
0xf: {  	s0 =	ssub.s32 s4, s23;
	s25 =	sadd.s32 $0x810, s6;
	[dreg:$0x4] =	wrdreg s24  }
0x10: {  	s26 =	sadd.s32 $0x820, s6;
	s28 =	sadd.s32 $0x830, s6;
	[dreg:$0x5] =	wrdreg s25  }
0x11: {  	s1 =	simm.s32 $0xD000;
	s4 =	simm.s32 $0x6500;
	[dreg:$0x6] =	wrdreg s26  }
0x12: {  	s6 =	simm.s32 $0x6600;
	s23 =	simm.s32 $0x6B80;
	[dreg:$0x7] =	wrdreg s28  }
0x13: {  	s0 =	smax.u32 s0, $0x1;
	s24 =	simm.s32 $0xD800;
	s25 =	simm.s32 $0xE000  }
0x14: {  	v0 =	vimm.f32 $0.0e+00;
	s26 =	simm.s32 $0x0;
	[dreg:$0x9] =	wrdreg s0;
	s0 =	simm.s32 $0x2  }
.LBB2_1:
0x15: {  	s28 =	rddreg [dreg:$0x3];
	s29 =	simm.s32 $0xE800  }
0x16: {  	[tilespmem:s29], [sflag:$0x1] =	stream.linear.gather [hbm4b:s28+s2], $0x10, $0x38;
	[tilespmem:$0xE810] =	vst v63  }
0x17: {  	_ =	swait.ge [sflag:s12], $0x10  }
0x18: {  	[sflag:s12] =	ssyncset.done $0x0  }
0x19: {  	s28 =	simm.s32 $0xC840;
	[sflag:s12] =	ssyncadd.s32 $0xFFFFFFF0  }
0x1a: {  	[tilespmem:s28+$0xFFFFFFC0] =	vst v0  }
0x1b: {  	[tilespmem:s28+$0x30] =	vst v0  }
0x1c: {  	[tilespmem:s28+$0x20] =	vst v0  }
0x1d: {  	[tilespmem:s28+$0x10] =	vst v0  }
0x1e: {  	[tilespmem:s28+$0x0] =	vst v0  }
0x1f: {  	[tilespmem:s28+$0xFFFFFFF0] =	vst v0  }
0x20: {  	s29 =	simm.s32 $0x0;
	[tilespmem:s28+$0xFFFFFFE0] =	vst v0  }
.LBB2_2:
0x21: {  	s29 =	sadd.s32 $0x8, s29;
	[tilespmem:s28+$0xFFFFFFD0] =	vst v0;
	s28 =	sadd.s32 $0x80, s28  }
0x22: {  	[tilespmem:s28+$0xFFFFFFC0] =	vst v0;
	p0 =	slt.u32 s29, $0x1F8  }
0x23: {  	[tilespmem:s28+$0x30] =	vst v0  }
.Ltmp0:
0x24: {  	[tilespmem:s28+$0x20] =	vst v0;
	(pc) =	sbr.rel @p0 .LBB2_2-.Ltmp0, $4  }
0x25: {  	[tilespmem:s28+$0x10] =	vst v0  }
0x26: {  	[tilespmem:s28+$0x0] =	vst v0  }
0x27: {  	[tilespmem:s28+$0xFFFFFFF0] =	vst v0  }
0x28: {  	[tilespmem:s28+$0xFFFFFFE0] =	vst v0  }
0x29: {  	[tilespmem:s28+$0xFFFFFFD0] =	vst v0;
	s28 =	rddreg [dreg:$0x4]  }
0x2a: {  	[tilespmem:s2], [sflag:$0x1] =	stream.strided.gather [hbm4b:s28+s13], $0x6400, s14, s13, $0x38;
	[tilespmem:$0xE810] =	vst v63  }
0x2b: {  	_ =	swait.ge [sflag:s12], $0x6400  }
0x2c: {  	[sflag:s12] =	ssyncset.done $0x0  }
0x2d: {  	s28 =	rddreg [dreg:$0x5];
	[sflag:s12] =	ssyncadd.s32 $0xFFFF9C00  }
0x2e: {  	[tilespmem:s15], [sflag:$0x1] =	stream.strided.gather [hbm4b:s28+s13], $0x6400, s14, s13, $0x38;
	[tilespmem:$0xE810] =	vst v63  }
0x2f: {  	_ = 	snop  }
0x30: {  	[tilespmem:s16], [sflag:$0x2] =	stream.indirect.gather.add.f32 [hbm:s3], $0x10, s2, s13, $0xb8;
	[tilespmem:$0xE810] =	vst v63  }
0x31: {  	_ = 	snop  }
0x32: {  	[tilespmem:s16], [sflag:$0x2] =	stream.indirect.gather.add.f32 [hbm:s3], $0x10, s13, s13, $0xb8;
	[tilespmem:$0xE810] =	vst v63  }
0x33: {  	_ = 	snop  }
0x34: {  	[tilespmem:s16], [sflag:$0x2] =	stream.indirect.gather.add.f32 [hbm:s3], $0x10, s30, s13, $0xb8;
	[tilespmem:$0xE810] =	vst v63  }
0x35: {  	s28 =	simm.s32 $0x180  }
0x36: {  	[tilespmem:s16], [sflag:$0x2] =	stream.indirect.gather.add.f32 [hbm:s3], $0x10, s28, s13, $0xb8;
	[tilespmem:$0xE810] =	vst v63  }
0x37: {  	s28 =	simm.s32 $0x200  }
0x38: {  	[tilespmem:s16], [sflag:$0x2] =	stream.indirect.gather.add.f32 [hbm:s3], $0x10, s28, s13, $0xb8;
	[tilespmem:$0xE810] =	vst v63  }
0x39: {  	s28 =	simm.s32 $0x280  }
0x3a: {  	[tilespmem:s16], [sflag:$0x2] =	stream.indirect.gather.add.f32 [hbm:s3], $0x10, s28, s13, $0xb8;
	[tilespmem:$0xE810] =	vst v63  }
0x3b: {  	s28 =	simm.s32 $0x300  }
0x3c: {  	[tilespmem:s16], [sflag:$0x2] =	stream.indirect.gather.add.f32 [hbm:s3], $0x10, s28, s13, $0xb8;
	[tilespmem:$0xE810] =	vst v63  }
0x3d: {  	s28 =	simm.s32 $0x380  }
0x3e: {  	[tilespmem:s16], [sflag:$0x2] =	stream.indirect.gather.add.f32 [hbm:s3], $0x10, s28, s13, $0xb8;
	[tilespmem:$0xE810] =	vst v63  }
0x3f: {  	s28 =	simm.s32 $0x400  }
0x40: {  	[tilespmem:s16], [sflag:$0x2] =	stream.indirect.gather.add.f32 [hbm:s3], $0x10, s28, s13, $0xb8;
	[tilespmem:$0xE810] =	vst v63  }
0x41: {  	s28 =	simm.s32 $0x480  }
0x42: {  	[tilespmem:s16], [sflag:$0x2] =	stream.indirect.gather.add.f32 [hbm:s3], $0x10, s28, s13, $0xb8;
	[tilespmem:$0xE810] =	vst v63  }
0x43: {  	s28 =	simm.s32 $0x500  }
0x44: {  	[tilespmem:s16], [sflag:$0x2] =	stream.indirect.gather.add.f32 [hbm:s3], $0x10, s28, s13, $0xb8;
	[tilespmem:$0xE810] =	vst v63  }
0x45: {  	s28 =	simm.s32 $0x580  }
0x46: {  	[tilespmem:s16], [sflag:$0x2] =	stream.indirect.gather.add.f32 [hbm:s3], $0x10, s28, s13, $0xb8;
	[tilespmem:$0xE810] =	vst v63  }
0x47: {  	s28 =	simm.s32 $0x600  }
0x48: {  	[tilespmem:s16], [sflag:$0x2] =	stream.indirect.gather.add.f32 [hbm:s3], $0x10, s28, s13, $0xb8;
	[tilespmem:$0xE810] =	vst v63  }
0x49: {  	s28 =	simm.s32 $0x680  }
0x4a: {  	[tilespmem:s16], [sflag:$0x2] =	stream.indirect.gather.add.f32 [hbm:s3], $0x10, s28, s13, $0xb8;
	[tilespmem:$0xE810] =	vst v63  }
0x4b: {  	s28 =	simm.s32 $0x700  }
0x4c: {  	[tilespmem:s16], [sflag:$0x2] =	stream.indirect.gather.add.f32 [hbm:s3], $0x10, s28, s13, $0xb8;
	[tilespmem:$0xE810] =	vst v63  }
0x4d: {  	_ = 	snop  }
0x4e: {  	[tilespmem:s16], [sflag:$0x2] =	stream.indirect.gather.add.f32 [hbm:s3], $0x10, s31, s13, $0xb8;
	[tilespmem:$0xE810] =	vst v63  }
0x4f: {  	_ =	swait.ge [sflag:s0], $0x800  }
0x50: {  	[sflag:s0] =	ssyncset.done $0x0  }
0x51: {  	s29 =	simm.s32 $0x800;
	s28 =	simm.s32 $0x2200;
	[sflag:s0] =	ssyncadd.s32 $0xFFFFF800  }
.LBB2_4:
0x52: {  	[tilespmem:s16], [sflag:$0x2] =	stream.indirect.gather.add.f32 [hbm:s3], $0x10, s29, s13, $0xb8;
	[tilespmem:$0xE810] =	vst v63  }
0x53: {  	s29 =	smov.u32 s28;
	p0 =	sne.s32 s28, $0x18E00  }
.Ltmp1:
0x54: {  	s28 =	sadd.s32 $0x200, s28;
	(pc) =	sbr.rel @p0 .LBB2_4-.Ltmp1, $4  }
0x55: {  	_ = 	snop  }
0x56: {  	_ =	swait.ge [sflag:s0], $0x800  }
0x57: {  	[sflag:s0] =	ssyncset.done $0x0  }
0x58: {  	s29 =	sshra.s32 s29, $0x2;
	[sflag:s0] =	ssyncadd.s32 $0xFFFFF800  }
0x59: {  	[tilespmem:s16], [sflag:$0x2] =	stream.indirect.gather.add.f32 [hbm:s3], $0x10, s29, s13, $0xb8;
	[tilespmem:$0xE810] =	vst v63  }
0x5a: {  	_ =	swait.ge [sflag:s0], $0x800  }
0x5b: {  	[sflag:s0] =	ssyncset.done $0x0  }
0x5c: {  	[sflag:s0] =	ssyncadd.s32 $0xFFFFF800  }
0x5d: {  	_ =	swait.ge [sflag:s0], $0x800  }
0x5e: {  	[sflag:s0] =	ssyncset.done $0x0  }
0x5f: {  	[sflag:s0] =	ssyncadd.s32 $0xFFFFF800  }
0x60: {  	_ =	swait.ge [sflag:s0], $0x800  }
0x61: {  	[sflag:s0] =	ssyncset.done $0x0  }
0x62: {  	[sflag:s0] =	ssyncadd.s32 $0xFFFFF800  }
0x63: {  	_ =	swait.ge [sflag:s0], $0x800  }
0x64: {  	[sflag:s0] =	ssyncset.done $0x0  }
0x65: {  	[sflag:s0] =	ssyncadd.s32 $0xFFFFF800  }
0x66: {  	_ =	swait.ge [sflag:s0], $0x800  }
0x67: {  	[sflag:s0] =	ssyncset.done $0x0  }
0x68: {  	[sflag:s0] =	ssyncadd.s32 $0xFFFFF800  }
0x69: {  	_ =	swait.ge [sflag:s0], $0x800  }
0x6a: {  	[sflag:s0] =	ssyncset.done $0x0  }
0x6b: {  	[sflag:s0] =	ssyncadd.s32 $0xFFFFF800  }
0x6c: {  	_ =	swait.ge [sflag:s0], $0x800  }
0x6d: {  	[sflag:s0] =	ssyncset.done $0x0  }
0x6e: {  	[sflag:s0] =	ssyncadd.s32 $0xFFFFF800  }
0x6f: {  	_ =	swait.ge [sflag:s0], $0x800  }
0x70: {  	[sflag:s0] =	ssyncset.done $0x0  }
0x71: {  	[sflag:s0] =	ssyncadd.s32 $0xFFFFF800  }
0x72: {  	_ =	swait.ge [sflag:s0], $0x800  }
0x73: {  	[sflag:s0] =	ssyncset.done $0x0  }
0x74: {  	[sflag:s0] =	ssyncadd.s32 $0xFFFFF800  }
0x75: {  	_ =	swait.ge [sflag:s0], $0x800  }
0x76: {  	[sflag:s0] =	ssyncset.done $0x0  }
0x77: {  	[sflag:s0] =	ssyncadd.s32 $0xFFFFF800  }
0x78: {  	_ =	swait.ge [sflag:s0], $0x800  }
0x79: {  	[sflag:s0] =	ssyncset.done $0x0  }
0x7a: {  	[sflag:s0] =	ssyncadd.s32 $0xFFFFF800  }
0x7b: {  	_ =	swait.ge [sflag:s0], $0x800  }
0x7c: {  	[sflag:s0] =	ssyncset.done $0x0  }
0x7d: {  	[sflag:s0] =	ssyncadd.s32 $0xFFFFF800  }
0x7e: {  	_ =	swait.ge [sflag:s0], $0x800  }
0x7f: {  	[sflag:s0] =	ssyncset.done $0x0  }
0x80: {  	[sflag:s0] =	ssyncadd.s32 $0xFFFFF800  }
0x81: {  	_ =	swait.ge [sflag:s0], $0x800  }
0x82: {  	[sflag:s0] =	ssyncset.done $0x0  }
0x83: {  	[sflag:s0] =	ssyncadd.s32 $0xFFFFF800  }
0x84: {  	_ =	swait.ge [sflag:s0], $0x800  }
0x85: {  	[sflag:s0] =	ssyncset.done $0x0  }
0x86: {  	[sflag:s0] =	ssyncadd.s32 $0xFFFFF800  }
0x87: {  	_ =	swait.ge [sflag:s0], $0x800  }
0x88: {  	[sflag:s0] =	ssyncset.done $0x0  }
0x89: {  	[sflag:s0] =	ssyncadd.s32 $0xFFFFF800  }
0x8a: {  	_ =	swait.ge [sflag:s12], $0x6400  }
0x8b: {  	[sflag:s12] =	ssyncset.done $0x0  }
0x8c: {  	s28 =	simm.s32 $0x0;
	s29 =	rddreg [dreg:$0x6];
	[sflag:s12] =	ssyncadd.s32 $0xFFFF9C00  }
0x8d: {  	[tilespmem:s28], [sflag:$0x1] =	stream.strided.gather [hbm4b:s29+s13], $0x6400, s14, s13, $0x38;
	[tilespmem:$0xE810] =	vst v63  }
0x8e: {  	_ = 	snop  }
0x8f: {  	[tilespmem:s1], [sflag:$0x2] =	stream.indirect.gather.add.f32 [hbm:s3], $0x10, s15, s13, $0xb8;
	[tilespmem:$0xE810] =	vst v63  }
0x90: {  	_ = 	snop  }
0x91: {  	[tilespmem:s1], [sflag:$0x2] =	stream.indirect.gather.add.f32 [hbm:s3], $0x10, s11, s13, $0xb8;
	[tilespmem:$0xE810] =	vst v63  }
0x92: {  	_ = 	snop  }
0x93: {  	[tilespmem:s1], [sflag:$0x2] =	stream.indirect.gather.add.f32 [hbm:s3], $0x10, s4, s13, $0xb8;
	[tilespmem:$0xE810] =	vst v63  }
0x94: {  	_ = 	snop  }
0x95: {  	[tilespmem:s1], [sflag:$0x2] =	stream.indirect.gather.add.f32 [hbm:s3], $0x10, s5, s13, $0xb8;
	[tilespmem:$0xE810] =	vst v63  }
0x96: {  	_ = 	snop  }
0x97: {  	[tilespmem:s1], [sflag:$0x2] =	stream.indirect.gather.add.f32 [hbm:s3], $0x10, s6, s13, $0xb8;
	[tilespmem:$0xE810] =	vst v63  }
0x98: {  	_ = 	snop  }
0x99: {  	[tilespmem:s1], [sflag:$0x2] =	stream.indirect.gather.add.f32 [hbm:s3], $0x10, s7, s13, $0xb8;
	[tilespmem:$0xE810] =	vst v63  }
0x9a: {  	_ = 	snop  }
0x9b: {  	[tilespmem:s1], [sflag:$0x2] =	stream.indirect.gather.add.f32 [hbm:s3], $0x10, s8, s13, $0xb8;
	[tilespmem:$0xE810] =	vst v63  }
0x9c: {  	_ = 	snop  }
0x9d: {  	[tilespmem:s1], [sflag:$0x2] =	stream.indirect.gather.add.f32 [hbm:s3], $0x10, s17, s13, $0xb8;
	[tilespmem:$0xE810] =	vst v63  }
0x9e: {  	_ = 	snop  }
0x9f: {  	[tilespmem:s1], [sflag:$0x2] =	stream.indirect.gather.add.f32 [hbm:s3], $0x10, s9, s13, $0xb8;
	[tilespmem:$0xE810] =	vst v63  }
0xa0: {  	_ = 	snop  }
0xa1: {  	[tilespmem:s1], [sflag:$0x2] =	stream.indirect.gather.add.f32 [hbm:s3], $0x10, s18, s13, $0xb8;
	[tilespmem:$0xE810] =	vst v63  }
0xa2: {  	_ = 	snop  }
0xa3: {  	[tilespmem:s1], [sflag:$0x2] =	stream.indirect.gather.add.f32 [hbm:s3], $0x10, s10, s13, $0xb8;
	[tilespmem:$0xE810] =	vst v63  }
0xa4: {  	_ = 	snop  }
0xa5: {  	[tilespmem:s1], [sflag:$0x2] =	stream.indirect.gather.add.f32 [hbm:s3], $0x10, s19, s13, $0xb8;
	[tilespmem:$0xE810] =	vst v63  }
0xa6: {  	_ = 	snop  }
0xa7: {  	[tilespmem:s1], [sflag:$0x2] =	stream.indirect.gather.add.f32 [hbm:s3], $0x10, s20, s13, $0xb8;
	[tilespmem:$0xE810] =	vst v63  }
0xa8: {  	_ = 	snop  }
0xa9: {  	[tilespmem:s1], [sflag:$0x2] =	stream.indirect.gather.add.f32 [hbm:s3], $0x10, s21, s13, $0xb8;
	[tilespmem:$0xE810] =	vst v63  }
0xaa: {  	_ = 	snop  }
0xab: {  	[tilespmem:s1], [sflag:$0x2] =	stream.indirect.gather.add.f32 [hbm:s3], $0x10, s22, s13, $0xb8;
	[tilespmem:$0xE810] =	vst v63  }
0xac: {  	_ = 	snop  }
0xad: {  	[tilespmem:s1], [sflag:$0x2] =	stream.indirect.gather.add.f32 [hbm:s3], $0x10, s23, s13, $0xb8;
	[tilespmem:$0xE810] =	vst v63  }
0xae: {  	_ =	swait.ge [sflag:s0], $0x800  }
0xaf: {  	[sflag:s0] =	ssyncset.done $0x0  }
0xb0: {  	s28 =	simm.s32 $0x200;
	s29 =	simm.s32 $0x6C00;
	[sflag:s0] =	ssyncadd.s32 $0xFFFFF800  }
.LBB2_6:
0xb1: {  	[tilespmem:s1], [sflag:$0x2] =	stream.indirect.gather.add.f32 [hbm:s3], $0x10, s29, s13, $0xb8;
	[tilespmem:$0xE810] =	vst v63  }
0xb2: {  	s29 =	smov.u32 s28;
	p0 =	sne.s32 s28, $0x16E00  }
.Ltmp2:
0xb3: {  	s28 =	sadd.s32 $0x200, s28;
	(pc) =	sbr.rel @p0 .LBB2_6-.Ltmp2, $4  }
0xb4: {  	_ = 	snop  }
0xb5: {  	_ =	swait.ge [sflag:s0], $0x800  }
0xb6: {  	s29 =	sshra.s32 s29, $0x2;
	[sflag:s0] =	ssyncset.done $0x0  }
0xb7: {  	s29 =	sadd.s32 $0x6C00, s29;
	[sflag:s0] =	ssyncadd.s32 $0xFFFFF800  }
0xb8: {  	[tilespmem:s1], [sflag:$0x2] =	stream.indirect.gather.add.f32 [hbm:s3], $0x10, s29, s13, $0xb8;
	[tilespmem:$0xE810] =	vst v63  }
0xb9: {  	_ =	swait.ge [sflag:s0], $0x800  }
0xba: {  	[sflag:s0] =	ssyncset.done $0x0  }
0xbb: {  	[sflag:s0] =	ssyncadd.s32 $0xFFFFF800  }
0xbc: {  	_ =	swait.ge [sflag:s0], $0x800  }
0xbd: {  	[sflag:s0] =	ssyncset.done $0x0  }
0xbe: {  	[sflag:s0] =	ssyncadd.s32 $0xFFFFF800  }
0xbf: {  	_ =	swait.ge [sflag:s0], $0x800  }
0xc0: {  	[sflag:s0] =	ssyncset.done $0x0  }
0xc1: {  	[sflag:s0] =	ssyncadd.s32 $0xFFFFF800  }
0xc2: {  	_ =	swait.ge [sflag:s0], $0x800  }
0xc3: {  	[sflag:s0] =	ssyncset.done $0x0  }
0xc4: {  	[sflag:s0] =	ssyncadd.s32 $0xFFFFF800  }
0xc5: {  	_ =	swait.ge [sflag:s0], $0x800  }
0xc6: {  	[sflag:s0] =	ssyncset.done $0x0  }
0xc7: {  	[sflag:s0] =	ssyncadd.s32 $0xFFFFF800  }
0xc8: {  	_ =	swait.ge [sflag:s0], $0x800  }
0xc9: {  	[sflag:s0] =	ssyncset.done $0x0  }
0xca: {  	[sflag:s0] =	ssyncadd.s32 $0xFFFFF800  }
0xcb: {  	_ =	swait.ge [sflag:s0], $0x800  }
0xcc: {  	[sflag:s0] =	ssyncset.done $0x0  }
0xcd: {  	[sflag:s0] =	ssyncadd.s32 $0xFFFFF800  }
0xce: {  	_ =	swait.ge [sflag:s0], $0x800  }
0xcf: {  	[sflag:s0] =	ssyncset.done $0x0  }
0xd0: {  	[sflag:s0] =	ssyncadd.s32 $0xFFFFF800  }
0xd1: {  	_ =	swait.ge [sflag:s0], $0x800  }
0xd2: {  	[sflag:s0] =	ssyncset.done $0x0  }
0xd3: {  	[sflag:s0] =	ssyncadd.s32 $0xFFFFF800  }
0xd4: {  	_ =	swait.ge [sflag:s0], $0x800  }
0xd5: {  	[sflag:s0] =	ssyncset.done $0x0  }
0xd6: {  	[sflag:s0] =	ssyncadd.s32 $0xFFFFF800  }
0xd7: {  	_ =	swait.ge [sflag:s0], $0x800  }
0xd8: {  	[sflag:s0] =	ssyncset.done $0x0  }
0xd9: {  	[sflag:s0] =	ssyncadd.s32 $0xFFFFF800  }
0xda: {  	_ =	swait.ge [sflag:s0], $0x800  }
0xdb: {  	[sflag:s0] =	ssyncset.done $0x0  }
0xdc: {  	[sflag:s0] =	ssyncadd.s32 $0xFFFFF800  }
0xdd: {  	_ =	swait.ge [sflag:s0], $0x800  }
0xde: {  	[sflag:s0] =	ssyncset.done $0x0  }
0xdf: {  	[sflag:s0] =	ssyncadd.s32 $0xFFFFF800  }
0xe0: {  	_ =	swait.ge [sflag:s0], $0x800  }
0xe1: {  	[sflag:s0] =	ssyncset.done $0x0  }
0xe2: {  	[sflag:s0] =	ssyncadd.s32 $0xFFFFF800  }
0xe3: {  	_ =	swait.ge [sflag:s0], $0x800  }
0xe4: {  	[sflag:s0] =	ssyncset.done $0x0  }
0xe5: {  	[sflag:s0] =	ssyncadd.s32 $0xFFFFF800  }
0xe6: {  	_ =	swait.ge [sflag:s0], $0x800  }
0xe7: {  	[sflag:s0] =	ssyncset.done $0x0  }
0xe8: {  	[sflag:s0] =	ssyncadd.s32 $0xFFFFF800  }
0xe9: {  	_ =	swait.ge [sflag:s12], $0x6400  }
0xea: {  	[sflag:s12] =	ssyncset.done $0x0  }
0xeb: {  	s28 =	rddreg [dreg:$0x7];
	[sflag:s12] =	ssyncadd.s32 $0xFFFF9C00  }
0xec: {  	[tilespmem:s15], [sflag:$0x1] =	stream.strided.gather [hbm4b:s28+s13], $0x6400, s14, s13, $0x38;
	[tilespmem:$0xE810] =	vst v63  }
0xed: {  	_ = 	snop  }
0xee: {  	[tilespmem:s24], [sflag:$0x2] =	stream.indirect.gather.add.f32 [hbm:s3], $0x10, s2, s13, $0xb8;
	[tilespmem:$0xE810] =	vst v63  }
0xef: {  	_ = 	snop  }
0xf0: {  	[tilespmem:s24], [sflag:$0x2] =	stream.indirect.gather.add.f32 [hbm:s3], $0x10, s13, s13, $0xb8;
	[tilespmem:$0xE810] =	vst v63  }
0xf1: {  	_ = 	snop  }
0xf2: {  	[tilespmem:s24], [sflag:$0x2] =	stream.indirect.gather.add.f32 [hbm:s3], $0x10, s30, s13, $0xb8;
	[tilespmem:$0xE810] =	vst v63  }
0xf3: {  	s28 =	simm.s32 $0x180  }
0xf4: {  	[tilespmem:s24], [sflag:$0x2] =	stream.indirect.gather.add.f32 [hbm:s3], $0x10, s28, s13, $0xb8;
	[tilespmem:$0xE810] =	vst v63  }
0xf5: {  	s28 =	simm.s32 $0x200  }
0xf6: {  	[tilespmem:s24], [sflag:$0x2] =	stream.indirect.gather.add.f32 [hbm:s3], $0x10, s28, s13, $0xb8;
	[tilespmem:$0xE810] =	vst v63  }
0xf7: {  	s28 =	simm.s32 $0x280  }
0xf8: {  	[tilespmem:s24], [sflag:$0x2] =	stream.indirect.gather.add.f32 [hbm:s3], $0x10, s28, s13, $0xb8;
	[tilespmem:$0xE810] =	vst v63  }
0xf9: {  	s28 =	simm.s32 $0x300  }
0xfa: {  	[tilespmem:s24], [sflag:$0x2] =	stream.indirect.gather.add.f32 [hbm:s3], $0x10, s28, s13, $0xb8;
	[tilespmem:$0xE810] =	vst v63  }
0xfb: {  	s28 =	simm.s32 $0x380  }
0xfc: {  	[tilespmem:s24], [sflag:$0x2] =	stream.indirect.gather.add.f32 [hbm:s3], $0x10, s28, s13, $0xb8;
	[tilespmem:$0xE810] =	vst v63  }
0xfd: {  	s28 =	simm.s32 $0x400  }
0xfe: {  	[tilespmem:s24], [sflag:$0x2] =	stream.indirect.gather.add.f32 [hbm:s3], $0x10, s28, s13, $0xb8;
	[tilespmem:$0xE810] =	vst v63  }
0xff: {  	s28 =	simm.s32 $0x480  }
0x100: {  	[tilespmem:s24], [sflag:$0x2] =	stream.indirect.gather.add.f32 [hbm:s3], $0x10, s28, s13, $0xb8;
	[tilespmem:$0xE810] =	vst v63  }
0x101: {  	s28 =	simm.s32 $0x500  }
0x102: {  	[tilespmem:s24], [sflag:$0x2] =	stream.indirect.gather.add.f32 [hbm:s3], $0x10, s28, s13, $0xb8;
	[tilespmem:$0xE810] =	vst v63  }
0x103: {  	s28 =	simm.s32 $0x580  }
0x104: {  	[tilespmem:s24], [sflag:$0x2] =	stream.indirect.gather.add.f32 [hbm:s3], $0x10, s28, s13, $0xb8;
	[tilespmem:$0xE810] =	vst v63  }
0x105: {  	s28 =	simm.s32 $0x600  }
0x106: {  	[tilespmem:s24], [sflag:$0x2] =	stream.indirect.gather.add.f32 [hbm:s3], $0x10, s28, s13, $0xb8;
	[tilespmem:$0xE810] =	vst v63  }
0x107: {  	s28 =	simm.s32 $0x680  }
0x108: {  	[tilespmem:s24], [sflag:$0x2] =	stream.indirect.gather.add.f32 [hbm:s3], $0x10, s28, s13, $0xb8;
	[tilespmem:$0xE810] =	vst v63  }
0x109: {  	s28 =	simm.s32 $0x700  }
0x10a: {  	[tilespmem:s24], [sflag:$0x2] =	stream.indirect.gather.add.f32 [hbm:s3], $0x10, s28, s13, $0xb8;
	[tilespmem:$0xE810] =	vst v63  }
0x10b: {  	_ = 	snop  }
0x10c: {  	[tilespmem:s24], [sflag:$0x2] =	stream.indirect.gather.add.f32 [hbm:s3], $0x10, s31, s13, $0xb8;
	[tilespmem:$0xE810] =	vst v63  }
0x10d: {  	_ =	swait.ge [sflag:s0], $0x800  }
0x10e: {  	[sflag:s0] =	ssyncset.done $0x0  }
0x10f: {  	s29 =	simm.s32 $0x800;
	s28 =	simm.s32 $0x2200;
	[sflag:s0] =	ssyncadd.s32 $0xFFFFF800  }
.LBB2_8:
0x110: {  	[tilespmem:s24], [sflag:$0x2] =	stream.indirect.gather.add.f32 [hbm:s3], $0x10, s29, s13, $0xb8;
	[tilespmem:$0xE810] =	vst v63  }
0x111: {  	s29 =	smov.u32 s28;
	p0 =	sne.s32 s28, $0x18E00  }
.Ltmp3:
0x112: {  	s28 =	sadd.s32 $0x200, s28;
	(pc) =	sbr.rel @p0 .LBB2_8-.Ltmp3, $4  }
0x113: {  	_ = 	snop  }
0x114: {  	_ =	swait.ge [sflag:s0], $0x800  }
0x115: {  	[sflag:s0] =	ssyncset.done $0x0  }
0x116: {  	s29 =	sshra.s32 s29, $0x2;
	[sflag:s0] =	ssyncadd.s32 $0xFFFFF800  }
0x117: {  	[tilespmem:s24], [sflag:$0x2] =	stream.indirect.gather.add.f32 [hbm:s3], $0x10, s29, s13, $0xb8;
	[tilespmem:$0xE810] =	vst v63  }
0x118: {  	_ =	swait.ge [sflag:s0], $0x800  }
0x119: {  	[sflag:s0] =	ssyncset.done $0x0  }
0x11a: {  	[sflag:s0] =	ssyncadd.s32 $0xFFFFF800  }
0x11b: {  	_ =	swait.ge [sflag:s0], $0x800  }
0x11c: {  	[sflag:s0] =	ssyncset.done $0x0  }
0x11d: {  	[sflag:s0] =	ssyncadd.s32 $0xFFFFF800  }
0x11e: {  	_ =	swait.ge [sflag:s0], $0x800  }
0x11f: {  	[sflag:s0] =	ssyncset.done $0x0  }
0x120: {  	[sflag:s0] =	ssyncadd.s32 $0xFFFFF800  }
0x121: {  	_ =	swait.ge [sflag:s0], $0x800  }
0x122: {  	[sflag:s0] =	ssyncset.done $0x0  }
0x123: {  	[sflag:s0] =	ssyncadd.s32 $0xFFFFF800  }
0x124: {  	_ =	swait.ge [sflag:s0], $0x800  }
0x125: {  	[sflag:s0] =	ssyncset.done $0x0  }
0x126: {  	[sflag:s0] =	ssyncadd.s32 $0xFFFFF800  }
0x127: {  	_ =	swait.ge [sflag:s0], $0x800  }
0x128: {  	[sflag:s0] =	ssyncset.done $0x0  }
0x129: {  	[sflag:s0] =	ssyncadd.s32 $0xFFFFF800  }
0x12a: {  	_ =	swait.ge [sflag:s0], $0x800  }
0x12b: {  	[sflag:s0] =	ssyncset.done $0x0  }
0x12c: {  	[sflag:s0] =	ssyncadd.s32 $0xFFFFF800  }
0x12d: {  	_ =	swait.ge [sflag:s0], $0x800  }
0x12e: {  	[sflag:s0] =	ssyncset.done $0x0  }
0x12f: {  	[sflag:s0] =	ssyncadd.s32 $0xFFFFF800  }
0x130: {  	_ =	swait.ge [sflag:s0], $0x800  }
0x131: {  	[sflag:s0] =	ssyncset.done $0x0  }
0x132: {  	[sflag:s0] =	ssyncadd.s32 $0xFFFFF800  }
0x133: {  	_ =	swait.ge [sflag:s0], $0x800  }
0x134: {  	[sflag:s0] =	ssyncset.done $0x0  }
0x135: {  	[sflag:s0] =	ssyncadd.s32 $0xFFFFF800  }
0x136: {  	_ =	swait.ge [sflag:s0], $0x800  }
0x137: {  	[sflag:s0] =	ssyncset.done $0x0  }
0x138: {  	[sflag:s0] =	ssyncadd.s32 $0xFFFFF800  }
0x139: {  	_ =	swait.ge [sflag:s0], $0x800  }
0x13a: {  	[sflag:s0] =	ssyncset.done $0x0  }
0x13b: {  	[sflag:s0] =	ssyncadd.s32 $0xFFFFF800  }
0x13c: {  	_ =	swait.ge [sflag:s0], $0x800  }
0x13d: {  	[sflag:s0] =	ssyncset.done $0x0  }
0x13e: {  	[sflag:s0] =	ssyncadd.s32 $0xFFFFF800  }
0x13f: {  	_ =	swait.ge [sflag:s0], $0x800  }
0x140: {  	[sflag:s0] =	ssyncset.done $0x0  }
0x141: {  	[sflag:s0] =	ssyncadd.s32 $0xFFFFF800  }
0x142: {  	_ =	swait.ge [sflag:s0], $0x800  }
0x143: {  	[sflag:s0] =	ssyncset.done $0x0  }
0x144: {  	[sflag:s0] =	ssyncadd.s32 $0xFFFFF800  }
0x145: {  	_ =	swait.ge [sflag:s0], $0x800  }
0x146: {  	[sflag:s0] =	ssyncset.done $0x0  }
0x147: {  	[sflag:s0] =	ssyncadd.s32 $0xFFFFF800  }
0x148: {  	_ =	swait.ge [sflag:s12], $0x6400  }
0x149: {  	[sflag:s12] =	ssyncset.done $0x0  }
0x14a: {  	[sflag:s12] =	ssyncadd.s32 $0xFFFF9C00  }
0x14b: {  	[tilespmem:s25], [sflag:$0x2] =	stream.indirect.gather.add.f32 [hbm:s3], $0x10, s15, s13, $0xb8;
	[tilespmem:$0xE810] =	vst v63  }
0x14c: {  	_ = 	snop  }
0x14d: {  	[tilespmem:s25], [sflag:$0x2] =	stream.indirect.gather.add.f32 [hbm:s3], $0x10, s11, s13, $0xb8;
	[tilespmem:$0xE810] =	vst v63  }
0x14e: {  	_ = 	snop  }
0x14f: {  	[tilespmem:s25], [sflag:$0x2] =	stream.indirect.gather.add.f32 [hbm:s3], $0x10, s4, s13, $0xb8;
	[tilespmem:$0xE810] =	vst v63  }
0x150: {  	_ = 	snop  }
0x151: {  	[tilespmem:s25], [sflag:$0x2] =	stream.indirect.gather.add.f32 [hbm:s3], $0x10, s5, s13, $0xb8;
	[tilespmem:$0xE810] =	vst v63  }
0x152: {  	_ = 	snop  }
0x153: {  	[tilespmem:s25], [sflag:$0x2] =	stream.indirect.gather.add.f32 [hbm:s3], $0x10, s6, s13, $0xb8;
	[tilespmem:$0xE810] =	vst v63  }
0x154: {  	_ = 	snop  }
0x155: {  	[tilespmem:s25], [sflag:$0x2] =	stream.indirect.gather.add.f32 [hbm:s3], $0x10, s7, s13, $0xb8;
	[tilespmem:$0xE810] =	vst v63  }
0x156: {  	_ = 	snop  }
0x157: {  	[tilespmem:s25], [sflag:$0x2] =	stream.indirect.gather.add.f32 [hbm:s3], $0x10, s8, s13, $0xb8;
	[tilespmem:$0xE810] =	vst v63  }
0x158: {  	_ = 	snop  }
0x159: {  	[tilespmem:s25], [sflag:$0x2] =	stream.indirect.gather.add.f32 [hbm:s3], $0x10, s17, s13, $0xb8;
	[tilespmem:$0xE810] =	vst v63  }
0x15a: {  	_ = 	snop  }
0x15b: {  	[tilespmem:s25], [sflag:$0x2] =	stream.indirect.gather.add.f32 [hbm:s3], $0x10, s9, s13, $0xb8;
	[tilespmem:$0xE810] =	vst v63  }
0x15c: {  	_ = 	snop  }
0x15d: {  	[tilespmem:s25], [sflag:$0x2] =	stream.indirect.gather.add.f32 [hbm:s3], $0x10, s18, s13, $0xb8;
	[tilespmem:$0xE810] =	vst v63  }
0x15e: {  	_ = 	snop  }
0x15f: {  	[tilespmem:s25], [sflag:$0x2] =	stream.indirect.gather.add.f32 [hbm:s3], $0x10, s10, s13, $0xb8;
	[tilespmem:$0xE810] =	vst v63  }
0x160: {  	_ = 	snop  }
0x161: {  	[tilespmem:s25], [sflag:$0x2] =	stream.indirect.gather.add.f32 [hbm:s3], $0x10, s19, s13, $0xb8;
	[tilespmem:$0xE810] =	vst v63  }
0x162: {  	_ = 	snop  }
0x163: {  	[tilespmem:s25], [sflag:$0x2] =	stream.indirect.gather.add.f32 [hbm:s3], $0x10, s20, s13, $0xb8;
	[tilespmem:$0xE810] =	vst v63  }
0x164: {  	_ = 	snop  }
0x165: {  	[tilespmem:s25], [sflag:$0x2] =	stream.indirect.gather.add.f32 [hbm:s3], $0x10, s21, s13, $0xb8;
	[tilespmem:$0xE810] =	vst v63  }
0x166: {  	_ = 	snop  }
0x167: {  	[tilespmem:s25], [sflag:$0x2] =	stream.indirect.gather.add.f32 [hbm:s3], $0x10, s22, s13, $0xb8;
	[tilespmem:$0xE810] =	vst v63  }
0x168: {  	_ = 	snop  }
0x169: {  	[tilespmem:s25], [sflag:$0x2] =	stream.indirect.gather.add.f32 [hbm:s3], $0x10, s23, s13, $0xb8;
	[tilespmem:$0xE810] =	vst v63  }
0x16a: {  	_ =	swait.ge [sflag:s0], $0x800  }
0x16b: {  	[sflag:s0] =	ssyncset.done $0x0  }
0x16c: {  	s28 =	simm.s32 $0x200;
	s29 =	simm.s32 $0x6C00;
	[sflag:s0] =	ssyncadd.s32 $0xFFFFF800  }
.LBB2_10:
0x16d: {  	[tilespmem:s25], [sflag:$0x2] =	stream.indirect.gather.add.f32 [hbm:s3], $0x10, s29, s13, $0xb8;
	[tilespmem:$0xE810] =	vst v63  }
0x16e: {  	s29 =	smov.u32 s28;
	p0 =	sne.s32 s28, $0x16E00  }
.Ltmp4:
0x16f: {  	s28 =	sadd.s32 $0x200, s28;
	(pc) =	sbr.rel @p0 .LBB2_10-.Ltmp4, $4  }
0x170: {  	_ = 	snop  }
0x171: {  	_ =	swait.ge [sflag:s0], $0x800  }
0x172: {  	s29 =	sshra.s32 s29, $0x2;
	[sflag:s0] =	ssyncset.done $0x0  }
0x173: {  	s29 =	sadd.s32 $0x6C00, s29;
	[sflag:s0] =	ssyncadd.s32 $0xFFFFF800  }
0x174: {  	[tilespmem:s25], [sflag:$0x2] =	stream.indirect.gather.add.f32 [hbm:s3], $0x10, s29, s13, $0xb8;
	[tilespmem:$0xE810] =	vst v63  }
0x175: {  	_ =	swait.ge [sflag:s0], $0x800  }
0x176: {  	[sflag:s0] =	ssyncset.done $0x0  }
0x177: {  	[sflag:s0] =	ssyncadd.s32 $0xFFFFF800  }
0x178: {  	_ =	swait.ge [sflag:s0], $0x800  }
0x179: {  	[sflag:s0] =	ssyncset.done $0x0  }
0x17a: {  	[sflag:s0] =	ssyncadd.s32 $0xFFFFF800  }
0x17b: {  	_ =	swait.ge [sflag:s0], $0x800  }
0x17c: {  	[sflag:s0] =	ssyncset.done $0x0  }
0x17d: {  	[sflag:s0] =	ssyncadd.s32 $0xFFFFF800  }
0x17e: {  	_ =	swait.ge [sflag:s0], $0x800  }
0x17f: {  	[sflag:s0] =	ssyncset.done $0x0  }
0x180: {  	[sflag:s0] =	ssyncadd.s32 $0xFFFFF800  }
0x181: {  	_ =	swait.ge [sflag:s0], $0x800  }
0x182: {  	[sflag:s0] =	ssyncset.done $0x0  }
0x183: {  	[sflag:s0] =	ssyncadd.s32 $0xFFFFF800  }
0x184: {  	_ =	swait.ge [sflag:s0], $0x800  }
0x185: {  	[sflag:s0] =	ssyncset.done $0x0  }
0x186: {  	[sflag:s0] =	ssyncadd.s32 $0xFFFFF800  }
0x187: {  	_ =	swait.ge [sflag:s0], $0x800  }
0x188: {  	[sflag:s0] =	ssyncset.done $0x0  }
0x189: {  	[sflag:s0] =	ssyncadd.s32 $0xFFFFF800  }
0x18a: {  	_ =	swait.ge [sflag:s0], $0x800  }
0x18b: {  	[sflag:s0] =	ssyncset.done $0x0  }
0x18c: {  	[sflag:s0] =	ssyncadd.s32 $0xFFFFF800  }
0x18d: {  	_ =	swait.ge [sflag:s0], $0x800  }
0x18e: {  	[sflag:s0] =	ssyncset.done $0x0  }
0x18f: {  	[sflag:s0] =	ssyncadd.s32 $0xFFFFF800  }
0x190: {  	_ =	swait.ge [sflag:s0], $0x800  }
0x191: {  	[sflag:s0] =	ssyncset.done $0x0  }
0x192: {  	[sflag:s0] =	ssyncadd.s32 $0xFFFFF800  }
0x193: {  	_ =	swait.ge [sflag:s0], $0x800  }
0x194: {  	[sflag:s0] =	ssyncset.done $0x0  }
0x195: {  	[sflag:s0] =	ssyncadd.s32 $0xFFFFF800  }
0x196: {  	_ =	swait.ge [sflag:s0], $0x800  }
0x197: {  	[sflag:s0] =	ssyncset.done $0x0  }
0x198: {  	[sflag:s0] =	ssyncadd.s32 $0xFFFFF800  }
0x199: {  	_ =	swait.ge [sflag:s0], $0x800  }
0x19a: {  	[sflag:s0] =	ssyncset.done $0x0  }
0x19b: {  	[sflag:s0] =	ssyncadd.s32 $0xFFFFF800  }
0x19c: {  	_ =	swait.ge [sflag:s0], $0x800  }
0x19d: {  	[sflag:s0] =	ssyncset.done $0x0  }
0x19e: {  	[sflag:s0] =	ssyncadd.s32 $0xFFFFF800  }
0x19f: {  	_ =	swait.ge [sflag:s0], $0x800  }
0x1a0: {  	[sflag:s0] =	ssyncset.done $0x0  }
0x1a1: {  	[sflag:s0] =	ssyncadd.s32 $0xFFFFF800  }
0x1a2: {  	_ =	swait.ge [sflag:s0], $0x800  }
0x1a3: {  	[sflag:s0] =	ssyncset.done $0x0  }
0x1a4: {  	[sflag:s0] =	ssyncadd.s32 $0xFFFFF800  }
0x1a5: {  	s28 =	simm.s32 $0xC840;
	v1 =	vld [tilespmem:$0xE800]  }
0x1a6: {  	v3 =	vld [tilespmem:s28+$0xFFFFFFC0];
	_ =	sdelay $0x1  }
0x1a7: {  	v6 =	vld [tilespmem:s28+$0xFFFFFFD0]  }
0x1a8: {  	v8 =	vld [tilespmem:s28+$0xFFFFFFE0]  }
0x1a9: {  	v4 =	vld [tilespmem:s28+$0x0]  }
0x1aa: {  	v2 =	vld [tilespmem:s28+$0x10];
	v7 =	vadd.f32 v3, v1  }
0x1ab: {  	v5 =	vld [tilespmem:s28+$0x20]  }
0x1ac: {  	v3 =	vld [tilespmem:s28+$0x30];
	[tilespmem:s28+$0xFFFFFFC0] =	vst v7;
	v7 =	vadd.f32 v6, v1  }
0x1ad: {  	s29 =	simm.s32 $0x0;
	s30 =	simm.s32 $0xC8C0;
	v8 =	vadd.f32 v8, v1;
	v6 =	vld [tilespmem:s28+$0xFFFFFFF0]  }
.LBB2_12:
0x1ae: {  	v9 =	vld [tilespmem:s30+$0xFFFFFFC0];
	[tilespmem:s28+$0xFFFFFFD0] =	vst v7;
	v4 =	vadd.f32 v4, v1  }
0x1af: {  	s29 =	sadd.s32 $0x8, s29;
	v7 =	vld [tilespmem:s30+$0xFFFFFFD0];
	[tilespmem:s28+$0xFFFFFFE0] =	vst v8;
	v2 =	vadd.f32 v2, v1  }
0x1b0: {  	p0 =	slt.u32 s29, $0x1F8;
	v8 =	vld [tilespmem:s30+$0xFFFFFFE0];
	[tilespmem:s28+$0x0] =	vst v4;
	v5 =	vadd.f32 v5, v1  }
.Ltmp5:
0x1b1: {  	v4 =	vld [tilespmem:s30+$0x0];
	[tilespmem:s28+$0x10] =	vst v2;
	v3 =	vadd.f32 v3, v1;
	(pc) =	sbr.rel @p0 .LBB2_12-.Ltmp5, $4  }
0x1b2: {  	v2 =	vld [tilespmem:s30+$0x10];
	v6 =	vadd.f32 v6, v1;
	[tilespmem:s28+$0x20] =	vst v5  }
0x1b3: {  	v9 =	vadd.f32 v9, v1;
	v5 =	vld [tilespmem:s30+$0x20];
	[tilespmem:s28+$0x30] =	vst v3  }
0x1b4: {  	v7 =	vadd.f32 v7, v1;
	v3 =	vld [tilespmem:s30+$0x30];
	[tilespmem:s28+$0xFFFFFFF0] =	vst v6;
	s28 =	smov.u32 s30  }
0x1b5: {  	s30 =	sadd.s32 $0x80, s30;
	[tilespmem:s28+$0xFFFFFFC0] =	vst v9;
	v8 =	vadd.f32 v8, v1;
	v6 =	vld [tilespmem:s28+$0xFFFFFFF0]  }
0x1b6: {  	[tilespmem:s28+$0xFFFFFFD0] =	vst v7;
	v4 =	vadd.f32 v4, v1  }
0x1b7: {  	[tilespmem:s28+$0xFFFFFFE0] =	vst v8;
	v2 =	vadd.f32 v2, v1  }
0x1b8: {  	[tilespmem:s28+$0x0] =	vst v4;
	v63 =	vadd.f32 v5, v1  }
0x1b9: {  	[tilespmem:s28+$0x10] =	vst v2;
	v2 =	vadd.f32 v3, v1  }
0x1ba: {  	v1 =	vadd.f32 v6, v1;
	[tilespmem:s28+$0x20] =	vst v63  }
0x1bb: {  	[tilespmem:s28+$0x30] =	vst v2  }
0x1bc: {  	s29 =	rddreg [dreg:$0x8];
	[tilespmem:s28+$0xFFFFFFF0] =	vst v1  }
0x1bd: {  	[hbm4b:s29+s2] =	stream.linear.scatter [tilespmem:s16], [sflag:$0x1], $0x2000, $0x38;
	[tilespmem:$0xE810] =	vst v63  }
0x1be: {  	_ =	swait.ge [sflag:s12], $0x2000  }
0x1bf: {  	s26 =	sadd.s32 $0x1, s26;
	s29 =	rddreg [dreg:$0x9]  }
0x1c0: {  	p0 =	sne.s32 s26, s29  }
.Ltmp6:
0x1c1: {  	_ = 	snop;
	(pc) =	sbr.rel @p0 .LBB2_1-.Ltmp6, $3  }
0x1c2: {  	_ =	sdelay $0x1  }
0x1c3: {  	[sflag:s12] =	ssyncset.done $0x0  }
0x1c4: {  	s30 =	simm.s32 $0x100;
	[sflag:s12] =	ssyncadd.s32 $0xFFFFE000  }
0x1c5: {  	_ =	sfence.sel $0x180000  }
0x1c6: {  	[bflag:$0x0] =	sbarrier.arrive $0xFFFF  }
0x1c7: {  	_ =	strace $0x90000047  }
0x1c8: {  	s0 =	stileid.u32;
	[bflag:$0x2] =	sbarrier.arrive $0xFFFF  }
0x1c9: {  	p0 =	sne.s32 s0, $0x0;
	s0 =	rddreg [dreg:$0x2]  }
0x1ca: {  	s0 =	sadd.s32 @!p0 $0x100000, s0  }
0x1cb: {  	[sflag:s0] =	ssyncadd.tile.s32 @!p0 $0x1;
	_ =	shalt  }
.Lfunc_end2:
_tile_overlayer_lowered:
.L_overlay_start_2:
0x1cc: {  	(tag) =	ssettag $0x2  }
0x1cd: {  	s0 =	rddreg [dreg:$0x0];
	s2 =	stileid.u32  }
0x1ce: {  	s1 =	rddreg [dreg:$0x1];
	p0 =	sne.s32 s2, $0x0  }
0x1cf: {  	s3 =	rddreg [dreg:$0x2];
	[bflag:$0x3] =	sbarrier.arrive $0xFFFF;
	s2 =	simm.s32 @!p0 $0x1C03  }
0x1d0: {  	[timem:s3], [sflag:s2] =	dma.local @!p0 [hbm:s0], s1  }
0x1d1: {  	s0 =	simm.s32 @!p0 $0x3  }
0x1d2: {  	_ =	swait.ge @!p0 [sflag:s0], s1  }
0x1d3: {  	s1 =	ssub.s32 @!p0 $0x0, s1;
	[sflag:s0] =	ssyncset.done @!p0 $0x0  }
0x1d4: {  	[sflag:s0] =	ssyncadd.s32 @!p0 s1  }
0x1d5: {  	[bflag:$0x3] =	sbarrier.arrive $0xFFFF  }
0x1d6: {  	_ =	shalt  }

</sc_bundles>
